<compile_context>
chip_gen: v7x
topology: tpu7x:2x2x1
jax: 0.10.2.dev20260603
libtpu: 0.0.44.dev20260713+nightly
codegen_flags: <defaults>
</compile_context>

<pallas_src>
import math

import jax
import jax.numpy as jnp
from jax import lax
from jax.experimental import pallas as pl
from jax.experimental.pallas import tpu as pltpu
from jax.experimental.pallas import tpu_sc as plsc

_EMB = 32
_SCALE = float(math.sqrt(_EMB))

_NC = 2
_NS = 16
_NW = _NC * _NS

_BATCH = 16384
_SEQ = 50
_BT = _BATCH // 128
_BT_PER_W = _BT // _NW
_ROWS_PER_W = 128 * _BT_PER_W
_CHUNKS = _BT_PER_W * _SEQ
_NBUF = 4
_T = _CHUNKS // _NBUF


def _body(tok_hbm, table_hbm, out_hbm, idx_all, *bufs):
    rows = bufs[:_NBUF]
    obuf = bufs[_NBUF:2 * _NBUF]
    gsem = bufs[2 * _NBUF:3 * _NBUF]
    ssem = bufs[3 * _NBUF:4 * _NBUF]

    wid = lax.axis_index("s") * _NC + lax.axis_index("c")
    pltpu.sync_copy(
        tok_hbm.at[:, pl.ds(wid * _ROWS_PER_W, _ROWS_PER_W)], idx_all)

    iota = jnp.arange(16, dtype=jnp.int32)

    def idx_slice(g):
        btl = g // _SEQ
        s_ = g % _SEQ
        return idx_all.at[s_, pl.ds(btl * 128, 128)]

    def start_gather(g, b):
        pltpu.async_copy(table_hbm.at[idx_slice(g)], rows[b], gsem[b])

    for b in range(_NBUF):
        start_gather(b, b)

    def outer(t, carry):
        for b in range(_NBUF):
            g = t * _NBUF + b
            pltpu.make_async_copy(
                table_hbm.at[idx_slice(g)], rows[b], gsem[b]).wait()

            @pl.when(t > 0)
            def _wait_store():
                pltpu.make_async_copy(
                    obuf[b].at[:, :, pl.ds(0, 128)],
                    out_hbm.at[0, pl.ds(0, 4), 0], ssem[b]).wait()

            egid = lax.shift_right_logical(iota, 3)
            e8id = lax.bitwise_and(iota, 7)

            def tsc(j, c2):
                base = j * 8
                for k in range(8):
                    r = base + k
                    rid = jnp.full((16,), 0, jnp.int32) + r
                    v0 = rows[b][r, pl.ds(0, 16)] * _SCALE
                    plsc.store_scatter(obuf[b], [egid, e8id, rid], v0)
                    v1 = rows[b][r, pl.ds(16, 16)] * _SCALE
                    plsc.store_scatter(obuf[b], [egid + 2, e8id, rid], v1)
                return c2

            lax.fori_loop(0, 16, tsc, 0)

            btl = g // _SEQ
            s_ = g % _SEQ
            btg = wid * _BT_PER_W + btl
            pltpu.async_copy(
                obuf[b].at[:, :, pl.ds(0, 128)],
                out_hbm.at[s_, pl.ds(0, 4), btg], ssem[b])

            @pl.when(g + _NBUF < _CHUNKS)
            def _next():
                start_gather(g + _NBUF, b)
        return carry

    lax.fori_loop(0, _T, outer, 0)

    for b in range(_NBUF):
        pltpu.make_async_copy(
            obuf[b].at[:, :, pl.ds(0, 128)],
            out_hbm.at[0, pl.ds(0, 4), 0], ssem[b]).wait()


def kernel(tokens, table):
    tok_t = jnp.swapaxes(tokens, 0, 1)
    mesh = plsc.VectorSubcoreMesh(
        core_axis_name="c", subcore_axis_name="s",
        num_cores=_NC, num_subcores=_NS,
    )
    out5 = pl.kernel(
        _body,
        out_type=jax.ShapeDtypeStruct((_SEQ, 4, _BT, 8, 128), jnp.float32),
        mesh=mesh,
        compiler_params=pltpu.CompilerParams(
            use_tc_tiling_on_sc=False, needs_layout_passes=False),
        scratch_types=(
            [pltpu.VMEM((_SEQ, _ROWS_PER_W), jnp.int32)]
            + [pltpu.VMEM((128, _EMB), jnp.float32)] * _NBUF
            + [pltpu.VMEM((4, 8, 144), jnp.float32)] * _NBUF
            + [pltpu.SemaphoreType.DMA] * (2 * _NBUF)
        ),
    )(tok_t, table)
    return out5.transpose(2, 4, 0, 1, 3).reshape(_BATCH, _SEQ, _EMB)

# --- scband reference (transcript-rebuilt; emitter-appended) ---
"""Pipeline reference for scband-token-embedding-11905649344637 (READ-ONLY COPY).

The authoritative reference and input builder live on the scoring server;
editing this copy changes nothing except your own understanding.
"""

import jax, jax.numpy as jnp
import numpy as np
import math

VOCAB = 1000000
EMB = 32

def setup_inputs(seed: int = 0) -> dict:
    key = jax.random.key(seed)
    k1, k2 = jax.random.split(key)
    tokens = jax.random.randint(k1, (16384, 50), 0, VOCAB, dtype=jnp.int64 if jax.config.jax_enable_x64 else jnp.int32)
    table = jax.random.normal(k2, (VOCAB, EMB), dtype=jnp.float32)
    return {"tokens": tokens, "table": table}

def reference(tokens, table):
    # TokenEmbedding.forward: embedding(tokens.long()) * sqrt(emb_size)
    emb = jnp.take(table, tokens, axis=0)
    return emb * math.sqrt(EMB)

if __name__ == "__main__":
    import jax
    _d = setup_inputs()
    print(jax.jit(kernel)(*tuple(_d.values())))

</pallas_src>

<mosaic_0001>
#map = affine_map<(d0, d1) -> (0, 0)>
#map1 = affine_map<(d0, d1) -> (0, 0, 0, 0, 0)>
module attributes {stable_mosaic.version = 14 : i64} {
  func.func @_body(%arg0: i32, %arg1: i32, %arg2: memref<50x16384xi32, #tpu.memory_space<hbm>>, %arg3: memref<1000000x32xf32, #tpu.memory_space<hbm>>, %arg4: memref<50x4x128x8x128xf32, #tpu.memory_space<hbm>>, %arg5: memref<50x512xi32, #tpu.memory_space<vmem>>, %arg6: memref<128x32xf32, #tpu.memory_space<vmem>>, %arg7: memref<128x32xf32, #tpu.memory_space<vmem>>, %arg8: memref<128x32xf32, #tpu.memory_space<vmem>>, %arg9: memref<128x32xf32, #tpu.memory_space<vmem>>, %arg10: memref<4x8x144xf32, #tpu.memory_space<vmem>>, %arg11: memref<4x8x144xf32, #tpu.memory_space<vmem>>, %arg12: memref<4x8x144xf32, #tpu.memory_space<vmem>>, %arg13: memref<4x8x144xf32, #tpu.memory_space<vmem>>, %arg14: memref<!tpu.dma_semaphore, #tpu.memory_space<semaphore_mem>>, %arg15: memref<!tpu.dma_semaphore, #tpu.memory_space<semaphore_mem>>, %arg16: memref<!tpu.dma_semaphore, #tpu.memory_space<semaphore_mem>>, %arg17: memref<!tpu.dma_semaphore, #tpu.memory_space<semaphore_mem>>, %arg18: memref<!tpu.dma_semaphore, #tpu.memory_space<semaphore_mem>>, %arg19: memref<!tpu.dma_semaphore, #tpu.memory_space<semaphore_mem>>, %arg20: memref<!tpu.dma_semaphore, #tpu.memory_space<semaphore_mem>>, %arg21: memref<!tpu.dma_semaphore, #tpu.memory_space<semaphore_mem>>) attributes {dimension_semantics = [#tpu.dimension_semantics<core_parallel>, #tpu.dimension_semantics<subcore_parallel>], iteration_bounds = array<i64: 2, 16>, scalar_prefetch = 0 : i64, scratch_operands = 17 : i64, tpu.core_type = #tpu.core_type<sc_vector_subcore>, window_params = [{transform_indices = #map}, {transform_indices = #map}, {transform_indices = #map1}]} {
    %mul3A = arith.constant 2 : i32
    %mul3A_0 = arith.muli %arg1, %mul3A : i32
    %add3A = arith.addi %mul3A_0, %arg0 : i32
    %mul3A_1 = arith.constant 512 : i32
    %mul3A_2 = arith.muli %add3A, %mul3A_1 : i32
    "tpu.region"() ({
      %run_scoped3A = tpu.sem_alloc : memref<!tpu.dma_semaphore, #tpu.memory_space<semaphore_mem>>
      %dma_start3A_114 = arith.constant 0 : i32
      %dma_start3A_115 = tpu.memref_slice %arg2[%dma_start3A_114, %mul3A_2] : memref<50x16384xi32, #tpu.memory_space<hbm>> -> memref<50x512xi32, #tpu.memory_space<hbm>>
      %dma_start3A_116 = arith.constant 0 : i32
      %dma_start3A_117 = tpu.memref_slice %arg2[%dma_start3A_116, %mul3A_2] : memref<50x16384xi32, #tpu.memory_space<hbm>> -> memref<50x512xi32, #tpu.memory_space<hbm>>
      tpu.enqueue_dma source(%dma_start3A_117 : memref<50x512xi32, #tpu.memory_space<hbm>>) target(%arg5 : memref<50x512xi32, #tpu.memory_space<vmem>>) target_semaphore(%run_scoped3A : memref<!tpu.dma_semaphore, #tpu.memory_space<semaphore_mem>>)
      %dma_wait3A_118 = arith.constant 0 : i32
      %dma_wait3A_119 = tpu.memref_slice %arg2[%dma_wait3A_118, %mul3A_2] : memref<50x16384xi32, #tpu.memory_space<hbm>> -> memref<50x512xi32, #tpu.memory_space<hbm>>
      %dma_wait3A_120 = arith.constant 0 : i32
      %dma_wait3A_121 = tpu.memref_slice %arg2[%dma_wait3A_120, %mul3A_2] : memref<50x16384xi32, #tpu.memory_space<hbm>> -> memref<50x512xi32, #tpu.memory_space<hbm>>
      tpu.wait_dma2 semaphore(%run_scoped3A : memref<!tpu.dma_semaphore, #tpu.memory_space<semaphore_mem>>) src(%dma_wait3A_121 : memref<50x512xi32, #tpu.memory_space<hbm>>) dst(%arg5 : memref<50x512xi32, #tpu.memory_space<vmem>>)
      tpu.yield
    }) : () -> ()
    %iota3A = tpu.iota {dimensions = array<i32: 0>} : vector<16xi32>
    %dma_start3A = arith.constant 0 : i32
    %dma_start3A_3 = arith.constant 0 : i32
    %dma_start3A_4 = tpu.memref_slice %arg5[%dma_start3A, %dma_start3A_3] : memref<50x512xi32, #tpu.memory_space<vmem>> -> memref<1x128xi32, #tpu.memory_space<vmem>>
    %dma_start3A_5 = tpu.memref_squeeze %dma_start3A_4 : memref<1x128xi32, #tpu.memory_space<vmem>> -> memref<128xi32, #tpu.memory_space<vmem>>
    %dma_start3A_6 = arith.constant 0 : i32
    %dma_start3A_7 = arith.constant 0 : i32
    %dma_start3A_8 = tpu.memref_slice %arg3[%dma_start3A_6, %dma_start3A_7] : memref<1000000x32xf32, #tpu.memory_space<hbm>> -> memref<1000000x32xf32, #tpu.memory_space<hbm>>
    tpu.enqueue_indirect_dma source(%dma_start3A_8 : memref<1000000x32xf32, #tpu.memory_space<hbm>>) target(%arg6 : memref<128x32xf32, #tpu.memory_space<vmem>>) offsets(%dma_start3A_5 : memref<128xi32, #tpu.memory_space<vmem>>) semaphore(%arg14 : memref<!tpu.dma_semaphore, #tpu.memory_space<semaphore_mem>>)
    %dma_start3A_9 = arith.constant 1 : i32
    %dma_start3A_10 = arith.constant 0 : i32
    %dma_start3A_11 = tpu.memref_slice %arg5[%dma_start3A_9, %dma_start3A_10] : memref<50x512xi32, #tpu.memory_space<vmem>> -> memref<1x128xi32, #tpu.memory_space<vmem>>
    %dma_start3A_12 = tpu.memref_squeeze %dma_start3A_11 : memref<1x128xi32, #tpu.memory_space<vmem>> -> memref<128xi32, #tpu.memory_space<vmem>>
    %dma_start3A_13 = arith.constant 0 : i32
    %dma_start3A_14 = arith.constant 0 : i32
    %dma_start3A_15 = tpu.memref_slice %arg3[%dma_start3A_13, %dma_start3A_14] : memref<1000000x32xf32, #tpu.memory_space<hbm>> -> memref<1000000x32xf32, #tpu.memory_space<hbm>>
    tpu.enqueue_indirect_dma source(%dma_start3A_15 : memref<1000000x32xf32, #tpu.memory_space<hbm>>) target(%arg7 : memref<128x32xf32, #tpu.memory_space<vmem>>) offsets(%dma_start3A_12 : memref<128xi32, #tpu.memory_space<vmem>>) semaphore(%arg15 : memref<!tpu.dma_semaphore, #tpu.memory_space<semaphore_mem>>)
    %dma_start3A_16 = arith.constant 2 : i32
    %dma_start3A_17 = arith.constant 0 : i32
    %dma_start3A_18 = tpu.memref_slice %arg5[%dma_start3A_16, %dma_start3A_17] : memref<50x512xi32, #tpu.memory_space<vmem>> -> memref<1x128xi32, #tpu.memory_space<vmem>>
    %dma_start3A_19 = tpu.memref_squeeze %dma_start3A_18 : memref<1x128xi32, #tpu.memory_space<vmem>> -> memref<128xi32, #tpu.memory_space<vmem>>
    %dma_start3A_20 = arith.constant 0 : i32
    %dma_start3A_21 = arith.constant 0 : i32
    %dma_start3A_22 = tpu.memref_slice %arg3[%dma_start3A_20, %dma_start3A_21] : memref<1000000x32xf32, #tpu.memory_space<hbm>> -> memref<1000000x32xf32, #tpu.memory_space<hbm>>
    tpu.enqueue_indirect_dma source(%dma_start3A_22 : memref<1000000x32xf32, #tpu.memory_space<hbm>>) target(%arg8 : memref<128x32xf32, #tpu.memory_space<vmem>>) offsets(%dma_start3A_19 : memref<128xi32, #tpu.memory_space<vmem>>) semaphore(%arg16 : memref<!tpu.dma_semaphore, #tpu.memory_space<semaphore_mem>>)
    %dma_start3A_23 = arith.constant 3 : i32
    %dma_start3A_24 = arith.constant 0 : i32
    %dma_start3A_25 = tpu.memref_slice %arg5[%dma_start3A_23, %dma_start3A_24] : memref<50x512xi32, #tpu.memory_space<vmem>> -> memref<1x128xi32, #tpu.memory_space<vmem>>
    %dma_start3A_26 = tpu.memref_squeeze %dma_start3A_25 : memref<1x128xi32, #tpu.memory_space<vmem>> -> memref<128xi32, #tpu.memory_space<vmem>>
    %dma_start3A_27 = arith.constant 0 : i32
    %dma_start3A_28 = arith.constant 0 : i32
    %dma_start3A_29 = tpu.memref_slice %arg3[%dma_start3A_27, %dma_start3A_28] : memref<1000000x32xf32, #tpu.memory_space<hbm>> -> memref<1000000x32xf32, #tpu.memory_space<hbm>>
    tpu.enqueue_indirect_dma source(%dma_start3A_29 : memref<1000000x32xf32, #tpu.memory_space<hbm>>) target(%arg9 : memref<128x32xf32, #tpu.memory_space<vmem>>) offsets(%dma_start3A_26 : memref<128xi32, #tpu.memory_space<vmem>>) semaphore(%arg17 : memref<!tpu.dma_semaphore, #tpu.memory_space<semaphore_mem>>)
    %scan3A = arith.constant 0 : i32
    %scan3A_30 = arith.constant 0 : i32
    %scan3A_31 = arith.constant 50 : i32
    %scan3A_32 = arith.addi %scan3A_30, %scan3A_31 : i32
    %scan3A_33 = arith.constant 1 : i32
    scf.for %scan3A_114 = %scan3A_30 to %scan3A_32 step %scan3A_33  : i32 {
      %mul3A_115 = arith.constant 4 : i32
      %mul3A_116 = arith.muli %scan3A_114, %mul3A_115 : i32
      %add3A_117 = arith.constant 0 : i32
      %add3A_118 = arith.addi %mul3A_116, %add3A_117 : i32
      %jit3A = arith.constant 50 : i32
      %div3A = arith.divsi %add3A_118, %jit3A : i32
      %sign3A = arith.constant 0 : i32
      %sign3A_119 = arith.cmpi sgt, %add3A_118, %sign3A : i32
      %sign3A_120 = arith.extui %sign3A_119 : i1 to i32
      %sign3A_121 = arith.constant 0 : i32
      %sign3A_122 = arith.cmpi slt, %add3A_118, %sign3A_121 : i32
      %sign3A_123 = arith.extui %sign3A_122 : i1 to i32
      %sign3A_124 = arith.subi %sign3A_120, %sign3A_123 : i32
      %sign3A_125 = arith.constant 0 : i32
      %sign3A_126 = arith.cmpi sgt, %jit3A, %sign3A_125 : i32
      %sign3A_127 = arith.extui %sign3A_126 : i1 to i32
      %sign3A_128 = arith.constant 0 : i32
      %sign3A_129 = arith.cmpi slt, %jit3A, %sign3A_128 : i32
      %sign3A_130 = arith.extui %sign3A_129 : i1 to i32
      %sign3A_131 = arith.subi %sign3A_127, %sign3A_130 : i32
      %ne3A = arith.cmpi ne, %sign3A_124, %sign3A_131 : i32
      %rem3A = arith.remsi %add3A_118, %jit3A : i32
      %ne3A_132 = arith.constant 0 : i32
      %ne3A_133 = arith.cmpi ne, %rem3A, %ne3A_132 : i32
      %and3A = arith.andi %ne3A, %ne3A_133 : i1
      %sub3A = arith.constant 1 : i32
      %sub3A_134 = arith.subi %div3A, %sub3A : i32
      %select_n3A = arith.select %and3A, %sub3A_134, %div3A : i32
      %jit3A_135 = arith.constant 50 : i32
      %eq3A = arith.constant 0 : i32
      %eq3A_136 = arith.cmpi eq, %jit3A_135, %eq3A : i32
      %jit3A_137 = arith.constant 1 : i32
      %select_n3A_138 = arith.select %eq3A_136, %jit3A_137, %jit3A_135 : i32
      %rem3A_139 = arith.remsi %add3A_118, %select_n3A_138 : i32
      %ne3A_140 = arith.constant 0 : i32
      %ne3A_141 = arith.cmpi ne, %rem3A_139, %ne3A_140 : i32
      %lt3A = arith.constant 0 : i32
      %lt3A_142 = arith.cmpi slt, %rem3A_139, %lt3A : i32
      %lt3A_143 = arith.constant 0 : i32
      %lt3A_144 = arith.cmpi slt, %select_n3A_138, %lt3A_143 : i32
      %ne3A_145 = arith.xori %lt3A_142, %lt3A_144 : i1
      %and3A_146 = arith.andi %ne3A_145, %ne3A_141 : i1
      %add3A_147 = arith.addi %rem3A_139, %select_n3A_138 : i32
      %select_n3A_148 = arith.select %and3A_146, %add3A_147, %rem3A_139 : i32
      %mul3A_149 = arith.constant 128 : i32
      %mul3A_150 = arith.muli %select_n3A, %mul3A_149 : i32
      %dma_wait3A_151 = tpu.memref_slice %arg5[%select_n3A_148, %mul3A_150] : memref<50x512xi32, #tpu.memory_space<vmem>> -> memref<1x128xi32, #tpu.memory_space<vmem>>
      %dma_wait3A_152 = tpu.memref_squeeze %dma_wait3A_151 : memref<1x128xi32, #tpu.memory_space<vmem>> -> memref<128xi32, #tpu.memory_space<vmem>>
      %dma_wait3A_153 = arith.constant 0 : i32
      %dma_wait3A_154 = arith.constant 0 : i32
      %dma_wait3A_155 = tpu.memref_slice %arg3[%dma_wait3A_153, %dma_wait3A_154] : memref<1000000x32xf32, #tpu.memory_space<hbm>> -> memref<1000000x32xf32, #tpu.memory_space<hbm>>
      tpu.wait_indirect_dma semaphore(%arg14 : memref<!tpu.dma_semaphore, #tpu.memory_space<semaphore_mem>>) src(%dma_wait3A_155 : memref<1000000x32xf32, #tpu.memory_space<hbm>>) dst(%arg6 : memref<128x32xf32, #tpu.memory_space<vmem>>)
      %gt3A = arith.constant 0 : i32
      %gt3A_156 = arith.cmpi sgt, %scan3A_114, %gt3A : i32
      %convert_element_type3A = arith.extui %gt3A_156 : i1 to i32
      %cond3A = arith.constant 0 : i32
      %cond3A_157 = arith.cmpi ne, %convert_element_type3A, %cond3A : i32
      scf.if %cond3A_157 {
        %dma_wait3A_645 = arith.constant 0 : i32
        %dma_wait3A_646 = arith.constant 0 : i32
        %dma_wait3A_647 = arith.constant 0 : i32
        %dma_wait3A_648 = arith.constant 0 : i32
        %dma_wait3A_649 = arith.constant 0 : i32
        %dma_wait3A_650 = tpu.memref_slice %arg10[%dma_wait3A_647, %dma_wait3A_648, %dma_wait3A_649] : memref<4x8x144xf32, #tpu.memory_space<vmem>> -> memref<4x8x128xf32, #tpu.memory_space<vmem>>
        %dma_wait3A_651 = arith.constant 0 : i32
        %dma_wait3A_652 = arith.constant 0 : i32
        %dma_wait3A_653 = arith.constant 0 : i32
        %dma_wait3A_654 = tpu.memref_slice %arg4[%dma_wait3A_645, %dma_wait3A_651, %dma_wait3A_646, %dma_wait3A_652, %dma_wait3A_653] : memref<50x4x128x8x128xf32, #tpu.memory_space<hbm>> -> memref<1x4x1x8x128xf32, #tpu.memory_space<hbm>>
        %dma_wait3A_655 = tpu.memref_squeeze %dma_wait3A_654 : memref<1x4x1x8x128xf32, #tpu.memory_space<hbm>> -> memref<4x8x128xf32, #tpu.memory_space<hbm>>
        %dma_wait3A_656 = arith.constant 0 : i32
        %dma_wait3A_657 = arith.constant 0 : i32
        %dma_wait3A_658 = arith.constant 0 : i32
        %dma_wait3A_659 = tpu.memref_slice %arg4[%dma_wait3A_645, %dma_wait3A_656, %dma_wait3A_646, %dma_wait3A_657, %dma_wait3A_658] : memref<50x4x128x8x128xf32, #tpu.memory_space<hbm>> -> memref<1x4x1x8x128xf32, #tpu.memory_space<hbm>>
        %dma_wait3A_660 = tpu.memref_squeeze %dma_wait3A_659 : memref<1x4x1x8x128xf32, #tpu.memory_space<hbm>> -> memref<4x8x128xf32, #tpu.memory_space<hbm>>
        %dma_wait3A_661 = arith.constant 0 : i32
        %dma_wait3A_662 = arith.constant 0 : i32
        %dma_wait3A_663 = arith.constant 0 : i32
        %dma_wait3A_664 = tpu.memref_slice %arg10[%dma_wait3A_661, %dma_wait3A_662, %dma_wait3A_663] : memref<4x8x144xf32, #tpu.memory_space<vmem>> -> memref<4x8x128xf32, #tpu.memory_space<vmem>>
        tpu.wait_dma2 semaphore(%arg18 : memref<!tpu.dma_semaphore, #tpu.memory_space<semaphore_mem>>) src(%dma_wait3A_664 : memref<4x8x128xf32, #tpu.memory_space<vmem>>) dst(%dma_wait3A_660 : memref<4x8x128xf32, #tpu.memory_space<hbm>>)
      } else {
      }
      %shift_right_logical3A = arith.constant 3 : i32
      %shift_right_logical3A_158 = vector.broadcast %shift_right_logical3A : i32 to vector<16xi32>
      %shift_right_logical3A_159 = arith.shrui %iota3A, %shift_right_logical3A_158 : vector<16xi32>
      %and3A_160 = arith.constant 7 : i32
      %and3A_161 = vector.broadcast %and3A_160 : i32 to vector<16xi32>
      %and3A_162 = arith.andi %iota3A, %and3A_161 : vector<16xi32>
      %scan3A_163 = arith.constant 0 : i32
      %scan3A_164 = arith.constant 0 : i32
      %scan3A_165 = arith.constant 16 : i32
      %scan3A_166 = arith.addi %scan3A_164, %scan3A_165 : i32
      %scan3A_167 = arith.constant 1 : i32
      scf.for %scan3A_645 = %scan3A_164 to %scan3A_166 step %scan3A_167  : i32 {
        %mul3A_646 = arith.constant 8 : i32
        %mul3A_647 = arith.muli %scan3A_645, %mul3A_646 : i32
        %add3A_648 = arith.constant 0 : i32
        %add3A_649 = arith.addi %mul3A_647, %add3A_648 : i32
        %broadcast_in_dim3A = arith.constant 0 : i32
        %broadcast_in_dim3A_650 = vector.broadcast %broadcast_in_dim3A : i32 to vector<16xi32>
        %add3A_651 = vector.broadcast %add3A_649 : i32 to vector<16xi32>
        %add3A_652 = arith.addi %broadcast_in_dim3A_650, %add3A_651 : vector<16xi32>
        %get3A = arith.index_cast %add3A_649 : i32 to index
        %get3A_653 = arith.constant 0 : index
        %get3A_654 = tpu.vector_load %arg6[%get3A, %get3A_653] {strides = array<i32>} : memref<128x32xf32, #tpu.memory_space<vmem>>, vector<16xf32>,
        %mul3A_655 = arith.constant 5.65685415 : f32
        %mul3A_656 = vector.broadcast %mul3A_655 : f32 to vector<16xf32>
        %mul3A_657 = arith.mulf %get3A_654, %mul3A_656 : vector<16xf32>
        tpu.vector_store_idx %arg10[%shift_right_logical3A_159, %and3A_162, %add3A_652], %mul3A_657 : memref<4x8x144xf32, #tpu.memory_space<vmem>>[vector<16xi32>, vector<16xi32>, vector<16xi32>], vector<16xf32>,
        %get3A_658 = arith.index_cast %add3A_649 : i32 to index
        %get3A_659 = arith.constant 16 : index
        %get3A_660 = tpu.vector_load %arg6[%get3A_658, %get3A_659] {strides = array<i32>} : memref<128x32xf32, #tpu.memory_space<vmem>>, vector<16xf32>,
        %mul3A_661 = arith.constant 5.65685415 : f32
        %mul3A_662 = vector.broadcast %mul3A_661 : f32 to vector<16xf32>
        %mul3A_663 = arith.mulf %get3A_660, %mul3A_662 : vector<16xf32>
        %add3A_664 = arith.constant 2 : i32
        %add3A_665 = vector.broadcast %add3A_664 : i32 to vector<16xi32>
        %add3A_666 = arith.addi %shift_right_logical3A_159, %add3A_665 : vector<16xi32>
        tpu.vector_store_idx %arg10[%add3A_666, %and3A_162, %add3A_652], %mul3A_663 : memref<4x8x144xf32, #tpu.memory_space<vmem>>[vector<16xi32>, vector<16xi32>, vector<16xi32>], vector<16xf32>,
        %add3A_667 = arith.constant 1 : i32
        %add3A_668 = arith.addi %mul3A_647, %add3A_667 : i32
        %broadcast_in_dim3A_669 = arith.constant 0 : i32
        %broadcast_in_dim3A_670 = vector.broadcast %broadcast_in_dim3A_669 : i32 to vector<16xi32>
        %add3A_671 = vector.broadcast %add3A_668 : i32 to vector<16xi32>
        %add3A_672 = arith.addi %broadcast_in_dim3A_670, %add3A_671 : vector<16xi32>
        %get3A_673 = arith.index_cast %add3A_668 : i32 to index
        %get3A_674 = arith.constant 0 : index
        %get3A_675 = tpu.vector_load %arg6[%get3A_673, %get3A_674] {strides = array<i32>} : memref<128x32xf32, #tpu.memory_space<vmem>>, vector<16xf32>,
        %mul3A_676 = arith.constant 5.65685415 : f32
        %mul3A_677 = vector.broadcast %mul3A_676 : f32 to vector<16xf32>
        %mul3A_678 = arith.mulf %get3A_675, %mul3A_677 : vector<16xf32>
        tpu.vector_store_idx %arg10[%shift_right_logical3A_159, %and3A_162, %add3A_672], %mul3A_678 : memref<4x8x144xf32, #tpu.memory_space<vmem>>[vector<16xi32>, vector<16xi32>, vector<16xi32>], vector<16xf32>,
        %get3A_679 = arith.index_cast %add3A_668 : i32 to index
        %get3A_680 = arith.constant 16 : index
        %get3A_681 = tpu.vector_load %arg6[%get3A_679, %get3A_680] {strides = array<i32>} : memref<128x32xf32, #tpu.memory_space<vmem>>, vector<16xf32>,
        %mul3A_682 = arith.constant 5.65685415 : f32
        %mul3A_683 = vector.broadcast %mul3A_682 : f32 to vector<16xf32>
        %mul3A_684 = arith.mulf %get3A_681, %mul3A_683 : vector<16xf32>
        %add3A_685 = arith.constant 2 : i32
        %add3A_686 = vector.broadcast %add3A_685 : i32 to vector<16xi32>
        %add3A_687 = arith.addi %shift_right_logical3A_159, %add3A_686 : vector<16xi32>
        tpu.vector_store_idx %arg10[%add3A_687, %and3A_162, %add3A_672], %mul3A_684 : memref<4x8x144xf32, #tpu.memory_space<vmem>>[vector<16xi32>, vector<16xi32>, vector<16xi32>], vector<16xf32>,
        %add3A_688 = arith.constant 2 : i32
        %add3A_689 = arith.addi %mul3A_647, %add3A_688 : i32
        %broadcast_in_dim3A_690 = arith.constant 0 : i32
        %broadcast_in_dim3A_691 = vector.broadcast %broadcast_in_dim3A_690 : i32 to vector<16xi32>
        %add3A_692 = vector.broadcast %add3A_689 : i32 to vector<16xi32>
        %add3A_693 = arith.addi %broadcast_in_dim3A_691, %add3A_692 : vector<16xi32>
        %get3A_694 = arith.index_cast %add3A_689 : i32 to index
        %get3A_695 = arith.constant 0 : index
        %get3A_696 = tpu.vector_load %arg6[%get3A_694, %get3A_695] {strides = array<i32>} : memref<128x32xf32, #tpu.memory_space<vmem>>, vector<16xf32>,
        %mul3A_697 = arith.constant 5.65685415 : f32
        %mul3A_698 = vector.broadcast %mul3A_697 : f32 to vector<16xf32>
        %mul3A_699 = arith.mulf %get3A_696, %mul3A_698 : vector<16xf32>
        tpu.vector_store_idx %arg10[%shift_right_logical3A_159, %and3A_162, %add3A_693], %mul3A_699 : memref<4x8x144xf32, #tpu.memory_space<vmem>>[vector<16xi32>, vector<16xi32>, vector<16xi32>], vector<16xf32>,
        %get3A_700 = arith.index_cast %add3A_689 : i32 to index
        %get3A_701 = arith.constant 16 : index
        %get3A_702 = tpu.vector_load %arg6[%get3A_700, %get3A_701] {strides = array<i32>} : memref<128x32xf32, #tpu.memory_space<vmem>>, vector<16xf32>,
        %mul3A_703 = arith.constant 5.65685415 : f32
        %mul3A_704 = vector.broadcast %mul3A_703 : f32 to vector<16xf32>
        %mul3A_705 = arith.mulf %get3A_702, %mul3A_704 : vector<16xf32>
        %add3A_706 = arith.constant 2 : i32
        %add3A_707 = vector.broadcast %add3A_706 : i32 to vector<16xi32>
        %add3A_708 = arith.addi %shift_right_logical3A_159, %add3A_707 : vector<16xi32>
        tpu.vector_store_idx %arg10[%add3A_708, %and3A_162, %add3A_693], %mul3A_705 : memref<4x8x144xf32, #tpu.memory_space<vmem>>[vector<16xi32>, vector<16xi32>, vector<16xi32>], vector<16xf32>,
        %add3A_709 = arith.constant 3 : i32
        %add3A_710 = arith.addi %mul3A_647, %add3A_709 : i32
        %broadcast_in_dim3A_711 = arith.constant 0 : i32
        %broadcast_in_dim3A_712 = vector.broadcast %broadcast_in_dim3A_711 : i32 to vector<16xi32>
        %add3A_713 = vector.broadcast %add3A_710 : i32 to vector<16xi32>
        %add3A_714 = arith.addi %broadcast_in_dim3A_712, %add3A_713 : vector<16xi32>
        %get3A_715 = arith.index_cast %add3A_710 : i32 to index
        %get3A_716 = arith.constant 0 : index
        %get3A_717 = tpu.vector_load %arg6[%get3A_715, %get3A_716] {strides = array<i32>} : memref<128x32xf32, #tpu.memory_space<vmem>>, vector<16xf32>,
        %mul3A_718 = arith.constant 5.65685415 : f32
        %mul3A_719 = vector.broadcast %mul3A_718 : f32 to vector<16xf32>
        %mul3A_720 = arith.mulf %get3A_717, %mul3A_719 : vector<16xf32>
        tpu.vector_store_idx %arg10[%shift_right_logical3A_159, %and3A_162, %add3A_714], %mul3A_720 : memref<4x8x144xf32, #tpu.memory_space<vmem>>[vector<16xi32>, vector<16xi32>, vector<16xi32>], vector<16xf32>,
        %get3A_721 = arith.index_cast %add3A_710 : i32 to index
        %get3A_722 = arith.constant 16 : index
        %get3A_723 = tpu.vector_load %arg6[%get3A_721, %get3A_722] {strides = array<i32>} : memref<128x32xf32, #tpu.memory_space<vmem>>, vector<16xf32>,
        %mul3A_724 = arith.constant 5.65685415 : f32
        %mul3A_725 = vector.broadcast %mul3A_724 : f32 to vector<16xf32>
        %mul3A_726 = arith.mulf %get3A_723, %mul3A_725 : vector<16xf32>
        %add3A_727 = arith.constant 2 : i32
        %add3A_728 = vector.broadcast %add3A_727 : i32 to vector<16xi32>
        %add3A_729 = arith.addi %shift_right_logical3A_159, %add3A_728 : vector<16xi32>
        tpu.vector_store_idx %arg10[%add3A_729, %and3A_162, %add3A_714], %mul3A_726 : memref<4x8x144xf32, #tpu.memory_space<vmem>>[vector<16xi32>, vector<16xi32>, vector<16xi32>], vector<16xf32>,
        %add3A_730 = arith.constant 4 : i32
        %add3A_731 = arith.addi %mul3A_647, %add3A_730 : i32
        %broadcast_in_dim3A_732 = arith.constant 0 : i32
        %broadcast_in_dim3A_733 = vector.broadcast %broadcast_in_dim3A_732 : i32 to vector<16xi32>
        %add3A_734 = vector.broadcast %add3A_731 : i32 to vector<16xi32>
        %add3A_735 = arith.addi %broadcast_in_dim3A_733, %add3A_734 : vector<16xi32>
        %get3A_736 = arith.index_cast %add3A_731 : i32 to index
        %get3A_737 = arith.constant 0 : index
        %get3A_738 = tpu.vector_load %arg6[%get3A_736, %get3A_737] {strides = array<i32>} : memref<128x32xf32, #tpu.memory_space<vmem>>, vector<16xf32>,
        %mul3A_739 = arith.constant 5.65685415 : f32
        %mul3A_740 = vector.broadcast %mul3A_739 : f32 to vector<16xf32>
        %mul3A_741 = arith.mulf %get3A_738, %mul3A_740 : vector<16xf32>
        tpu.vector_store_idx %arg10[%shift_right_logical3A_159, %and3A_162, %add3A_735], %mul3A_741 : memref<4x8x144xf32, #tpu.memory_space<vmem>>[vector<16xi32>, vector<16xi32>, vector<16xi32>], vector<16xf32>,
        %get3A_742 = arith.index_cast %add3A_731 : i32 to index
        %get3A_743 = arith.constant 16 : index
        %get3A_744 = tpu.vector_load %arg6[%get3A_742, %get3A_743] {strides = array<i32>} : memref<128x32xf32, #tpu.memory_space<vmem>>, vector<16xf32>,
        %mul3A_745 = arith.constant 5.65685415 : f32
        %mul3A_746 = vector.broadcast %mul3A_745 : f32 to vector<16xf32>
        %mul3A_747 = arith.mulf %get3A_744, %mul3A_746 : vector<16xf32>
        %add3A_748 = arith.constant 2 : i32
        %add3A_749 = vector.broadcast %add3A_748 : i32 to vector<16xi32>
        %add3A_750 = arith.addi %shift_right_logical3A_159, %add3A_749 : vector<16xi32>
        tpu.vector_store_idx %arg10[%add3A_750, %and3A_162, %add3A_735], %mul3A_747 : memref<4x8x144xf32, #tpu.memory_space<vmem>>[vector<16xi32>, vector<16xi32>, vector<16xi32>], vector<16xf32>,
        %add3A_751 = arith.constant 5 : i32
        %add3A_752 = arith.addi %mul3A_647, %add3A_751 : i32
        %broadcast_in_dim3A_753 = arith.constant 0 : i32
        %broadcast_in_dim3A_754 = vector.broadcast %broadcast_in_dim3A_753 : i32 to vector<16xi32>
        %add3A_755 = vector.broadcast %add3A_752 : i32 to vector<16xi32>
        %add3A_756 = arith.addi %broadcast_in_dim3A_754, %add3A_755 : vector<16xi32>
        %get3A_757 = arith.index_cast %add3A_752 : i32 to index
        %get3A_758 = arith.constant 0 : index
        %get3A_759 = tpu.vector_load %arg6[%get3A_757, %get3A_758] {strides = array<i32>} : memref<128x32xf32, #tpu.memory_space<vmem>>, vector<16xf32>,
        %mul3A_760 = arith.constant 5.65685415 : f32
        %mul3A_761 = vector.broadcast %mul3A_760 : f32 to vector<16xf32>
        %mul3A_762 = arith.mulf %get3A_759, %mul3A_761 : vector<16xf32>
        tpu.vector_store_idx %arg10[%shift_right_logical3A_159, %and3A_162, %add3A_756], %mul3A_762 : memref<4x8x144xf32, #tpu.memory_space<vmem>>[vector<16xi32>, vector<16xi32>, vector<16xi32>], vector<16xf32>,
        %get3A_763 = arith.index_cast %add3A_752 : i32 to index
        %get3A_764 = arith.constant 16 : index
        %get3A_765 = tpu.vector_load %arg6[%get3A_763, %get3A_764] {strides = array<i32>} : memref<128x32xf32, #tpu.memory_space<vmem>>, vector<16xf32>,
        %mul3A_766 = arith.constant 5.65685415 : f32
        %mul3A_767 = vector.broadcast %mul3A_766 : f32 to vector<16xf32>
        %mul3A_768 = arith.mulf %get3A_765, %mul3A_767 : vector<16xf32>
        %add3A_769 = arith.constant 2 : i32
        %add3A_770 = vector.broadcast %add3A_769 : i32 to vector<16xi32>
        %add3A_771 = arith.addi %shift_right_logical3A_159, %add3A_770 : vector<16xi32>
        tpu.vector_store_idx %arg10[%add3A_771, %and3A_162, %add3A_756], %mul3A_768 : memref<4x8x144xf32, #tpu.memory_space<vmem>>[vector<16xi32>, vector<16xi32>, vector<16xi32>], vector<16xf32>,
        %add3A_772 = arith.constant 6 : i32
        %add3A_773 = arith.addi %mul3A_647, %add3A_772 : i32
        %broadcast_in_dim3A_774 = arith.constant 0 : i32
        %broadcast_in_dim3A_775 = vector.broadcast %broadcast_in_dim3A_774 : i32 to vector<16xi32>
        %add3A_776 = vector.broadcast %add3A_773 : i32 to vector<16xi32>
        %add3A_777 = arith.addi %broadcast_in_dim3A_775, %add3A_776 : vector<16xi32>
        %get3A_778 = arith.index_cast %add3A_773 : i32 to index
        %get3A_779 = arith.constant 0 : index
        %get3A_780 = tpu.vector_load %arg6[%get3A_778, %get3A_779] {strides = array<i32>} : memref<128x32xf32, #tpu.memory_space<vmem>>, vector<16xf32>,
        %mul3A_781 = arith.constant 5.65685415 : f32
        %mul3A_782 = vector.broadcast %mul3A_781 : f32 to vector<16xf32>
        %mul3A_783 = arith.mulf %get3A_780, %mul3A_782 : vector<16xf32>
        tpu.vector_store_idx %arg10[%shift_right_logical3A_159, %and3A_162, %add3A_777], %mul3A_783 : memref<4x8x144xf32, #tpu.memory_space<vmem>>[vector<16xi32>, vector<16xi32>, vector<16xi32>], vector<16xf32>,
        %get3A_784 = arith.index_cast %add3A_773 : i32 to index
        %get3A_785 = arith.constant 16 : index
        %get3A_786 = tpu.vector_load %arg6[%get3A_784, %get3A_785] {strides = array<i32>} : memref<128x32xf32, #tpu.memory_space<vmem>>, vector<16xf32>,
        %mul3A_787 = arith.constant 5.65685415 : f32
        %mul3A_788 = vector.broadcast %mul3A_787 : f32 to vector<16xf32>
        %mul3A_789 = arith.mulf %get3A_786, %mul3A_788 : vector<16xf32>
        %add3A_790 = arith.constant 2 : i32
        %add3A_791 = vector.broadcast %add3A_790 : i32 to vector<16xi32>
        %add3A_792 = arith.addi %shift_right_logical3A_159, %add3A_791 : vector<16xi32>
        tpu.vector_store_idx %arg10[%add3A_792, %and3A_162, %add3A_777], %mul3A_789 : memref<4x8x144xf32, #tpu.memory_space<vmem>>[vector<16xi32>, vector<16xi32>, vector<16xi32>], vector<16xf32>,
        %add3A_793 = arith.constant 7 : i32
        %add3A_794 = arith.addi %mul3A_647, %add3A_793 : i32
        %broadcast_in_dim3A_795 = arith.constant 0 : i32
        %broadcast_in_dim3A_796 = vector.broadcast %broadcast_in_dim3A_795 : i32 to vector<16xi32>
        %add3A_797 = vector.broadcast %add3A_794 : i32 to vector<16xi32>
        %add3A_798 = arith.addi %broadcast_in_dim3A_796, %add3A_797 : vector<16xi32>
        %get3A_799 = arith.index_cast %add3A_794 : i32 to index
        %get3A_800 = arith.constant 0 : index
        %get3A_801 = tpu.vector_load %arg6[%get3A_799, %get3A_800] {strides = array<i32>} : memref<128x32xf32, #tpu.memory_space<vmem>>, vector<16xf32>,
        %mul3A_802 = arith.constant 5.65685415 : f32
        %mul3A_803 = vector.broadcast %mul3A_802 : f32 to vector<16xf32>
        %mul3A_804 = arith.mulf %get3A_801, %mul3A_803 : vector<16xf32>
        tpu.vector_store_idx %arg10[%shift_right_logical3A_159, %and3A_162, %add3A_798], %mul3A_804 : memref<4x8x144xf32, #tpu.memory_space<vmem>>[vector<16xi32>, vector<16xi32>, vector<16xi32>], vector<16xf32>,
        %get3A_805 = arith.index_cast %add3A_794 : i32 to index
        %get3A_806 = arith.constant 16 : index
        %get3A_807 = tpu.vector_load %arg6[%get3A_805, %get3A_806] {strides = array<i32>} : memref<128x32xf32, #tpu.memory_space<vmem>>, vector<16xf32>,
        %mul3A_808 = arith.constant 5.65685415 : f32
        %mul3A_809 = vector.broadcast %mul3A_808 : f32 to vector<16xf32>
        %mul3A_810 = arith.mulf %get3A_807, %mul3A_809 : vector<16xf32>
        %add3A_811 = arith.constant 2 : i32
        %add3A_812 = vector.broadcast %add3A_811 : i32 to vector<16xi32>
        %add3A_813 = arith.addi %shift_right_logical3A_159, %add3A_812 : vector<16xi32>
        tpu.vector_store_idx %arg10[%add3A_813, %and3A_162, %add3A_798], %mul3A_810 : memref<4x8x144xf32, #tpu.memory_space<vmem>>[vector<16xi32>, vector<16xi32>, vector<16xi32>], vector<16xf32>,
      }
      %scan3A_168 = arith.constant 16 : i32
      %jit3A_169 = arith.constant 50 : i32
      %div3A_170 = arith.divsi %add3A_118, %jit3A_169 : i32
      %sign3A_171 = arith.constant 0 : i32
      %sign3A_172 = arith.cmpi sgt, %add3A_118, %sign3A_171 : i32
      %sign3A_173 = arith.extui %sign3A_172 : i1 to i32
      %sign3A_174 = arith.constant 0 : i32
      %sign3A_175 = arith.cmpi slt, %add3A_118, %sign3A_174 : i32
      %sign3A_176 = arith.extui %sign3A_175 : i1 to i32
      %sign3A_177 = arith.subi %sign3A_173, %sign3A_176 : i32
      %sign3A_178 = arith.constant 0 : i32
      %sign3A_179 = arith.cmpi sgt, %jit3A_169, %sign3A_178 : i32
      %sign3A_180 = arith.extui %sign3A_179 : i1 to i32
      %sign3A_181 = arith.constant 0 : i32
      %sign3A_182 = arith.cmpi slt, %jit3A_169, %sign3A_181 : i32
      %sign3A_183 = arith.extui %sign3A_182 : i1 to i32
      %sign3A_184 = arith.subi %sign3A_180, %sign3A_183 : i32
      %ne3A_185 = arith.cmpi ne, %sign3A_177, %sign3A_184 : i32
      %rem3A_186 = arith.remsi %add3A_118, %jit3A_169 : i32
      %ne3A_187 = arith.constant 0 : i32
      %ne3A_188 = arith.cmpi ne, %rem3A_186, %ne3A_187 : i32
      %and3A_189 = arith.andi %ne3A_185, %ne3A_188 : i1
      %sub3A_190 = arith.constant 1 : i32
      %sub3A_191 = arith.subi %div3A_170, %sub3A_190 : i32
      %select_n3A_192 = arith.select %and3A_189, %sub3A_191, %div3A_170 : i32
      %jit3A_193 = arith.constant 50 : i32
      %eq3A_194 = arith.constant 0 : i32
      %eq3A_195 = arith.cmpi eq, %jit3A_193, %eq3A_194 : i32
      %jit3A_196 = arith.constant 1 : i32
      %select_n3A_197 = arith.select %eq3A_195, %jit3A_196, %jit3A_193 : i32
      %rem3A_198 = arith.remsi %add3A_118, %select_n3A_197 : i32
      %ne3A_199 = arith.constant 0 : i32
      %ne3A_200 = arith.cmpi ne, %rem3A_198, %ne3A_199 : i32
      %lt3A_201 = arith.constant 0 : i32
      %lt3A_202 = arith.cmpi slt, %rem3A_198, %lt3A_201 : i32
      %lt3A_203 = arith.constant 0 : i32
      %lt3A_204 = arith.cmpi slt, %select_n3A_197, %lt3A_203 : i32
      %ne3A_205 = arith.xori %lt3A_202, %lt3A_204 : i1
      %and3A_206 = arith.andi %ne3A_205, %ne3A_200 : i1
      %add3A_207 = arith.addi %rem3A_198, %select_n3A_197 : i32
      %select_n3A_208 = arith.select %and3A_206, %add3A_207, %rem3A_198 : i32
      %mul3A_209 = arith.constant 4 : i32
      %mul3A_210 = arith.muli %add3A, %mul3A_209 : i32
      %add3A_211 = arith.addi %mul3A_210, %select_n3A_192 : i32
      %dma_start3A_212 = arith.constant 0 : i32
      %dma_start3A_213 = arith.constant 0 : i32
      %dma_start3A_214 = arith.constant 0 : i32
      %dma_start3A_215 = tpu.memref_slice %arg10[%dma_start3A_212, %dma_start3A_213, %dma_start3A_214] : memref<4x8x144xf32, #tpu.memory_space<vmem>> -> memref<4x8x128xf32, #tpu.memory_space<vmem>>
      %dma_start3A_216 = arith.constant 0 : i32
      %dma_start3A_217 = arith.constant 0 : i32
      %dma_start3A_218 = arith.constant 0 : i32
      %dma_start3A_219 = tpu.memref_slice %arg4[%select_n3A_208, %dma_start3A_216, %add3A_211, %dma_start3A_217, %dma_start3A_218] : memref<50x4x128x8x128xf32, #tpu.memory_space<hbm>> -> memref<1x4x1x8x128xf32, #tpu.memory_space<hbm>>
      %dma_start3A_220 = tpu.memref_squeeze %dma_start3A_219 : memref<1x4x1x8x128xf32, #tpu.memory_space<hbm>> -> memref<4x8x128xf32, #tpu.memory_space<hbm>>
      %dma_start3A_221 = arith.constant 0 : i32
      %dma_start3A_222 = arith.constant 0 : i32
      %dma_start3A_223 = arith.constant 0 : i32
      %dma_start3A_224 = tpu.memref_slice %arg4[%select_n3A_208, %dma_start3A_221, %add3A_211, %dma_start3A_222, %dma_start3A_223] : memref<50x4x128x8x128xf32, #tpu.memory_space<hbm>> -> memref<1x4x1x8x128xf32, #tpu.memory_space<hbm>>
      %dma_start3A_225 = tpu.memref_squeeze %dma_start3A_224 : memref<1x4x1x8x128xf32, #tpu.memory_space<hbm>> -> memref<4x8x128xf32, #tpu.memory_space<hbm>>
      %dma_start3A_226 = arith.constant 0 : i32
      %dma_start3A_227 = arith.constant 0 : i32
      %dma_start3A_228 = arith.constant 0 : i32
      %dma_start3A_229 = tpu.memref_slice %arg10[%dma_start3A_226, %dma_start3A_227, %dma_start3A_228] : memref<4x8x144xf32, #tpu.memory_space<vmem>> -> memref<4x8x128xf32, #tpu.memory_space<vmem>>
      tpu.enqueue_dma source(%dma_start3A_229 : memref<4x8x128xf32, #tpu.memory_space<vmem>>) target(%dma_start3A_225 : memref<4x8x128xf32, #tpu.memory_space<hbm>>) target_semaphore(%arg18 : memref<!tpu.dma_semaphore, #tpu.memory_space<semaphore_mem>>)
      %add3A_230 = arith.constant 4 : i32
      %add3A_231 = arith.addi %add3A_118, %add3A_230 : i32
      %lt3A_232 = arith.constant 200 : i32
      %lt3A_233 = arith.cmpi slt, %add3A_231, %lt3A_232 : i32
      %convert_element_type3A_234 = arith.extui %lt3A_233 : i1 to i32
      %cond3A_235 = arith.constant 0 : i32
      %cond3A_236 = arith.cmpi ne, %convert_element_type3A_234, %cond3A_235 : i32
      scf.if %cond3A_236 {
        %add3A_645 = arith.constant 4 : i32
        %add3A_646 = arith.addi %add3A_118, %add3A_645 : i32
        %jit3A_647 = arith.constant 50 : i32
        %div3A_648 = arith.divsi %add3A_646, %jit3A_647 : i32
        %sign3A_649 = arith.constant 0 : i32
        %sign3A_650 = arith.cmpi sgt, %add3A_646, %sign3A_649 : i32
        %sign3A_651 = arith.extui %sign3A_650 : i1 to i32
        %sign3A_652 = arith.constant 0 : i32
        %sign3A_653 = arith.cmpi slt, %add3A_646, %sign3A_652 : i32
        %sign3A_654 = arith.extui %sign3A_653 : i1 to i32
        %sign3A_655 = arith.subi %sign3A_651, %sign3A_654 : i32
        %sign3A_656 = arith.constant 0 : i32
        %sign3A_657 = arith.cmpi sgt, %jit3A_647, %sign3A_656 : i32
        %sign3A_658 = arith.extui %sign3A_657 : i1 to i32
        %sign3A_659 = arith.constant 0 : i32
        %sign3A_660 = arith.cmpi slt, %jit3A_647, %sign3A_659 : i32
        %sign3A_661 = arith.extui %sign3A_660 : i1 to i32
        %sign3A_662 = arith.subi %sign3A_658, %sign3A_661 : i32
        %ne3A_663 = arith.cmpi ne, %sign3A_655, %sign3A_662 : i32
        %rem3A_664 = arith.remsi %add3A_646, %jit3A_647 : i32
        %ne3A_665 = arith.constant 0 : i32
        %ne3A_666 = arith.cmpi ne, %rem3A_664, %ne3A_665 : i32
        %and3A_667 = arith.andi %ne3A_663, %ne3A_666 : i1
        %sub3A_668 = arith.constant 1 : i32
        %sub3A_669 = arith.subi %div3A_648, %sub3A_668 : i32
        %select_n3A_670 = arith.select %and3A_667, %sub3A_669, %div3A_648 : i32
        %jit3A_671 = arith.constant 50 : i32
        %eq3A_672 = arith.constant 0 : i32
        %eq3A_673 = arith.cmpi eq, %jit3A_671, %eq3A_672 : i32
        %jit3A_674 = arith.constant 1 : i32
        %select_n3A_675 = arith.select %eq3A_673, %jit3A_674, %jit3A_671 : i32
        %rem3A_676 = arith.remsi %add3A_646, %select_n3A_675 : i32
        %ne3A_677 = arith.constant 0 : i32
        %ne3A_678 = arith.cmpi ne, %rem3A_676, %ne3A_677 : i32
        %lt3A_679 = arith.constant 0 : i32
        %lt3A_680 = arith.cmpi slt, %rem3A_676, %lt3A_679 : i32
        %lt3A_681 = arith.constant 0 : i32
        %lt3A_682 = arith.cmpi slt, %select_n3A_675, %lt3A_681 : i32
        %ne3A_683 = arith.xori %lt3A_680, %lt3A_682 : i1
        %and3A_684 = arith.andi %ne3A_683, %ne3A_678 : i1
        %add3A_685 = arith.addi %rem3A_676, %select_n3A_675 : i32
        %select_n3A_686 = arith.select %and3A_684, %add3A_685, %rem3A_676 : i32
        %mul3A_687 = arith.constant 128 : i32
        %mul3A_688 = arith.muli %select_n3A_670, %mul3A_687 : i32
        %dma_start3A_689 = tpu.memref_slice %arg5[%select_n3A_686, %mul3A_688] : memref<50x512xi32, #tpu.memory_space<vmem>> -> memref<1x128xi32, #tpu.memory_space<vmem>>
        %dma_start3A_690 = tpu.memref_squeeze %dma_start3A_689 : memref<1x128xi32, #tpu.memory_space<vmem>> -> memref<128xi32, #tpu.memory_space<vmem>>
        %dma_start3A_691 = arith.constant 0 : i32
        %dma_start3A_692 = arith.constant 0 : i32
        %dma_start3A_693 = tpu.memref_slice %arg3[%dma_start3A_691, %dma_start3A_692] : memref<1000000x32xf32, #tpu.memory_space<hbm>> -> memref<1000000x32xf32, #tpu.memory_space<hbm>>
        tpu.enqueue_indirect_dma source(%dma_start3A_693 : memref<1000000x32xf32, #tpu.memory_space<hbm>>) target(%arg6 : memref<128x32xf32, #tpu.memory_space<vmem>>) offsets(%dma_start3A_690 : memref<128xi32, #tpu.memory_space<vmem>>) semaphore(%arg14 : memref<!tpu.dma_semaphore, #tpu.memory_space<semaphore_mem>>)
      } else {
      }
      %mul3A_237 = arith.constant 4 : i32
      %mul3A_238 = arith.muli %scan3A_114, %mul3A_237 : i32
      %add3A_239 = arith.constant 1 : i32
      %add3A_240 = arith.addi %mul3A_238, %add3A_239 : i32
      %jit3A_241 = arith.constant 50 : i32
      %div3A_242 = arith.divsi %add3A_240, %jit3A_241 : i32
      %sign3A_243 = arith.constant 0 : i32
      %sign3A_244 = arith.cmpi sgt, %add3A_240, %sign3A_243 : i32
      %sign3A_245 = arith.extui %sign3A_244 : i1 to i32
      %sign3A_246 = arith.constant 0 : i32
      %sign3A_247 = arith.cmpi slt, %add3A_240, %sign3A_246 : i32
      %sign3A_248 = arith.extui %sign3A_247 : i1 to i32
      %sign3A_249 = arith.subi %sign3A_245, %sign3A_248 : i32
      %sign3A_250 = arith.constant 0 : i32
      %sign3A_251 = arith.cmpi sgt, %jit3A_241, %sign3A_250 : i32
      %sign3A_252 = arith.extui %sign3A_251 : i1 to i32
      %sign3A_253 = arith.constant 0 : i32
      %sign3A_254 = arith.cmpi slt, %jit3A_241, %sign3A_253 : i32
      %sign3A_255 = arith.extui %sign3A_254 : i1 to i32
      %sign3A_256 = arith.subi %sign3A_252, %sign3A_255 : i32
      %ne3A_257 = arith.cmpi ne, %sign3A_249, %sign3A_256 : i32
      %rem3A_258 = arith.remsi %add3A_240, %jit3A_241 : i32
      %ne3A_259 = arith.constant 0 : i32
      %ne3A_260 = arith.cmpi ne, %rem3A_258, %ne3A_259 : i32
      %and3A_261 = arith.andi %ne3A_257, %ne3A_260 : i1
      %sub3A_262 = arith.constant 1 : i32
      %sub3A_263 = arith.subi %div3A_242, %sub3A_262 : i32
      %select_n3A_264 = arith.select %and3A_261, %sub3A_263, %div3A_242 : i32
      %jit3A_265 = arith.constant 50 : i32
      %eq3A_266 = arith.constant 0 : i32
      %eq3A_267 = arith.cmpi eq, %jit3A_265, %eq3A_266 : i32
      %jit3A_268 = arith.constant 1 : i32
      %select_n3A_269 = arith.select %eq3A_267, %jit3A_268, %jit3A_265 : i32
      %rem3A_270 = arith.remsi %add3A_240, %select_n3A_269 : i32
      %ne3A_271 = arith.constant 0 : i32
      %ne3A_272 = arith.cmpi ne, %rem3A_270, %ne3A_271 : i32
      %lt3A_273 = arith.constant 0 : i32
      %lt3A_274 = arith.cmpi slt, %rem3A_270, %lt3A_273 : i32
      %lt3A_275 = arith.constant 0 : i32
      %lt3A_276 = arith.cmpi slt, %select_n3A_269, %lt3A_275 : i32
      %ne3A_277 = arith.xori %lt3A_274, %lt3A_276 : i1
      %and3A_278 = arith.andi %ne3A_277, %ne3A_272 : i1
      %add3A_279 = arith.addi %rem3A_270, %select_n3A_269 : i32
      %select_n3A_280 = arith.select %and3A_278, %add3A_279, %rem3A_270 : i32
      %mul3A_281 = arith.constant 128 : i32
      %mul3A_282 = arith.muli %select_n3A_264, %mul3A_281 : i32
      %dma_wait3A_283 = tpu.memref_slice %arg5[%select_n3A_280, %mul3A_282] : memref<50x512xi32, #tpu.memory_space<vmem>> -> memref<1x128xi32, #tpu.memory_space<vmem>>
      %dma_wait3A_284 = tpu.memref_squeeze %dma_wait3A_283 : memref<1x128xi32, #tpu.memory_space<vmem>> -> memref<128xi32, #tpu.memory_space<vmem>>
      %dma_wait3A_285 = arith.constant 0 : i32
      %dma_wait3A_286 = arith.constant 0 : i32
      %dma_wait3A_287 = tpu.memref_slice %arg3[%dma_wait3A_285, %dma_wait3A_286] : memref<1000000x32xf32, #tpu.memory_space<hbm>> -> memref<1000000x32xf32, #tpu.memory_space<hbm>>
      tpu.wait_indirect_dma semaphore(%arg15 : memref<!tpu.dma_semaphore, #tpu.memory_space<semaphore_mem>>) src(%dma_wait3A_287 : memref<1000000x32xf32, #tpu.memory_space<hbm>>) dst(%arg7 : memref<128x32xf32, #tpu.memory_space<vmem>>)
      %gt3A_288 = arith.constant 0 : i32
      %gt3A_289 = arith.cmpi sgt, %scan3A_114, %gt3A_288 : i32
      %convert_element_type3A_290 = arith.extui %gt3A_289 : i1 to i32
      %cond3A_291 = arith.constant 0 : i32
      %cond3A_292 = arith.cmpi ne, %convert_element_type3A_290, %cond3A_291 : i32
      scf.if %cond3A_292 {
        %dma_wait3A_645 = arith.constant 0 : i32
        %dma_wait3A_646 = arith.constant 0 : i32
        %dma_wait3A_647 = arith.constant 0 : i32
        %dma_wait3A_648 = arith.constant 0 : i32
        %dma_wait3A_649 = arith.constant 0 : i32
        %dma_wait3A_650 = tpu.memref_slice %arg11[%dma_wait3A_647, %dma_wait3A_648, %dma_wait3A_649] : memref<4x8x144xf32, #tpu.memory_space<vmem>> -> memref<4x8x128xf32, #tpu.memory_space<vmem>>
        %dma_wait3A_651 = arith.constant 0 : i32
        %dma_wait3A_652 = arith.constant 0 : i32
        %dma_wait3A_653 = arith.constant 0 : i32
        %dma_wait3A_654 = tpu.memref_slice %arg4[%dma_wait3A_645, %dma_wait3A_651, %dma_wait3A_646, %dma_wait3A_652, %dma_wait3A_653] : memref<50x4x128x8x128xf32, #tpu.memory_space<hbm>> -> memref<1x4x1x8x128xf32, #tpu.memory_space<hbm>>
        %dma_wait3A_655 = tpu.memref_squeeze %dma_wait3A_654 : memref<1x4x1x8x128xf32, #tpu.memory_space<hbm>> -> memref<4x8x128xf32, #tpu.memory_space<hbm>>
        %dma_wait3A_656 = arith.constant 0 : i32
        %dma_wait3A_657 = arith.constant 0 : i32
        %dma_wait3A_658 = arith.constant 0 : i32
        %dma_wait3A_659 = tpu.memref_slice %arg4[%dma_wait3A_645, %dma_wait3A_656, %dma_wait3A_646, %dma_wait3A_657, %dma_wait3A_658] : memref<50x4x128x8x128xf32, #tpu.memory_space<hbm>> -> memref<1x4x1x8x128xf32, #tpu.memory_space<hbm>>
        %dma_wait3A_660 = tpu.memref_squeeze %dma_wait3A_659 : memref<1x4x1x8x128xf32, #tpu.memory_space<hbm>> -> memref<4x8x128xf32, #tpu.memory_space<hbm>>
        %dma_wait3A_661 = arith.constant 0 : i32
        %dma_wait3A_662 = arith.constant 0 : i32
        %dma_wait3A_663 = arith.constant 0 : i32
        %dma_wait3A_664 = tpu.memref_slice %arg11[%dma_wait3A_661, %dma_wait3A_662, %dma_wait3A_663] : memref<4x8x144xf32, #tpu.memory_space<vmem>> -> memref<4x8x128xf32, #tpu.memory_space<vmem>>
        tpu.wait_dma2 semaphore(%arg19 : memref<!tpu.dma_semaphore, #tpu.memory_space<semaphore_mem>>) src(%dma_wait3A_664 : memref<4x8x128xf32, #tpu.memory_space<vmem>>) dst(%dma_wait3A_660 : memref<4x8x128xf32, #tpu.memory_space<hbm>>)
      } else {
      }
      %shift_right_logical3A_293 = arith.constant 3 : i32
      %shift_right_logical3A_294 = vector.broadcast %shift_right_logical3A_293 : i32 to vector<16xi32>
      %shift_right_logical3A_295 = arith.shrui %iota3A, %shift_right_logical3A_294 : vector<16xi32>
      %and3A_296 = arith.constant 7 : i32
      %and3A_297 = vector.broadcast %and3A_296 : i32 to vector<16xi32>
      %and3A_298 = arith.andi %iota3A, %and3A_297 : vector<16xi32>
      %scan3A_299 = arith.constant 0 : i32
      %scan3A_300 = arith.constant 0 : i32
      %scan3A_301 = arith.constant 16 : i32
      %scan3A_302 = arith.addi %scan3A_300, %scan3A_301 : i32
      %scan3A_303 = arith.constant 1 : i32
      scf.for %scan3A_645 = %scan3A_300 to %scan3A_302 step %scan3A_303  : i32 {
        %mul3A_646 = arith.constant 8 : i32
        %mul3A_647 = arith.muli %scan3A_645, %mul3A_646 : i32
        %add3A_648 = arith.constant 0 : i32
        %add3A_649 = arith.addi %mul3A_647, %add3A_648 : i32
        %broadcast_in_dim3A = arith.constant 0 : i32
        %broadcast_in_dim3A_650 = vector.broadcast %broadcast_in_dim3A : i32 to vector<16xi32>
        %add3A_651 = vector.broadcast %add3A_649 : i32 to vector<16xi32>
        %add3A_652 = arith.addi %broadcast_in_dim3A_650, %add3A_651 : vector<16xi32>
        %get3A = arith.index_cast %add3A_649 : i32 to index
        %get3A_653 = arith.constant 0 : index
        %get3A_654 = tpu.vector_load %arg7[%get3A, %get3A_653] {strides = array<i32>} : memref<128x32xf32, #tpu.memory_space<vmem>>, vector<16xf32>,
        %mul3A_655 = arith.constant 5.65685415 : f32
        %mul3A_656 = vector.broadcast %mul3A_655 : f32 to vector<16xf32>
        %mul3A_657 = arith.mulf %get3A_654, %mul3A_656 : vector<16xf32>
        tpu.vector_store_idx %arg11[%shift_right_logical3A_295, %and3A_298, %add3A_652], %mul3A_657 : memref<4x8x144xf32, #tpu.memory_space<vmem>>[vector<16xi32>, vector<16xi32>, vector<16xi32>], vector<16xf32>,
        %get3A_658 = arith.index_cast %add3A_649 : i32 to index
        %get3A_659 = arith.constant 16 : index
        %get3A_660 = tpu.vector_load %arg7[%get3A_658, %get3A_659] {strides = array<i32>} : memref<128x32xf32, #tpu.memory_space<vmem>>, vector<16xf32>,
        %mul3A_661 = arith.constant 5.65685415 : f32
        %mul3A_662 = vector.broadcast %mul3A_661 : f32 to vector<16xf32>
        %mul3A_663 = arith.mulf %get3A_660, %mul3A_662 : vector<16xf32>
        %add3A_664 = arith.constant 2 : i32
        %add3A_665 = vector.broadcast %add3A_664 : i32 to vector<16xi32>
        %add3A_666 = arith.addi %shift_right_logical3A_295, %add3A_665 : vector<16xi32>
        tpu.vector_store_idx %arg11[%add3A_666, %and3A_298, %add3A_652], %mul3A_663 : memref<4x8x144xf32, #tpu.memory_space<vmem>>[vector<16xi32>, vector<16xi32>, vector<16xi32>], vector<16xf32>,
        %add3A_667 = arith.constant 1 : i32
        %add3A_668 = arith.addi %mul3A_647, %add3A_667 : i32
        %broadcast_in_dim3A_669 = arith.constant 0 : i32
        %broadcast_in_dim3A_670 = vector.broadcast %broadcast_in_dim3A_669 : i32 to vector<16xi32>
        %add3A_671 = vector.broadcast %add3A_668 : i32 to vector<16xi32>
        %add3A_672 = arith.addi %broadcast_in_dim3A_670, %add3A_671 : vector<16xi32>
        %get3A_673 = arith.index_cast %add3A_668 : i32 to index
        %get3A_674 = arith.constant 0 : index
        %get3A_675 = tpu.vector_load %arg7[%get3A_673, %get3A_674] {strides = array<i32>} : memref<128x32xf32, #tpu.memory_space<vmem>>, vector<16xf32>,
        %mul3A_676 = arith.constant 5.65685415 : f32
        %mul3A_677 = vector.broadcast %mul3A_676 : f32 to vector<16xf32>
        %mul3A_678 = arith.mulf %get3A_675, %mul3A_677 : vector<16xf32>
        tpu.vector_store_idx %arg11[%shift_right_logical3A_295, %and3A_298, %add3A_672], %mul3A_678 : memref<4x8x144xf32, #tpu.memory_space<vmem>>[vector<16xi32>, vector<16xi32>, vector<16xi32>], vector<16xf32>,
        %get3A_679 = arith.index_cast %add3A_668 : i32 to index
        %get3A_680 = arith.constant 16 : index
        %get3A_681 = tpu.vector_load %arg7[%get3A_679, %get3A_680] {strides = array<i32>} : memref<128x32xf32, #tpu.memory_space<vmem>>, vector<16xf32>,
        %mul3A_682 = arith.constant 5.65685415 : f32
        %mul3A_683 = vector.broadcast %mul3A_682 : f32 to vector<16xf32>
        %mul3A_684 = arith.mulf %get3A_681, %mul3A_683 : vector<16xf32>
        %add3A_685 = arith.constant 2 : i32
        %add3A_686 = vector.broadcast %add3A_685 : i32 to vector<16xi32>
        %add3A_687 = arith.addi %shift_right_logical3A_295, %add3A_686 : vector<16xi32>
        tpu.vector_store_idx %arg11[%add3A_687, %and3A_298, %add3A_672], %mul3A_684 : memref<4x8x144xf32, #tpu.memory_space<vmem>>[vector<16xi32>, vector<16xi32>, vector<16xi32>], vector<16xf32>,
        %add3A_688 = arith.constant 2 : i32
        %add3A_689 = arith.addi %mul3A_647, %add3A_688 : i32
        %broadcast_in_dim3A_690 = arith.constant 0 : i32
        %broadcast_in_dim3A_691 = vector.broadcast %broadcast_in_dim3A_690 : i32 to vector<16xi32>
        %add3A_692 = vector.broadcast %add3A_689 : i32 to vector<16xi32>
        %add3A_693 = arith.addi %broadcast_in_dim3A_691, %add3A_692 : vector<16xi32>
        %get3A_694 = arith.index_cast %add3A_689 : i32 to index
        %get3A_695 = arith.constant 0 : index
        %get3A_696 = tpu.vector_load %arg7[%get3A_694, %get3A_695] {strides = array<i32>} : memref<128x32xf32, #tpu.memory_space<vmem>>, vector<16xf32>,
        %mul3A_697 = arith.constant 5.65685415 : f32
        %mul3A_698 = vector.broadcast %mul3A_697 : f32 to vector<16xf32>
        %mul3A_699 = arith.mulf %get3A_696, %mul3A_698 : vector<16xf32>
        tpu.vector_store_idx %arg11[%shift_right_logical3A_295, %and3A_298, %add3A_693], %mul3A_699 : memref<4x8x144xf32, #tpu.memory_space<vmem>>[vector<16xi32>, vector<16xi32>, vector<16xi32>], vector<16xf32>,
        %get3A_700 = arith.index_cast %add3A_689 : i32 to index
        %get3A_701 = arith.constant 16 : index
        %get3A_702 = tpu.vector_load %arg7[%get3A_700, %get3A_701] {strides = array<i32>} : memref<128x32xf32, #tpu.memory_space<vmem>>, vector<16xf32>,
        %mul3A_703 = arith.constant 5.65685415 : f32
        %mul3A_704 = vector.broadcast %mul3A_703 : f32 to vector<16xf32>
        %mul3A_705 = arith.mulf %get3A_702, %mul3A_704 : vector<16xf32>
        %add3A_706 = arith.constant 2 : i32
        %add3A_707 = vector.broadcast %add3A_706 : i32 to vector<16xi32>
        %add3A_708 = arith.addi %shift_right_logical3A_295, %add3A_707 : vector<16xi32>
        tpu.vector_store_idx %arg11[%add3A_708, %and3A_298, %add3A_693], %mul3A_705 : memref<4x8x144xf32, #tpu.memory_space<vmem>>[vector<16xi32>, vector<16xi32>, vector<16xi32>], vector<16xf32>,
        %add3A_709 = arith.constant 3 : i32
        %add3A_710 = arith.addi %mul3A_647, %add3A_709 : i32
        %broadcast_in_dim3A_711 = arith.constant 0 : i32
        %broadcast_in_dim3A_712 = vector.broadcast %broadcast_in_dim3A_711 : i32 to vector<16xi32>
        %add3A_713 = vector.broadcast %add3A_710 : i32 to vector<16xi32>
        %add3A_714 = arith.addi %broadcast_in_dim3A_712, %add3A_713 : vector<16xi32>
        %get3A_715 = arith.index_cast %add3A_710 : i32 to index
        %get3A_716 = arith.constant 0 : index
        %get3A_717 = tpu.vector_load %arg7[%get3A_715, %get3A_716] {strides = array<i32>} : memref<128x32xf32, #tpu.memory_space<vmem>>, vector<16xf32>,
        %mul3A_718 = arith.constant 5.65685415 : f32
        %mul3A_719 = vector.broadcast %mul3A_718 : f32 to vector<16xf32>
        %mul3A_720 = arith.mulf %get3A_717, %mul3A_719 : vector<16xf32>
        tpu.vector_store_idx %arg11[%shift_right_logical3A_295, %and3A_298, %add3A_714], %mul3A_720 : memref<4x8x144xf32, #tpu.memory_space<vmem>>[vector<16xi32>, vector<16xi32>, vector<16xi32>], vector<16xf32>,
        %get3A_721 = arith.index_cast %add3A_710 : i32 to index
        %get3A_722 = arith.constant 16 : index
        %get3A_723 = tpu.vector_load %arg7[%get3A_721, %get3A_722] {strides = array<i32>} : memref<128x32xf32, #tpu.memory_space<vmem>>, vector<16xf32>,
        %mul3A_724 = arith.constant 5.65685415 : f32
        %mul3A_725 = vector.broadcast %mul3A_724 : f32 to vector<16xf32>
        %mul3A_726 = arith.mulf %get3A_723, %mul3A_725 : vector<16xf32>
        %add3A_727 = arith.constant 2 : i32
        %add3A_728 = vector.broadcast %add3A_727 : i32 to vector<16xi32>
        %add3A_729 = arith.addi %shift_right_logical3A_295, %add3A_728 : vector<16xi32>
        tpu.vector_store_idx %arg11[%add3A_729, %and3A_298, %add3A_714], %mul3A_726 : memref<4x8x144xf32, #tpu.memory_space<vmem>>[vector<16xi32>, vector<16xi32>, vector<16xi32>], vector<16xf32>,
        %add3A_730 = arith.constant 4 : i32
        %add3A_731 = arith.addi %mul3A_647, %add3A_730 : i32
        %broadcast_in_dim3A_732 = arith.constant 0 : i32
        %broadcast_in_dim3A_733 = vector.broadcast %broadcast_in_dim3A_732 : i32 to vector<16xi32>
        %add3A_734 = vector.broadcast %add3A_731 : i32 to vector<16xi32>
        %add3A_735 = arith.addi %broadcast_in_dim3A_733, %add3A_734 : vector<16xi32>
        %get3A_736 = arith.index_cast %add3A_731 : i32 to index
        %get3A_737 = arith.constant 0 : index
        %get3A_738 = tpu.vector_load %arg7[%get3A_736, %get3A_737] {strides = array<i32>} : memref<128x32xf32, #tpu.memory_space<vmem>>, vector<16xf32>,
        %mul3A_739 = arith.constant 5.65685415 : f32
        %mul3A_740 = vector.broadcast %mul3A_739 : f32 to vector<16xf32>
        %mul3A_741 = arith.mulf %get3A_738, %mul3A_740 : vector<16xf32>
        tpu.vector_store_idx %arg11[%shift_right_logical3A_295, %and3A_298, %add3A_735], %mul3A_741 : memref<4x8x144xf32, #tpu.memory_space<vmem>>[vector<16xi32>, vector<16xi32>, vector<16xi32>], vector<16xf32>,
        %get3A_742 = arith.index_cast %add3A_731 : i32 to index
        %get3A_743 = arith.constant 16 : index
        %get3A_744 = tpu.vector_load %arg7[%get3A_742, %get3A_743] {strides = array<i32>} : memref<128x32xf32, #tpu.memory_space<vmem>>, vector<16xf32>,
        %mul3A_745 = arith.constant 5.65685415 : f32
        %mul3A_746 = vector.broadcast %mul3A_745 : f32 to vector<16xf32>
        %mul3A_747 = arith.mulf %get3A_744, %mul3A_746 : vector<16xf32>
        %add3A_748 = arith.constant 2 : i32
        %add3A_749 = vector.broadcast %add3A_748 : i32 to vector<16xi32>
        %add3A_750 = arith.addi %shift_right_logical3A_295, %add3A_749 : vector<16xi32>
        tpu.vector_store_idx %arg11[%add3A_750, %and3A_298, %add3A_735], %mul3A_747 : memref<4x8x144xf32, #tpu.memory_space<vmem>>[vector<16xi32>, vector<16xi32>, vector<16xi32>], vector<16xf32>,
        %add3A_751 = arith.constant 5 : i32
        %add3A_752 = arith.addi %mul3A_647, %add3A_751 : i32
        %broadcast_in_dim3A_753 = arith.constant 0 : i32
        %broadcast_in_dim3A_754 = vector.broadcast %broadcast_in_dim3A_753 : i32 to vector<16xi32>
        %add3A_755 = vector.broadcast %add3A_752 : i32 to vector<16xi32>
        %add3A_756 = arith.addi %broadcast_in_dim3A_754, %add3A_755 : vector<16xi32>
        %get3A_757 = arith.index_cast %add3A_752 : i32 to index
        %get3A_758 = arith.constant 0 : index
        %get3A_759 = tpu.vector_load %arg7[%get3A_757, %get3A_758] {strides = array<i32>} : memref<128x32xf32, #tpu.memory_space<vmem>>, vector<16xf32>,
        %mul3A_760 = arith.constant 5.65685415 : f32
        %mul3A_761 = vector.broadcast %mul3A_760 : f32 to vector<16xf32>
        %mul3A_762 = arith.mulf %get3A_759, %mul3A_761 : vector<16xf32>
        tpu.vector_store_idx %arg11[%shift_right_logical3A_295, %and3A_298, %add3A_756], %mul3A_762 : memref<4x8x144xf32, #tpu.memory_space<vmem>>[vector<16xi32>, vector<16xi32>, vector<16xi32>], vector<16xf32>,
        %get3A_763 = arith.index_cast %add3A_752 : i32 to index
        %get3A_764 = arith.constant 16 : index
        %get3A_765 = tpu.vector_load %arg7[%get3A_763, %get3A_764] {strides = array<i32>} : memref<128x32xf32, #tpu.memory_space<vmem>>, vector<16xf32>,
        %mul3A_766 = arith.constant 5.65685415 : f32
        %mul3A_767 = vector.broadcast %mul3A_766 : f32 to vector<16xf32>
        %mul3A_768 = arith.mulf %get3A_765, %mul3A_767 : vector<16xf32>
        %add3A_769 = arith.constant 2 : i32
        %add3A_770 = vector.broadcast %add3A_769 : i32 to vector<16xi32>
        %add3A_771 = arith.addi %shift_right_logical3A_295, %add3A_770 : vector<16xi32>
        tpu.vector_store_idx %arg11[%add3A_771, %and3A_298, %add3A_756], %mul3A_768 : memref<4x8x144xf32, #tpu.memory_space<vmem>>[vector<16xi32>, vector<16xi32>, vector<16xi32>], vector<16xf32>,
        %add3A_772 = arith.constant 6 : i32
        %add3A_773 = arith.addi %mul3A_647, %add3A_772 : i32
        %broadcast_in_dim3A_774 = arith.constant 0 : i32
        %broadcast_in_dim3A_775 = vector.broadcast %broadcast_in_dim3A_774 : i32 to vector<16xi32>
        %add3A_776 = vector.broadcast %add3A_773 : i32 to vector<16xi32>
        %add3A_777 = arith.addi %broadcast_in_dim3A_775, %add3A_776 : vector<16xi32>
        %get3A_778 = arith.index_cast %add3A_773 : i32 to index
        %get3A_779 = arith.constant 0 : index
        %get3A_780 = tpu.vector_load %arg7[%get3A_778, %get3A_779] {strides = array<i32>} : memref<128x32xf32, #tpu.memory_space<vmem>>, vector<16xf32>,
        %mul3A_781 = arith.constant 5.65685415 : f32
        %mul3A_782 = vector.broadcast %mul3A_781 : f32 to vector<16xf32>
        %mul3A_783 = arith.mulf %get3A_780, %mul3A_782 : vector<16xf32>
        tpu.vector_store_idx %arg11[%shift_right_logical3A_295, %and3A_298, %add3A_777], %mul3A_783 : memref<4x8x144xf32, #tpu.memory_space<vmem>>[vector<16xi32>, vector<16xi32>, vector<16xi32>], vector<16xf32>,
        %get3A_784 = arith.index_cast %add3A_773 : i32 to index
        %get3A_785 = arith.constant 16 : index
        %get3A_786 = tpu.vector_load %arg7[%get3A_784, %get3A_785] {strides = array<i32>} : memref<128x32xf32, #tpu.memory_space<vmem>>, vector<16xf32>,
        %mul3A_787 = arith.constant 5.65685415 : f32
        %mul3A_788 = vector.broadcast %mul3A_787 : f32 to vector<16xf32>
        %mul3A_789 = arith.mulf %get3A_786, %mul3A_788 : vector<16xf32>
        %add3A_790 = arith.constant 2 : i32
        %add3A_791 = vector.broadcast %add3A_790 : i32 to vector<16xi32>
        %add3A_792 = arith.addi %shift_right_logical3A_295, %add3A_791 : vector<16xi32>
        tpu.vector_store_idx %arg11[%add3A_792, %and3A_298, %add3A_777], %mul3A_789 : memref<4x8x144xf32, #tpu.memory_space<vmem>>[vector<16xi32>, vector<16xi32>, vector<16xi32>], vector<16xf32>,
        %add3A_793 = arith.constant 7 : i32
        %add3A_794 = arith.addi %mul3A_647, %add3A_793 : i32
        %broadcast_in_dim3A_795 = arith.constant 0 : i32
        %broadcast_in_dim3A_796 = vector.broadcast %broadcast_in_dim3A_795 : i32 to vector<16xi32>
        %add3A_797 = vector.broadcast %add3A_794 : i32 to vector<16xi32>
        %add3A_798 = arith.addi %broadcast_in_dim3A_796, %add3A_797 : vector<16xi32>
        %get3A_799 = arith.index_cast %add3A_794 : i32 to index
        %get3A_800 = arith.constant 0 : index
        %get3A_801 = tpu.vector_load %arg7[%get3A_799, %get3A_800] {strides = array<i32>} : memref<128x32xf32, #tpu.memory_space<vmem>>, vector<16xf32>,
        %mul3A_802 = arith.constant 5.65685415 : f32
        %mul3A_803 = vector.broadcast %mul3A_802 : f32 to vector<16xf32>
        %mul3A_804 = arith.mulf %get3A_801, %mul3A_803 : vector<16xf32>
        tpu.vector_store_idx %arg11[%shift_right_logical3A_295, %and3A_298, %add3A_798], %mul3A_804 : memref<4x8x144xf32, #tpu.memory_space<vmem>>[vector<16xi32>, vector<16xi32>, vector<16xi32>], vector<16xf32>,
        %get3A_805 = arith.index_cast %add3A_794 : i32 to index
        %get3A_806 = arith.constant 16 : index
        %get3A_807 = tpu.vector_load %arg7[%get3A_805, %get3A_806] {strides = array<i32>} : memref<128x32xf32, #tpu.memory_space<vmem>>, vector<16xf32>,
        %mul3A_808 = arith.constant 5.65685415 : f32
        %mul3A_809 = vector.broadcast %mul3A_808 : f32 to vector<16xf32>
        %mul3A_810 = arith.mulf %get3A_807, %mul3A_809 : vector<16xf32>
        %add3A_811 = arith.constant 2 : i32
        %add3A_812 = vector.broadcast %add3A_811 : i32 to vector<16xi32>
        %add3A_813 = arith.addi %shift_right_logical3A_295, %add3A_812 : vector<16xi32>
        tpu.vector_store_idx %arg11[%add3A_813, %and3A_298, %add3A_798], %mul3A_810 : memref<4x8x144xf32, #tpu.memory_space<vmem>>[vector<16xi32>, vector<16xi32>, vector<16xi32>], vector<16xf32>,
      }
      %scan3A_304 = arith.constant 16 : i32
      %jit3A_305 = arith.constant 50 : i32
      %div3A_306 = arith.divsi %add3A_240, %jit3A_305 : i32
      %sign3A_307 = arith.constant 0 : i32
      %sign3A_308 = arith.cmpi sgt, %add3A_240, %sign3A_307 : i32
      %sign3A_309 = arith.extui %sign3A_308 : i1 to i32
      %sign3A_310 = arith.constant 0 : i32
      %sign3A_311 = arith.cmpi slt, %add3A_240, %sign3A_310 : i32
      %sign3A_312 = arith.extui %sign3A_311 : i1 to i32
      %sign3A_313 = arith.subi %sign3A_309, %sign3A_312 : i32
      %sign3A_314 = arith.constant 0 : i32
      %sign3A_315 = arith.cmpi sgt, %jit3A_305, %sign3A_314 : i32
      %sign3A_316 = arith.extui %sign3A_315 : i1 to i32
      %sign3A_317 = arith.constant 0 : i32
      %sign3A_318 = arith.cmpi slt, %jit3A_305, %sign3A_317 : i32
      %sign3A_319 = arith.extui %sign3A_318 : i1 to i32
      %sign3A_320 = arith.subi %sign3A_316, %sign3A_319 : i32
      %ne3A_321 = arith.cmpi ne, %sign3A_313, %sign3A_320 : i32
      %rem3A_322 = arith.remsi %add3A_240, %jit3A_305 : i32
      %ne3A_323 = arith.constant 0 : i32
      %ne3A_324 = arith.cmpi ne, %rem3A_322, %ne3A_323 : i32
      %and3A_325 = arith.andi %ne3A_321, %ne3A_324 : i1
      %sub3A_326 = arith.constant 1 : i32
      %sub3A_327 = arith.subi %div3A_306, %sub3A_326 : i32
      %select_n3A_328 = arith.select %and3A_325, %sub3A_327, %div3A_306 : i32
      %jit3A_329 = arith.constant 50 : i32
      %eq3A_330 = arith.constant 0 : i32
      %eq3A_331 = arith.cmpi eq, %jit3A_329, %eq3A_330 : i32
      %jit3A_332 = arith.constant 1 : i32
      %select_n3A_333 = arith.select %eq3A_331, %jit3A_332, %jit3A_329 : i32
      %rem3A_334 = arith.remsi %add3A_240, %select_n3A_333 : i32
      %ne3A_335 = arith.constant 0 : i32
      %ne3A_336 = arith.cmpi ne, %rem3A_334, %ne3A_335 : i32
      %lt3A_337 = arith.constant 0 : i32
      %lt3A_338 = arith.cmpi slt, %rem3A_334, %lt3A_337 : i32
      %lt3A_339 = arith.constant 0 : i32
      %lt3A_340 = arith.cmpi slt, %select_n3A_333, %lt3A_339 : i32
      %ne3A_341 = arith.xori %lt3A_338, %lt3A_340 : i1
      %and3A_342 = arith.andi %ne3A_341, %ne3A_336 : i1
      %add3A_343 = arith.addi %rem3A_334, %select_n3A_333 : i32
      %select_n3A_344 = arith.select %and3A_342, %add3A_343, %rem3A_334 : i32
      %mul3A_345 = arith.constant 4 : i32
      %mul3A_346 = arith.muli %add3A, %mul3A_345 : i32
      %add3A_347 = arith.addi %mul3A_346, %select_n3A_328 : i32
      %dma_start3A_348 = arith.constant 0 : i32
      %dma_start3A_349 = arith.constant 0 : i32
      %dma_start3A_350 = arith.constant 0 : i32
      %dma_start3A_351 = tpu.memref_slice %arg11[%dma_start3A_348, %dma_start3A_349, %dma_start3A_350] : memref<4x8x144xf32, #tpu.memory_space<vmem>> -> memref<4x8x128xf32, #tpu.memory_space<vmem>>
      %dma_start3A_352 = arith.constant 0 : i32
      %dma_start3A_353 = arith.constant 0 : i32
      %dma_start3A_354 = arith.constant 0 : i32
      %dma_start3A_355 = tpu.memref_slice %arg4[%select_n3A_344, %dma_start3A_352, %add3A_347, %dma_start3A_353, %dma_start3A_354] : memref<50x4x128x8x128xf32, #tpu.memory_space<hbm>> -> memref<1x4x1x8x128xf32, #tpu.memory_space<hbm>>
      %dma_start3A_356 = tpu.memref_squeeze %dma_start3A_355 : memref<1x4x1x8x128xf32, #tpu.memory_space<hbm>> -> memref<4x8x128xf32, #tpu.memory_space<hbm>>
      %dma_start3A_357 = arith.constant 0 : i32
      %dma_start3A_358 = arith.constant 0 : i32
      %dma_start3A_359 = arith.constant 0 : i32
      %dma_start3A_360 = tpu.memref_slice %arg4[%select_n3A_344, %dma_start3A_357, %add3A_347, %dma_start3A_358, %dma_start3A_359] : memref<50x4x128x8x128xf32, #tpu.memory_space<hbm>> -> memref<1x4x1x8x128xf32, #tpu.memory_space<hbm>>
      %dma_start3A_361 = tpu.memref_squeeze %dma_start3A_360 : memref<1x4x1x8x128xf32, #tpu.memory_space<hbm>> -> memref<4x8x128xf32, #tpu.memory_space<hbm>>
      %dma_start3A_362 = arith.constant 0 : i32
      %dma_start3A_363 = arith.constant 0 : i32
      %dma_start3A_364 = arith.constant 0 : i32
      %dma_start3A_365 = tpu.memref_slice %arg11[%dma_start3A_362, %dma_start3A_363, %dma_start3A_364] : memref<4x8x144xf32, #tpu.memory_space<vmem>> -> memref<4x8x128xf32, #tpu.memory_space<vmem>>
      tpu.enqueue_dma source(%dma_start3A_365 : memref<4x8x128xf32, #tpu.memory_space<vmem>>) target(%dma_start3A_361 : memref<4x8x128xf32, #tpu.memory_space<hbm>>) target_semaphore(%arg19 : memref<!tpu.dma_semaphore, #tpu.memory_space<semaphore_mem>>)
      %add3A_366 = arith.constant 4 : i32
      %add3A_367 = arith.addi %add3A_240, %add3A_366 : i32
      %lt3A_368 = arith.constant 200 : i32
      %lt3A_369 = arith.cmpi slt, %add3A_367, %lt3A_368 : i32
      %convert_element_type3A_370 = arith.extui %lt3A_369 : i1 to i32
      %cond3A_371 = arith.constant 0 : i32
      %cond3A_372 = arith.cmpi ne, %convert_element_type3A_370, %cond3A_371 : i32
      scf.if %cond3A_372 {
        %add3A_645 = arith.constant 4 : i32
        %add3A_646 = arith.addi %add3A_240, %add3A_645 : i32
        %jit3A_647 = arith.constant 50 : i32
        %div3A_648 = arith.divsi %add3A_646, %jit3A_647 : i32
        %sign3A_649 = arith.constant 0 : i32
        %sign3A_650 = arith.cmpi sgt, %add3A_646, %sign3A_649 : i32
        %sign3A_651 = arith.extui %sign3A_650 : i1 to i32
        %sign3A_652 = arith.constant 0 : i32
        %sign3A_653 = arith.cmpi slt, %add3A_646, %sign3A_652 : i32
        %sign3A_654 = arith.extui %sign3A_653 : i1 to i32
        %sign3A_655 = arith.subi %sign3A_651, %sign3A_654 : i32
        %sign3A_656 = arith.constant 0 : i32
        %sign3A_657 = arith.cmpi sgt, %jit3A_647, %sign3A_656 : i32
        %sign3A_658 = arith.extui %sign3A_657 : i1 to i32
        %sign3A_659 = arith.constant 0 : i32
        %sign3A_660 = arith.cmpi slt, %jit3A_647, %sign3A_659 : i32
        %sign3A_661 = arith.extui %sign3A_660 : i1 to i32
        %sign3A_662 = arith.subi %sign3A_658, %sign3A_661 : i32
        %ne3A_663 = arith.cmpi ne, %sign3A_655, %sign3A_662 : i32
        %rem3A_664 = arith.remsi %add3A_646, %jit3A_647 : i32
        %ne3A_665 = arith.constant 0 : i32
        %ne3A_666 = arith.cmpi ne, %rem3A_664, %ne3A_665 : i32
        %and3A_667 = arith.andi %ne3A_663, %ne3A_666 : i1
        %sub3A_668 = arith.constant 1 : i32
        %sub3A_669 = arith.subi %div3A_648, %sub3A_668 : i32
        %select_n3A_670 = arith.select %and3A_667, %sub3A_669, %div3A_648 : i32
        %jit3A_671 = arith.constant 50 : i32
        %eq3A_672 = arith.constant 0 : i32
        %eq3A_673 = arith.cmpi eq, %jit3A_671, %eq3A_672 : i32
        %jit3A_674 = arith.constant 1 : i32
        %select_n3A_675 = arith.select %eq3A_673, %jit3A_674, %jit3A_671 : i32
        %rem3A_676 = arith.remsi %add3A_646, %select_n3A_675 : i32
        %ne3A_677 = arith.constant 0 : i32
        %ne3A_678 = arith.cmpi ne, %rem3A_676, %ne3A_677 : i32
        %lt3A_679 = arith.constant 0 : i32
        %lt3A_680 = arith.cmpi slt, %rem3A_676, %lt3A_679 : i32
        %lt3A_681 = arith.constant 0 : i32
        %lt3A_682 = arith.cmpi slt, %select_n3A_675, %lt3A_681 : i32
        %ne3A_683 = arith.xori %lt3A_680, %lt3A_682 : i1
        %and3A_684 = arith.andi %ne3A_683, %ne3A_678 : i1
        %add3A_685 = arith.addi %rem3A_676, %select_n3A_675 : i32
        %select_n3A_686 = arith.select %and3A_684, %add3A_685, %rem3A_676 : i32
        %mul3A_687 = arith.constant 128 : i32
        %mul3A_688 = arith.muli %select_n3A_670, %mul3A_687 : i32
        %dma_start3A_689 = tpu.memref_slice %arg5[%select_n3A_686, %mul3A_688] : memref<50x512xi32, #tpu.memory_space<vmem>> -> memref<1x128xi32, #tpu.memory_space<vmem>>
        %dma_start3A_690 = tpu.memref_squeeze %dma_start3A_689 : memref<1x128xi32, #tpu.memory_space<vmem>> -> memref<128xi32, #tpu.memory_space<vmem>>
        %dma_start3A_691 = arith.constant 0 : i32
        %dma_start3A_692 = arith.constant 0 : i32
        %dma_start3A_693 = tpu.memref_slice %arg3[%dma_start3A_691, %dma_start3A_692] : memref<1000000x32xf32, #tpu.memory_space<hbm>> -> memref<1000000x32xf32, #tpu.memory_space<hbm>>
        tpu.enqueue_indirect_dma source(%dma_start3A_693 : memref<1000000x32xf32, #tpu.memory_space<hbm>>) target(%arg7 : memref<128x32xf32, #tpu.memory_space<vmem>>) offsets(%dma_start3A_690 : memref<128xi32, #tpu.memory_space<vmem>>) semaphore(%arg15 : memref<!tpu.dma_semaphore, #tpu.memory_space<semaphore_mem>>)
      } else {
      }
      %mul3A_373 = arith.constant 4 : i32
      %mul3A_374 = arith.muli %scan3A_114, %mul3A_373 : i32
      %add3A_375 = arith.constant 2 : i32
      %add3A_376 = arith.addi %mul3A_374, %add3A_375 : i32
      %jit3A_377 = arith.constant 50 : i32
      %div3A_378 = arith.divsi %add3A_376, %jit3A_377 : i32
      %sign3A_379 = arith.constant 0 : i32
      %sign3A_380 = arith.cmpi sgt, %add3A_376, %sign3A_379 : i32
      %sign3A_381 = arith.extui %sign3A_380 : i1 to i32
      %sign3A_382 = arith.constant 0 : i32
      %sign3A_383 = arith.cmpi slt, %add3A_376, %sign3A_382 : i32
      %sign3A_384 = arith.extui %sign3A_383 : i1 to i32
      %sign3A_385 = arith.subi %sign3A_381, %sign3A_384 : i32
      %sign3A_386 = arith.constant 0 : i32
      %sign3A_387 = arith.cmpi sgt, %jit3A_377, %sign3A_386 : i32
      %sign3A_388 = arith.extui %sign3A_387 : i1 to i32
      %sign3A_389 = arith.constant 0 : i32
      %sign3A_390 = arith.cmpi slt, %jit3A_377, %sign3A_389 : i32
      %sign3A_391 = arith.extui %sign3A_390 : i1 to i32
      %sign3A_392 = arith.subi %sign3A_388, %sign3A_391 : i32
      %ne3A_393 = arith.cmpi ne, %sign3A_385, %sign3A_392 : i32
      %rem3A_394 = arith.remsi %add3A_376, %jit3A_377 : i32
      %ne3A_395 = arith.constant 0 : i32
      %ne3A_396 = arith.cmpi ne, %rem3A_394, %ne3A_395 : i32
      %and3A_397 = arith.andi %ne3A_393, %ne3A_396 : i1
      %sub3A_398 = arith.constant 1 : i32
      %sub3A_399 = arith.subi %div3A_378, %sub3A_398 : i32
      %select_n3A_400 = arith.select %and3A_397, %sub3A_399, %div3A_378 : i32
      %jit3A_401 = arith.constant 50 : i32
      %eq3A_402 = arith.constant 0 : i32
      %eq3A_403 = arith.cmpi eq, %jit3A_401, %eq3A_402 : i32
      %jit3A_404 = arith.constant 1 : i32
      %select_n3A_405 = arith.select %eq3A_403, %jit3A_404, %jit3A_401 : i32
      %rem3A_406 = arith.remsi %add3A_376, %select_n3A_405 : i32
      %ne3A_407 = arith.constant 0 : i32
      %ne3A_408 = arith.cmpi ne, %rem3A_406, %ne3A_407 : i32
      %lt3A_409 = arith.constant 0 : i32
      %lt3A_410 = arith.cmpi slt, %rem3A_406, %lt3A_409 : i32
      %lt3A_411 = arith.constant 0 : i32
      %lt3A_412 = arith.cmpi slt, %select_n3A_405, %lt3A_411 : i32
      %ne3A_413 = arith.xori %lt3A_410, %lt3A_412 : i1
      %and3A_414 = arith.andi %ne3A_413, %ne3A_408 : i1
      %add3A_415 = arith.addi %rem3A_406, %select_n3A_405 : i32
      %select_n3A_416 = arith.select %and3A_414, %add3A_415, %rem3A_406 : i32
      %mul3A_417 = arith.constant 128 : i32
      %mul3A_418 = arith.muli %select_n3A_400, %mul3A_417 : i32
      %dma_wait3A_419 = tpu.memref_slice %arg5[%select_n3A_416, %mul3A_418] : memref<50x512xi32, #tpu.memory_space<vmem>> -> memref<1x128xi32, #tpu.memory_space<vmem>>
      %dma_wait3A_420 = tpu.memref_squeeze %dma_wait3A_419 : memref<1x128xi32, #tpu.memory_space<vmem>> -> memref<128xi32, #tpu.memory_space<vmem>>
      %dma_wait3A_421 = arith.constant 0 : i32
      %dma_wait3A_422 = arith.constant 0 : i32
      %dma_wait3A_423 = tpu.memref_slice %arg3[%dma_wait3A_421, %dma_wait3A_422] : memref<1000000x32xf32, #tpu.memory_space<hbm>> -> memref<1000000x32xf32, #tpu.memory_space<hbm>>
      tpu.wait_indirect_dma semaphore(%arg16 : memref<!tpu.dma_semaphore, #tpu.memory_space<semaphore_mem>>) src(%dma_wait3A_423 : memref<1000000x32xf32, #tpu.memory_space<hbm>>) dst(%arg8 : memref<128x32xf32, #tpu.memory_space<vmem>>)
      %gt3A_424 = arith.constant 0 : i32
      %gt3A_425 = arith.cmpi sgt, %scan3A_114, %gt3A_424 : i32
      %convert_element_type3A_426 = arith.extui %gt3A_425 : i1 to i32
      %cond3A_427 = arith.constant 0 : i32
      %cond3A_428 = arith.cmpi ne, %convert_element_type3A_426, %cond3A_427 : i32
      scf.if %cond3A_428 {
        %dma_wait3A_645 = arith.constant 0 : i32
        %dma_wait3A_646 = arith.constant 0 : i32
        %dma_wait3A_647 = arith.constant 0 : i32
        %dma_wait3A_648 = arith.constant 0 : i32
        %dma_wait3A_649 = arith.constant 0 : i32
        %dma_wait3A_650 = tpu.memref_slice %arg12[%dma_wait3A_647, %dma_wait3A_648, %dma_wait3A_649] : memref<4x8x144xf32, #tpu.memory_space<vmem>> -> memref<4x8x128xf32, #tpu.memory_space<vmem>>
        %dma_wait3A_651 = arith.constant 0 : i32
        %dma_wait3A_652 = arith.constant 0 : i32
        %dma_wait3A_653 = arith.constant 0 : i32
        %dma_wait3A_654 = tpu.memref_slice %arg4[%dma_wait3A_645, %dma_wait3A_651, %dma_wait3A_646, %dma_wait3A_652, %dma_wait3A_653] : memref<50x4x128x8x128xf32, #tpu.memory_space<hbm>> -> memref<1x4x1x8x128xf32, #tpu.memory_space<hbm>>
        %dma_wait3A_655 = tpu.memref_squeeze %dma_wait3A_654 : memref<1x4x1x8x128xf32, #tpu.memory_space<hbm>> -> memref<4x8x128xf32, #tpu.memory_space<hbm>>
        %dma_wait3A_656 = arith.constant 0 : i32
        %dma_wait3A_657 = arith.constant 0 : i32
        %dma_wait3A_658 = arith.constant 0 : i32
        %dma_wait3A_659 = tpu.memref_slice %arg4[%dma_wait3A_645, %dma_wait3A_656, %dma_wait3A_646, %dma_wait3A_657, %dma_wait3A_658] : memref<50x4x128x8x128xf32, #tpu.memory_space<hbm>> -> memref<1x4x1x8x128xf32, #tpu.memory_space<hbm>>
        %dma_wait3A_660 = tpu.memref_squeeze %dma_wait3A_659 : memref<1x4x1x8x128xf32, #tpu.memory_space<hbm>> -> memref<4x8x128xf32, #tpu.memory_space<hbm>>
        %dma_wait3A_661 = arith.constant 0 : i32
        %dma_wait3A_662 = arith.constant 0 : i32
        %dma_wait3A_663 = arith.constant 0 : i32
        %dma_wait3A_664 = tpu.memref_slice %arg12[%dma_wait3A_661, %dma_wait3A_662, %dma_wait3A_663] : memref<4x8x144xf32, #tpu.memory_space<vmem>> -> memref<4x8x128xf32, #tpu.memory_space<vmem>>
        tpu.wait_dma2 semaphore(%arg20 : memref<!tpu.dma_semaphore, #tpu.memory_space<semaphore_mem>>) src(%dma_wait3A_664 : memref<4x8x128xf32, #tpu.memory_space<vmem>>) dst(%dma_wait3A_660 : memref<4x8x128xf32, #tpu.memory_space<hbm>>)
      } else {
      }
      %shift_right_logical3A_429 = arith.constant 3 : i32
      %shift_right_logical3A_430 = vector.broadcast %shift_right_logical3A_429 : i32 to vector<16xi32>
      %shift_right_logical3A_431 = arith.shrui %iota3A, %shift_right_logical3A_430 : vector<16xi32>
      %and3A_432 = arith.constant 7 : i32
      %and3A_433 = vector.broadcast %and3A_432 : i32 to vector<16xi32>
      %and3A_434 = arith.andi %iota3A, %and3A_433 : vector<16xi32>
      %scan3A_435 = arith.constant 0 : i32
      %scan3A_436 = arith.constant 0 : i32
      %scan3A_437 = arith.constant 16 : i32
      %scan3A_438 = arith.addi %scan3A_436, %scan3A_437 : i32
      %scan3A_439 = arith.constant 1 : i32
      scf.for %scan3A_645 = %scan3A_436 to %scan3A_438 step %scan3A_439  : i32 {
        %mul3A_646 = arith.constant 8 : i32
        %mul3A_647 = arith.muli %scan3A_645, %mul3A_646 : i32
        %add3A_648 = arith.constant 0 : i32
        %add3A_649 = arith.addi %mul3A_647, %add3A_648 : i32
        %broadcast_in_dim3A = arith.constant 0 : i32
        %broadcast_in_dim3A_650 = vector.broadcast %broadcast_in_dim3A : i32 to vector<16xi32>
        %add3A_651 = vector.broadcast %add3A_649 : i32 to vector<16xi32>
        %add3A_652 = arith.addi %broadcast_in_dim3A_650, %add3A_651 : vector<16xi32>
        %get3A = arith.index_cast %add3A_649 : i32 to index
        %get3A_653 = arith.constant 0 : index
        %get3A_654 = tpu.vector_load %arg8[%get3A, %get3A_653] {strides = array<i32>} : memref<128x32xf32, #tpu.memory_space<vmem>>, vector<16xf32>,
        %mul3A_655 = arith.constant 5.65685415 : f32
        %mul3A_656 = vector.broadcast %mul3A_655 : f32 to vector<16xf32>
        %mul3A_657 = arith.mulf %get3A_654, %mul3A_656 : vector<16xf32>
        tpu.vector_store_idx %arg12[%shift_right_logical3A_431, %and3A_434, %add3A_652], %mul3A_657 : memref<4x8x144xf32, #tpu.memory_space<vmem>>[vector<16xi32>, vector<16xi32>, vector<16xi32>], vector<16xf32>,
        %get3A_658 = arith.index_cast %add3A_649 : i32 to index
        %get3A_659 = arith.constant 16 : index
        %get3A_660 = tpu.vector_load %arg8[%get3A_658, %get3A_659] {strides = array<i32>} : memref<128x32xf32, #tpu.memory_space<vmem>>, vector<16xf32>,
        %mul3A_661 = arith.constant 5.65685415 : f32
        %mul3A_662 = vector.broadcast %mul3A_661 : f32 to vector<16xf32>
        %mul3A_663 = arith.mulf %get3A_660, %mul3A_662 : vector<16xf32>
        %add3A_664 = arith.constant 2 : i32
        %add3A_665 = vector.broadcast %add3A_664 : i32 to vector<16xi32>
        %add3A_666 = arith.addi %shift_right_logical3A_431, %add3A_665 : vector<16xi32>
        tpu.vector_store_idx %arg12[%add3A_666, %and3A_434, %add3A_652], %mul3A_663 : memref<4x8x144xf32, #tpu.memory_space<vmem>>[vector<16xi32>, vector<16xi32>, vector<16xi32>], vector<16xf32>,
        %add3A_667 = arith.constant 1 : i32
        %add3A_668 = arith.addi %mul3A_647, %add3A_667 : i32
        %broadcast_in_dim3A_669 = arith.constant 0 : i32
        %broadcast_in_dim3A_670 = vector.broadcast %broadcast_in_dim3A_669 : i32 to vector<16xi32>
        %add3A_671 = vector.broadcast %add3A_668 : i32 to vector<16xi32>
        %add3A_672 = arith.addi %broadcast_in_dim3A_670, %add3A_671 : vector<16xi32>
        %get3A_673 = arith.index_cast %add3A_668 : i32 to index
        %get3A_674 = arith.constant 0 : index
        %get3A_675 = tpu.vector_load %arg8[%get3A_673, %get3A_674] {strides = array<i32>} : memref<128x32xf32, #tpu.memory_space<vmem>>, vector<16xf32>,
        %mul3A_676 = arith.constant 5.65685415 : f32
        %mul3A_677 = vector.broadcast %mul3A_676 : f32 to vector<16xf32>
        %mul3A_678 = arith.mulf %get3A_675, %mul3A_677 : vector<16xf32>
        tpu.vector_store_idx %arg12[%shift_right_logical3A_431, %and3A_434, %add3A_672], %mul3A_678 : memref<4x8x144xf32, #tpu.memory_space<vmem>>[vector<16xi32>, vector<16xi32>, vector<16xi32>], vector<16xf32>,
        %get3A_679 = arith.index_cast %add3A_668 : i32 to index
        %get3A_680 = arith.constant 16 : index
        %get3A_681 = tpu.vector_load %arg8[%get3A_679, %get3A_680] {strides = array<i32>} : memref<128x32xf32, #tpu.memory_space<vmem>>, vector<16xf32>,
        %mul3A_682 = arith.constant 5.65685415 : f32
        %mul3A_683 = vector.broadcast %mul3A_682 : f32 to vector<16xf32>
        %mul3A_684 = arith.mulf %get3A_681, %mul3A_683 : vector<16xf32>
        %add3A_685 = arith.constant 2 : i32
        %add3A_686 = vector.broadcast %add3A_685 : i32 to vector<16xi32>
        %add3A_687 = arith.addi %shift_right_logical3A_431, %add3A_686 : vector<16xi32>
        tpu.vector_store_idx %arg12[%add3A_687, %and3A_434, %add3A_672], %mul3A_684 : memref<4x8x144xf32, #tpu.memory_space<vmem>>[vector<16xi32>, vector<16xi32>, vector<16xi32>], vector<16xf32>,
        %add3A_688 = arith.constant 2 : i32
        %add3A_689 = arith.addi %mul3A_647, %add3A_688 : i32
        %broadcast_in_dim3A_690 = arith.constant 0 : i32
        %broadcast_in_dim3A_691 = vector.broadcast %broadcast_in_dim3A_690 : i32 to vector<16xi32>
        %add3A_692 = vector.broadcast %add3A_689 : i32 to vector<16xi32>
        %add3A_693 = arith.addi %broadcast_in_dim3A_691, %add3A_692 : vector<16xi32>
        %get3A_694 = arith.index_cast %add3A_689 : i32 to index
        %get3A_695 = arith.constant 0 : index
        %get3A_696 = tpu.vector_load %arg8[%get3A_694, %get3A_695] {strides = array<i32>} : memref<128x32xf32, #tpu.memory_space<vmem>>, vector<16xf32>,
        %mul3A_697 = arith.constant 5.65685415 : f32
        %mul3A_698 = vector.broadcast %mul3A_697 : f32 to vector<16xf32>
        %mul3A_699 = arith.mulf %get3A_696, %mul3A_698 : vector<16xf32>
        tpu.vector_store_idx %arg12[%shift_right_logical3A_431, %and3A_434, %add3A_693], %mul3A_699 : memref<4x8x144xf32, #tpu.memory_space<vmem>>[vector<16xi32>, vector<16xi32>, vector<16xi32>], vector<16xf32>,
        %get3A_700 = arith.index_cast %add3A_689 : i32 to index
        %get3A_701 = arith.constant 16 : index
        %get3A_702 = tpu.vector_load %arg8[%get3A_700, %get3A_701] {strides = array<i32>} : memref<128x32xf32, #tpu.memory_space<vmem>>, vector<16xf32>,
        %mul3A_703 = arith.constant 5.65685415 : f32
        %mul3A_704 = vector.broadcast %mul3A_703 : f32 to vector<16xf32>
        %mul3A_705 = arith.mulf %get3A_702, %mul3A_704 : vector<16xf32>
        %add3A_706 = arith.constant 2 : i32
        %add3A_707 = vector.broadcast %add3A_706 : i32 to vector<16xi32>
        %add3A_708 = arith.addi %shift_right_logical3A_431, %add3A_707 : vector<16xi32>
        tpu.vector_store_idx %arg12[%add3A_708, %and3A_434, %add3A_693], %mul3A_705 : memref<4x8x144xf32, #tpu.memory_space<vmem>>[vector<16xi32>, vector<16xi32>, vector<16xi32>], vector<16xf32>,
        %add3A_709 = arith.constant 3 : i32
        %add3A_710 = arith.addi %mul3A_647, %add3A_709 : i32
        %broadcast_in_dim3A_711 = arith.constant 0 : i32
        %broadcast_in_dim3A_712 = vector.broadcast %broadcast_in_dim3A_711 : i32 to vector<16xi32>
        %add3A_713 = vector.broadcast %add3A_710 : i32 to vector<16xi32>
        %add3A_714 = arith.addi %broadcast_in_dim3A_712, %add3A_713 : vector<16xi32>
        %get3A_715 = arith.index_cast %add3A_710 : i32 to index
        %get3A_716 = arith.constant 0 : index
        %get3A_717 = tpu.vector_load %arg8[%get3A_715, %get3A_716] {strides = array<i32>} : memref<128x32xf32, #tpu.memory_space<vmem>>, vector<16xf32>,
        %mul3A_718 = arith.constant 5.65685415 : f32
        %mul3A_719 = vector.broadcast %mul3A_718 : f32 to vector<16xf32>
        %mul3A_720 = arith.mulf %get3A_717, %mul3A_719 : vector<16xf32>
        tpu.vector_store_idx %arg12[%shift_right_logical3A_431, %and3A_434, %add3A_714], %mul3A_720 : memref<4x8x144xf32, #tpu.memory_space<vmem>>[vector<16xi32>, vector<16xi32>, vector<16xi32>], vector<16xf32>,
        %get3A_721 = arith.index_cast %add3A_710 : i32 to index
        %get3A_722 = arith.constant 16 : index
        %get3A_723 = tpu.vector_load %arg8[%get3A_721, %get3A_722] {strides = array<i32>} : memref<128x32xf32, #tpu.memory_space<vmem>>, vector<16xf32>,
        %mul3A_724 = arith.constant 5.65685415 : f32
        %mul3A_725 = vector.broadcast %mul3A_724 : f32 to vector<16xf32>
        %mul3A_726 = arith.mulf %get3A_723, %mul3A_725 : vector<16xf32>
        %add3A_727 = arith.constant 2 : i32
        %add3A_728 = vector.broadcast %add3A_727 : i32 to vector<16xi32>
        %add3A_729 = arith.addi %shift_right_logical3A_431, %add3A_728 : vector<16xi32>
        tpu.vector_store_idx %arg12[%add3A_729, %and3A_434, %add3A_714], %mul3A_726 : memref<4x8x144xf32, #tpu.memory_space<vmem>>[vector<16xi32>, vector<16xi32>, vector<16xi32>], vector<16xf32>,
        %add3A_730 = arith.constant 4 : i32
        %add3A_731 = arith.addi %mul3A_647, %add3A_730 : i32
        %broadcast_in_dim3A_732 = arith.constant 0 : i32
        %broadcast_in_dim3A_733 = vector.broadcast %broadcast_in_dim3A_732 : i32 to vector<16xi32>
        %add3A_734 = vector.broadcast %add3A_731 : i32 to vector<16xi32>
        %add3A_735 = arith.addi %broadcast_in_dim3A_733, %add3A_734 : vector<16xi32>
        %get3A_736 = arith.index_cast %add3A_731 : i32 to index
        %get3A_737 = arith.constant 0 : index
        %get3A_738 = tpu.vector_load %arg8[%get3A_736, %get3A_737] {strides = array<i32>} : memref<128x32xf32, #tpu.memory_space<vmem>>, vector<16xf32>,
        %mul3A_739 = arith.constant 5.65685415 : f32
        %mul3A_740 = vector.broadcast %mul3A_739 : f32 to vector<16xf32>
        %mul3A_741 = arith.mulf %get3A_738, %mul3A_740 : vector<16xf32>
        tpu.vector_store_idx %arg12[%shift_right_logical3A_431, %and3A_434, %add3A_735], %mul3A_741 : memref<4x8x144xf32, #tpu.memory_space<vmem>>[vector<16xi32>, vector<16xi32>, vector<16xi32>], vector<16xf32>,
        %get3A_742 = arith.index_cast %add3A_731 : i32 to index
        %get3A_743 = arith.constant 16 : index
        %get3A_744 = tpu.vector_load %arg8[%get3A_742, %get3A_743] {strides = array<i32>} : memref<128x32xf32, #tpu.memory_space<vmem>>, vector<16xf32>,
        %mul3A_745 = arith.constant 5.65685415 : f32
        %mul3A_746 = vector.broadcast %mul3A_745 : f32 to vector<16xf32>
        %mul3A_747 = arith.mulf %get3A_744, %mul3A_746 : vector<16xf32>
        %add3A_748 = arith.constant 2 : i32
        %add3A_749 = vector.broadcast %add3A_748 : i32 to vector<16xi32>
        %add3A_750 = arith.addi %shift_right_logical3A_431, %add3A_749 : vector<16xi32>
        tpu.vector_store_idx %arg12[%add3A_750, %and3A_434, %add3A_735], %mul3A_747 : memref<4x8x144xf32, #tpu.memory_space<vmem>>[vector<16xi32>, vector<16xi32>, vector<16xi32>], vector<16xf32>,
        %add3A_751 = arith.constant 5 : i32
        %add3A_752 = arith.addi %mul3A_647, %add3A_751 : i32
        %broadcast_in_dim3A_753 = arith.constant 0 : i32
        %broadcast_in_dim3A_754 = vector.broadcast %broadcast_in_dim3A_753 : i32 to vector<16xi32>
        %add3A_755 = vector.broadcast %add3A_752 : i32 to vector<16xi32>
        %add3A_756 = arith.addi %broadcast_in_dim3A_754, %add3A_755 : vector<16xi32>
        %get3A_757 = arith.index_cast %add3A_752 : i32 to index
        %get3A_758 = arith.constant 0 : index
        %get3A_759 = tpu.vector_load %arg8[%get3A_757, %get3A_758] {strides = array<i32>} : memref<128x32xf32, #tpu.memory_space<vmem>>, vector<16xf32>,
        %mul3A_760 = arith.constant 5.65685415 : f32
        %mul3A_761 = vector.broadcast %mul3A_760 : f32 to vector<16xf32>
        %mul3A_762 = arith.mulf %get3A_759, %mul3A_761 : vector<16xf32>
        tpu.vector_store_idx %arg12[%shift_right_logical3A_431, %and3A_434, %add3A_756], %mul3A_762 : memref<4x8x144xf32, #tpu.memory_space<vmem>>[vector<16xi32>, vector<16xi32>, vector<16xi32>], vector<16xf32>,
        %get3A_763 = arith.index_cast %add3A_752 : i32 to index
        %get3A_764 = arith.constant 16 : index
        %get3A_765 = tpu.vector_load %arg8[%get3A_763, %get3A_764] {strides = array<i32>} : memref<128x32xf32, #tpu.memory_space<vmem>>, vector<16xf32>,
        %mul3A_766 = arith.constant 5.65685415 : f32
        %mul3A_767 = vector.broadcast %mul3A_766 : f32 to vector<16xf32>
        %mul3A_768 = arith.mulf %get3A_765, %mul3A_767 : vector<16xf32>
        %add3A_769 = arith.constant 2 : i32
        %add3A_770 = vector.broadcast %add3A_769 : i32 to vector<16xi32>
        %add3A_771 = arith.addi %shift_right_logical3A_431, %add3A_770 : vector<16xi32>
        tpu.vector_store_idx %arg12[%add3A_771, %and3A_434, %add3A_756], %mul3A_768 : memref<4x8x144xf32, #tpu.memory_space<vmem>>[vector<16xi32>, vector<16xi32>, vector<16xi32>], vector<16xf32>,
        %add3A_772 = arith.constant 6 : i32
        %add3A_773 = arith.addi %mul3A_647, %add3A_772 : i32
        %broadcast_in_dim3A_774 = arith.constant 0 : i32
        %broadcast_in_dim3A_775 = vector.broadcast %broadcast_in_dim3A_774 : i32 to vector<16xi32>
        %add3A_776 = vector.broadcast %add3A_773 : i32 to vector<16xi32>
        %add3A_777 = arith.addi %broadcast_in_dim3A_775, %add3A_776 : vector<16xi32>
        %get3A_778 = arith.index_cast %add3A_773 : i32 to index
        %get3A_779 = arith.constant 0 : index
        %get3A_780 = tpu.vector_load %arg8[%get3A_778, %get3A_779] {strides = array<i32>} : memref<128x32xf32, #tpu.memory_space<vmem>>, vector<16xf32>,
        %mul3A_781 = arith.constant 5.65685415 : f32
        %mul3A_782 = vector.broadcast %mul3A_781 : f32 to vector<16xf32>
        %mul3A_783 = arith.mulf %get3A_780, %mul3A_782 : vector<16xf32>
        tpu.vector_store_idx %arg12[%shift_right_logical3A_431, %and3A_434, %add3A_777], %mul3A_783 : memref<4x8x144xf32, #tpu.memory_space<vmem>>[vector<16xi32>, vector<16xi32>, vector<16xi32>], vector<16xf32>,
        %get3A_784 = arith.index_cast %add3A_773 : i32 to index
        %get3A_785 = arith.constant 16 : index
        %get3A_786 = tpu.vector_load %arg8[%get3A_784, %get3A_785] {strides = array<i32>} : memref<128x32xf32, #tpu.memory_space<vmem>>, vector<16xf32>,
        %mul3A_787 = arith.constant 5.65685415 : f32
        %mul3A_788 = vector.broadcast %mul3A_787 : f32 to vector<16xf32>
        %mul3A_789 = arith.mulf %get3A_786, %mul3A_788 : vector<16xf32>
        %add3A_790 = arith.constant 2 : i32
        %add3A_791 = vector.broadcast %add3A_790 : i32 to vector<16xi32>
        %add3A_792 = arith.addi %shift_right_logical3A_431, %add3A_791 : vector<16xi32>
        tpu.vector_store_idx %arg12[%add3A_792, %and3A_434, %add3A_777], %mul3A_789 : memref<4x8x144xf32, #tpu.memory_space<vmem>>[vector<16xi32>, vector<16xi32>, vector<16xi32>], vector<16xf32>,
        %add3A_793 = arith.constant 7 : i32
        %add3A_794 = arith.addi %mul3A_647, %add3A_793 : i32
        %broadcast_in_dim3A_795 = arith.constant 0 : i32
        %broadcast_in_dim3A_796 = vector.broadcast %broadcast_in_dim3A_795 : i32 to vector<16xi32>
        %add3A_797 = vector.broadcast %add3A_794 : i32 to vector<16xi32>
        %add3A_798 = arith.addi %broadcast_in_dim3A_796, %add3A_797 : vector<16xi32>
        %get3A_799 = arith.index_cast %add3A_794 : i32 to index
        %get3A_800 = arith.constant 0 : index
        %get3A_801 = tpu.vector_load %arg8[%get3A_799, %get3A_800] {strides = array<i32>} : memref<128x32xf32, #tpu.memory_space<vmem>>, vector<16xf32>,
        %mul3A_802 = arith.constant 5.65685415 : f32
        %mul3A_803 = vector.broadcast %mul3A_802 : f32 to vector<16xf32>
        %mul3A_804 = arith.mulf %get3A_801, %mul3A_803 : vector<16xf32>
        tpu.vector_store_idx %arg12[%shift_right_logical3A_431, %and3A_434, %add3A_798], %mul3A_804 : memref<4x8x144xf32, #tpu.memory_space<vmem>>[vector<16xi32>, vector<16xi32>, vector<16xi32>], vector<16xf32>,
        %get3A_805 = arith.index_cast %add3A_794 : i32 to index
        %get3A_806 = arith.constant 16 : index
        %get3A_807 = tpu.vector_load %arg8[%get3A_805, %get3A_806] {strides = array<i32>} : memref<128x32xf32, #tpu.memory_space<vmem>>, vector<16xf32>,
        %mul3A_808 = arith.constant 5.65685415 : f32
        %mul3A_809 = vector.broadcast %mul3A_808 : f32 to vector<16xf32>
        %mul3A_810 = arith.mulf %get3A_807, %mul3A_809 : vector<16xf32>
        %add3A_811 = arith.constant 2 : i32
        %add3A_812 = vector.broadcast %add3A_811 : i32 to vector<16xi32>
        %add3A_813 = arith.addi %shift_right_logical3A_431, %add3A_812 : vector<16xi32>
        tpu.vector_store_idx %arg12[%add3A_813, %and3A_434, %add3A_798], %mul3A_810 : memref<4x8x144xf32, #tpu.memory_space<vmem>>[vector<16xi32>, vector<16xi32>, vector<16xi32>], vector<16xf32>,
      }
      %scan3A_440 = arith.constant 16 : i32
      %jit3A_441 = arith.constant 50 : i32
      %div3A_442 = arith.divsi %add3A_376, %jit3A_441 : i32
      %sign3A_443 = arith.constant 0 : i32
      %sign3A_444 = arith.cmpi sgt, %add3A_376, %sign3A_443 : i32
      %sign3A_445 = arith.extui %sign3A_444 : i1 to i32
      %sign3A_446 = arith.constant 0 : i32
      %sign3A_447 = arith.cmpi slt, %add3A_376, %sign3A_446 : i32
      %sign3A_448 = arith.extui %sign3A_447 : i1 to i32
      %sign3A_449 = arith.subi %sign3A_445, %sign3A_448 : i32
      %sign3A_450 = arith.constant 0 : i32
      %sign3A_451 = arith.cmpi sgt, %jit3A_441, %sign3A_450 : i32
      %sign3A_452 = arith.extui %sign3A_451 : i1 to i32
      %sign3A_453 = arith.constant 0 : i32
      %sign3A_454 = arith.cmpi slt, %jit3A_441, %sign3A_453 : i32
      %sign3A_455 = arith.extui %sign3A_454 : i1 to i32
      %sign3A_456 = arith.subi %sign3A_452, %sign3A_455 : i32
      %ne3A_457 = arith.cmpi ne, %sign3A_449, %sign3A_456 : i32
      %rem3A_458 = arith.remsi %add3A_376, %jit3A_441 : i32
      %ne3A_459 = arith.constant 0 : i32
      %ne3A_460 = arith.cmpi ne, %rem3A_458, %ne3A_459 : i32
      %and3A_461 = arith.andi %ne3A_457, %ne3A_460 : i1
      %sub3A_462 = arith.constant 1 : i32
      %sub3A_463 = arith.subi %div3A_442, %sub3A_462 : i32
      %select_n3A_464 = arith.select %and3A_461, %sub3A_463, %div3A_442 : i32
      %jit3A_465 = arith.constant 50 : i32
      %eq3A_466 = arith.constant 0 : i32
      %eq3A_467 = arith.cmpi eq, %jit3A_465, %eq3A_466 : i32
      %jit3A_468 = arith.constant 1 : i32
      %select_n3A_469 = arith.select %eq3A_467, %jit3A_468, %jit3A_465 : i32
      %rem3A_470 = arith.remsi %add3A_376, %select_n3A_469 : i32
      %ne3A_471 = arith.constant 0 : i32
      %ne3A_472 = arith.cmpi ne, %rem3A_470, %ne3A_471 : i32
      %lt3A_473 = arith.constant 0 : i32
      %lt3A_474 = arith.cmpi slt, %rem3A_470, %lt3A_473 : i32
      %lt3A_475 = arith.constant 0 : i32
      %lt3A_476 = arith.cmpi slt, %select_n3A_469, %lt3A_475 : i32
      %ne3A_477 = arith.xori %lt3A_474, %lt3A_476 : i1
      %and3A_478 = arith.andi %ne3A_477, %ne3A_472 : i1
      %add3A_479 = arith.addi %rem3A_470, %select_n3A_469 : i32
      %select_n3A_480 = arith.select %and3A_478, %add3A_479, %rem3A_470 : i32
      %mul3A_481 = arith.constant 4 : i32
      %mul3A_482 = arith.muli %add3A, %mul3A_481 : i32
      %add3A_483 = arith.addi %mul3A_482, %select_n3A_464 : i32
      %dma_start3A_484 = arith.constant 0 : i32
      %dma_start3A_485 = arith.constant 0 : i32
      %dma_start3A_486 = arith.constant 0 : i32
      %dma_start3A_487 = tpu.memref_slice %arg12[%dma_start3A_484, %dma_start3A_485, %dma_start3A_486] : memref<4x8x144xf32, #tpu.memory_space<vmem>> -> memref<4x8x128xf32, #tpu.memory_space<vmem>>
      %dma_start3A_488 = arith.constant 0 : i32
      %dma_start3A_489 = arith.constant 0 : i32
      %dma_start3A_490 = arith.constant 0 : i32
      %dma_start3A_491 = tpu.memref_slice %arg4[%select_n3A_480, %dma_start3A_488, %add3A_483, %dma_start3A_489, %dma_start3A_490] : memref<50x4x128x8x128xf32, #tpu.memory_space<hbm>> -> memref<1x4x1x8x128xf32, #tpu.memory_space<hbm>>
      %dma_start3A_492 = tpu.memref_squeeze %dma_start3A_491 : memref<1x4x1x8x128xf32, #tpu.memory_space<hbm>> -> memref<4x8x128xf32, #tpu.memory_space<hbm>>
      %dma_start3A_493 = arith.constant 0 : i32
      %dma_start3A_494 = arith.constant 0 : i32
      %dma_start3A_495 = arith.constant 0 : i32
      %dma_start3A_496 = tpu.memref_slice %arg4[%select_n3A_480, %dma_start3A_493, %add3A_483, %dma_start3A_494, %dma_start3A_495] : memref<50x4x128x8x128xf32, #tpu.memory_space<hbm>> -> memref<1x4x1x8x128xf32, #tpu.memory_space<hbm>>
      %dma_start3A_497 = tpu.memref_squeeze %dma_start3A_496 : memref<1x4x1x8x128xf32, #tpu.memory_space<hbm>> -> memref<4x8x128xf32, #tpu.memory_space<hbm>>
      %dma_start3A_498 = arith.constant 0 : i32
      %dma_start3A_499 = arith.constant 0 : i32
      %dma_start3A_500 = arith.constant 0 : i32
      %dma_start3A_501 = tpu.memref_slice %arg12[%dma_start3A_498, %dma_start3A_499, %dma_start3A_500] : memref<4x8x144xf32, #tpu.memory_space<vmem>> -> memref<4x8x128xf32, #tpu.memory_space<vmem>>
      tpu.enqueue_dma source(%dma_start3A_501 : memref<4x8x128xf32, #tpu.memory_space<vmem>>) target(%dma_start3A_497 : memref<4x8x128xf32, #tpu.memory_space<hbm>>) target_semaphore(%arg20 : memref<!tpu.dma_semaphore, #tpu.memory_space<semaphore_mem>>)
      %add3A_502 = arith.constant 4 : i32
      %add3A_503 = arith.addi %add3A_376, %add3A_502 : i32
      %lt3A_504 = arith.constant 200 : i32
      %lt3A_505 = arith.cmpi slt, %add3A_503, %lt3A_504 : i32
      %convert_element_type3A_506 = arith.extui %lt3A_505 : i1 to i32
      %cond3A_507 = arith.constant 0 : i32
      %cond3A_508 = arith.cmpi ne, %convert_element_type3A_506, %cond3A_507 : i32
      scf.if %cond3A_508 {
        %add3A_645 = arith.constant 4 : i32
        %add3A_646 = arith.addi %add3A_376, %add3A_645 : i32
        %jit3A_647 = arith.constant 50 : i32
        %div3A_648 = arith.divsi %add3A_646, %jit3A_647 : i32
        %sign3A_649 = arith.constant 0 : i32
        %sign3A_650 = arith.cmpi sgt, %add3A_646, %sign3A_649 : i32
        %sign3A_651 = arith.extui %sign3A_650 : i1 to i32
        %sign3A_652 = arith.constant 0 : i32
        %sign3A_653 = arith.cmpi slt, %add3A_646, %sign3A_652 : i32
        %sign3A_654 = arith.extui %sign3A_653 : i1 to i32
        %sign3A_655 = arith.subi %sign3A_651, %sign3A_654 : i32
        %sign3A_656 = arith.constant 0 : i32
        %sign3A_657 = arith.cmpi sgt, %jit3A_647, %sign3A_656 : i32
        %sign3A_658 = arith.extui %sign3A_657 : i1 to i32
        %sign3A_659 = arith.constant 0 : i32
        %sign3A_660 = arith.cmpi slt, %jit3A_647, %sign3A_659 : i32
        %sign3A_661 = arith.extui %sign3A_660 : i1 to i32
        %sign3A_662 = arith.subi %sign3A_658, %sign3A_661 : i32
        %ne3A_663 = arith.cmpi ne, %sign3A_655, %sign3A_662 : i32
        %rem3A_664 = arith.remsi %add3A_646, %jit3A_647 : i32
        %ne3A_665 = arith.constant 0 : i32
        %ne3A_666 = arith.cmpi ne, %rem3A_664, %ne3A_665 : i32
        %and3A_667 = arith.andi %ne3A_663, %ne3A_666 : i1
        %sub3A_668 = arith.constant 1 : i32
        %sub3A_669 = arith.subi %div3A_648, %sub3A_668 : i32
        %select_n3A_670 = arith.select %and3A_667, %sub3A_669, %div3A_648 : i32
        %jit3A_671 = arith.constant 50 : i32
        %eq3A_672 = arith.constant 0 : i32
        %eq3A_673 = arith.cmpi eq, %jit3A_671, %eq3A_672 : i32
        %jit3A_674 = arith.constant 1 : i32
        %select_n3A_675 = arith.select %eq3A_673, %jit3A_674, %jit3A_671 : i32
        %rem3A_676 = arith.remsi %add3A_646, %select_n3A_675 : i32
        %ne3A_677 = arith.constant 0 : i32
        %ne3A_678 = arith.cmpi ne, %rem3A_676, %ne3A_677 : i32
        %lt3A_679 = arith.constant 0 : i32
        %lt3A_680 = arith.cmpi slt, %rem3A_676, %lt3A_679 : i32
        %lt3A_681 = arith.constant 0 : i32
        %lt3A_682 = arith.cmpi slt, %select_n3A_675, %lt3A_681 : i32
        %ne3A_683 = arith.xori %lt3A_680, %lt3A_682 : i1
        %and3A_684 = arith.andi %ne3A_683, %ne3A_678 : i1
        %add3A_685 = arith.addi %rem3A_676, %select_n3A_675 : i32
        %select_n3A_686 = arith.select %and3A_684, %add3A_685, %rem3A_676 : i32
        %mul3A_687 = arith.constant 128 : i32
        %mul3A_688 = arith.muli %select_n3A_670, %mul3A_687 : i32
        %dma_start3A_689 = tpu.memref_slice %arg5[%select_n3A_686, %mul3A_688] : memref<50x512xi32, #tpu.memory_space<vmem>> -> memref<1x128xi32, #tpu.memory_space<vmem>>
        %dma_start3A_690 = tpu.memref_squeeze %dma_start3A_689 : memref<1x128xi32, #tpu.memory_space<vmem>> -> memref<128xi32, #tpu.memory_space<vmem>>
        %dma_start3A_691 = arith.constant 0 : i32
        %dma_start3A_692 = arith.constant 0 : i32
        %dma_start3A_693 = tpu.memref_slice %arg3[%dma_start3A_691, %dma_start3A_692] : memref<1000000x32xf32, #tpu.memory_space<hbm>> -> memref<1000000x32xf32, #tpu.memory_space<hbm>>
        tpu.enqueue_indirect_dma source(%dma_start3A_693 : memref<1000000x32xf32, #tpu.memory_space<hbm>>) target(%arg8 : memref<128x32xf32, #tpu.memory_space<vmem>>) offsets(%dma_start3A_690 : memref<128xi32, #tpu.memory_space<vmem>>) semaphore(%arg16 : memref<!tpu.dma_semaphore, #tpu.memory_space<semaphore_mem>>)
      } else {
      }
      %mul3A_509 = arith.constant 4 : i32
      %mul3A_510 = arith.muli %scan3A_114, %mul3A_509 : i32
      %add3A_511 = arith.constant 3 : i32
      %add3A_512 = arith.addi %mul3A_510, %add3A_511 : i32
      %jit3A_513 = arith.constant 50 : i32
      %div3A_514 = arith.divsi %add3A_512, %jit3A_513 : i32
      %sign3A_515 = arith.constant 0 : i32
      %sign3A_516 = arith.cmpi sgt, %add3A_512, %sign3A_515 : i32
      %sign3A_517 = arith.extui %sign3A_516 : i1 to i32
      %sign3A_518 = arith.constant 0 : i32
      %sign3A_519 = arith.cmpi slt, %add3A_512, %sign3A_518 : i32
      %sign3A_520 = arith.extui %sign3A_519 : i1 to i32
      %sign3A_521 = arith.subi %sign3A_517, %sign3A_520 : i32
      %sign3A_522 = arith.constant 0 : i32
      %sign3A_523 = arith.cmpi sgt, %jit3A_513, %sign3A_522 : i32
      %sign3A_524 = arith.extui %sign3A_523 : i1 to i32
      %sign3A_525 = arith.constant 0 : i32
      %sign3A_526 = arith.cmpi slt, %jit3A_513, %sign3A_525 : i32
      %sign3A_527 = arith.extui %sign3A_526 : i1 to i32
      %sign3A_528 = arith.subi %sign3A_524, %sign3A_527 : i32
      %ne3A_529 = arith.cmpi ne, %sign3A_521, %sign3A_528 : i32
      %rem3A_530 = arith.remsi %add3A_512, %jit3A_513 : i32
      %ne3A_531 = arith.constant 0 : i32
      %ne3A_532 = arith.cmpi ne, %rem3A_530, %ne3A_531 : i32
      %and3A_533 = arith.andi %ne3A_529, %ne3A_532 : i1
      %sub3A_534 = arith.constant 1 : i32
      %sub3A_535 = arith.subi %div3A_514, %sub3A_534 : i32
      %select_n3A_536 = arith.select %and3A_533, %sub3A_535, %div3A_514 : i32
      %jit3A_537 = arith.constant 50 : i32
      %eq3A_538 = arith.constant 0 : i32
      %eq3A_539 = arith.cmpi eq, %jit3A_537, %eq3A_538 : i32
      %jit3A_540 = arith.constant 1 : i32
      %select_n3A_541 = arith.select %eq3A_539, %jit3A_540, %jit3A_537 : i32
      %rem3A_542 = arith.remsi %add3A_512, %select_n3A_541 : i32
      %ne3A_543 = arith.constant 0 : i32
      %ne3A_544 = arith.cmpi ne, %rem3A_542, %ne3A_543 : i32
      %lt3A_545 = arith.constant 0 : i32
      %lt3A_546 = arith.cmpi slt, %rem3A_542, %lt3A_545 : i32
      %lt3A_547 = arith.constant 0 : i32
      %lt3A_548 = arith.cmpi slt, %select_n3A_541, %lt3A_547 : i32
      %ne3A_549 = arith.xori %lt3A_546, %lt3A_548 : i1
      %and3A_550 = arith.andi %ne3A_549, %ne3A_544 : i1
      %add3A_551 = arith.addi %rem3A_542, %select_n3A_541 : i32
      %select_n3A_552 = arith.select %and3A_550, %add3A_551, %rem3A_542 : i32
      %mul3A_553 = arith.constant 128 : i32
      %mul3A_554 = arith.muli %select_n3A_536, %mul3A_553 : i32
      %dma_wait3A_555 = tpu.memref_slice %arg5[%select_n3A_552, %mul3A_554] : memref<50x512xi32, #tpu.memory_space<vmem>> -> memref<1x128xi32, #tpu.memory_space<vmem>>
      %dma_wait3A_556 = tpu.memref_squeeze %dma_wait3A_555 : memref<1x128xi32, #tpu.memory_space<vmem>> -> memref<128xi32, #tpu.memory_space<vmem>>
      %dma_wait3A_557 = arith.constant 0 : i32
      %dma_wait3A_558 = arith.constant 0 : i32
      %dma_wait3A_559 = tpu.memref_slice %arg3[%dma_wait3A_557, %dma_wait3A_558] : memref<1000000x32xf32, #tpu.memory_space<hbm>> -> memref<1000000x32xf32, #tpu.memory_space<hbm>>
      tpu.wait_indirect_dma semaphore(%arg17 : memref<!tpu.dma_semaphore, #tpu.memory_space<semaphore_mem>>) src(%dma_wait3A_559 : memref<1000000x32xf32, #tpu.memory_space<hbm>>) dst(%arg9 : memref<128x32xf32, #tpu.memory_space<vmem>>)
      %gt3A_560 = arith.constant 0 : i32
      %gt3A_561 = arith.cmpi sgt, %scan3A_114, %gt3A_560 : i32
      %convert_element_type3A_562 = arith.extui %gt3A_561 : i1 to i32
      %cond3A_563 = arith.constant 0 : i32
      %cond3A_564 = arith.cmpi ne, %convert_element_type3A_562, %cond3A_563 : i32
      scf.if %cond3A_564 {
        %dma_wait3A_645 = arith.constant 0 : i32
        %dma_wait3A_646 = arith.constant 0 : i32
        %dma_wait3A_647 = arith.constant 0 : i32
        %dma_wait3A_648 = arith.constant 0 : i32
        %dma_wait3A_649 = arith.constant 0 : i32
        %dma_wait3A_650 = tpu.memref_slice %arg13[%dma_wait3A_647, %dma_wait3A_648, %dma_wait3A_649] : memref<4x8x144xf32, #tpu.memory_space<vmem>> -> memref<4x8x128xf32, #tpu.memory_space<vmem>>
        %dma_wait3A_651 = arith.constant 0 : i32
        %dma_wait3A_652 = arith.constant 0 : i32
        %dma_wait3A_653 = arith.constant 0 : i32
        %dma_wait3A_654 = tpu.memref_slice %arg4[%dma_wait3A_645, %dma_wait3A_651, %dma_wait3A_646, %dma_wait3A_652, %dma_wait3A_653] : memref<50x4x128x8x128xf32, #tpu.memory_space<hbm>> -> memref<1x4x1x8x128xf32, #tpu.memory_space<hbm>>
        %dma_wait3A_655 = tpu.memref_squeeze %dma_wait3A_654 : memref<1x4x1x8x128xf32, #tpu.memory_space<hbm>> -> memref<4x8x128xf32, #tpu.memory_space<hbm>>
        %dma_wait3A_656 = arith.constant 0 : i32
        %dma_wait3A_657 = arith.constant 0 : i32
        %dma_wait3A_658 = arith.constant 0 : i32
        %dma_wait3A_659 = tpu.memref_slice %arg4[%dma_wait3A_645, %dma_wait3A_656, %dma_wait3A_646, %dma_wait3A_657, %dma_wait3A_658] : memref<50x4x128x8x128xf32, #tpu.memory_space<hbm>> -> memref<1x4x1x8x128xf32, #tpu.memory_space<hbm>>
        %dma_wait3A_660 = tpu.memref_squeeze %dma_wait3A_659 : memref<1x4x1x8x128xf32, #tpu.memory_space<hbm>> -> memref<4x8x128xf32, #tpu.memory_space<hbm>>
        %dma_wait3A_661 = arith.constant 0 : i32
        %dma_wait3A_662 = arith.constant 0 : i32
        %dma_wait3A_663 = arith.constant 0 : i32
        %dma_wait3A_664 = tpu.memref_slice %arg13[%dma_wait3A_661, %dma_wait3A_662, %dma_wait3A_663] : memref<4x8x144xf32, #tpu.memory_space<vmem>> -> memref<4x8x128xf32, #tpu.memory_space<vmem>>
        tpu.wait_dma2 semaphore(%arg21 : memref<!tpu.dma_semaphore, #tpu.memory_space<semaphore_mem>>) src(%dma_wait3A_664 : memref<4x8x128xf32, #tpu.memory_space<vmem>>) dst(%dma_wait3A_660 : memref<4x8x128xf32, #tpu.memory_space<hbm>>)
      } else {
      }
      %shift_right_logical3A_565 = arith.constant 3 : i32
      %shift_right_logical3A_566 = vector.broadcast %shift_right_logical3A_565 : i32 to vector<16xi32>
      %shift_right_logical3A_567 = arith.shrui %iota3A, %shift_right_logical3A_566 : vector<16xi32>
      %and3A_568 = arith.constant 7 : i32
      %and3A_569 = vector.broadcast %and3A_568 : i32 to vector<16xi32>
      %and3A_570 = arith.andi %iota3A, %and3A_569 : vector<16xi32>
      %scan3A_571 = arith.constant 0 : i32
      %scan3A_572 = arith.constant 0 : i32
      %scan3A_573 = arith.constant 16 : i32
      %scan3A_574 = arith.addi %scan3A_572, %scan3A_573 : i32
      %scan3A_575 = arith.constant 1 : i32
      scf.for %scan3A_645 = %scan3A_572 to %scan3A_574 step %scan3A_575  : i32 {
        %mul3A_646 = arith.constant 8 : i32
        %mul3A_647 = arith.muli %scan3A_645, %mul3A_646 : i32
        %add3A_648 = arith.constant 0 : i32
        %add3A_649 = arith.addi %mul3A_647, %add3A_648 : i32
        %broadcast_in_dim3A = arith.constant 0 : i32
        %broadcast_in_dim3A_650 = vector.broadcast %broadcast_in_dim3A : i32 to vector<16xi32>
        %add3A_651 = vector.broadcast %add3A_649 : i32 to vector<16xi32>
        %add3A_652 = arith.addi %broadcast_in_dim3A_650, %add3A_651 : vector<16xi32>
        %get3A = arith.index_cast %add3A_649 : i32 to index
        %get3A_653 = arith.constant 0 : index
        %get3A_654 = tpu.vector_load %arg9[%get3A, %get3A_653] {strides = array<i32>} : memref<128x32xf32, #tpu.memory_space<vmem>>, vector<16xf32>,
        %mul3A_655 = arith.constant 5.65685415 : f32
        %mul3A_656 = vector.broadcast %mul3A_655 : f32 to vector<16xf32>
        %mul3A_657 = arith.mulf %get3A_654, %mul3A_656 : vector<16xf32>
        tpu.vector_store_idx %arg13[%shift_right_logical3A_567, %and3A_570, %add3A_652], %mul3A_657 : memref<4x8x144xf32, #tpu.memory_space<vmem>>[vector<16xi32>, vector<16xi32>, vector<16xi32>], vector<16xf32>,
        %get3A_658 = arith.index_cast %add3A_649 : i32 to index
        %get3A_659 = arith.constant 16 : index
        %get3A_660 = tpu.vector_load %arg9[%get3A_658, %get3A_659] {strides = array<i32>} : memref<128x32xf32, #tpu.memory_space<vmem>>, vector<16xf32>,
        %mul3A_661 = arith.constant 5.65685415 : f32
        %mul3A_662 = vector.broadcast %mul3A_661 : f32 to vector<16xf32>
        %mul3A_663 = arith.mulf %get3A_660, %mul3A_662 : vector<16xf32>
        %add3A_664 = arith.constant 2 : i32
        %add3A_665 = vector.broadcast %add3A_664 : i32 to vector<16xi32>
        %add3A_666 = arith.addi %shift_right_logical3A_567, %add3A_665 : vector<16xi32>
        tpu.vector_store_idx %arg13[%add3A_666, %and3A_570, %add3A_652], %mul3A_663 : memref<4x8x144xf32, #tpu.memory_space<vmem>>[vector<16xi32>, vector<16xi32>, vector<16xi32>], vector<16xf32>,
        %add3A_667 = arith.constant 1 : i32
        %add3A_668 = arith.addi %mul3A_647, %add3A_667 : i32
        %broadcast_in_dim3A_669 = arith.constant 0 : i32
        %broadcast_in_dim3A_670 = vector.broadcast %broadcast_in_dim3A_669 : i32 to vector<16xi32>
        %add3A_671 = vector.broadcast %add3A_668 : i32 to vector<16xi32>
        %add3A_672 = arith.addi %broadcast_in_dim3A_670, %add3A_671 : vector<16xi32>
        %get3A_673 = arith.index_cast %add3A_668 : i32 to index
        %get3A_674 = arith.constant 0 : index
        %get3A_675 = tpu.vector_load %arg9[%get3A_673, %get3A_674] {strides = array<i32>} : memref<128x32xf32, #tpu.memory_space<vmem>>, vector<16xf32>,
        %mul3A_676 = arith.constant 5.65685415 : f32
        %mul3A_677 = vector.broadcast %mul3A_676 : f32 to vector<16xf32>
        %mul3A_678 = arith.mulf %get3A_675, %mul3A_677 : vector<16xf32>
        tpu.vector_store_idx %arg13[%shift_right_logical3A_567, %and3A_570, %add3A_672], %mul3A_678 : memref<4x8x144xf32, #tpu.memory_space<vmem>>[vector<16xi32>, vector<16xi32>, vector<16xi32>], vector<16xf32>,
        %get3A_679 = arith.index_cast %add3A_668 : i32 to index
        %get3A_680 = arith.constant 16 : index
        %get3A_681 = tpu.vector_load %arg9[%get3A_679, %get3A_680] {strides = array<i32>} : memref<128x32xf32, #tpu.memory_space<vmem>>, vector<16xf32>,
        %mul3A_682 = arith.constant 5.65685415 : f32
        %mul3A_683 = vector.broadcast %mul3A_682 : f32 to vector<16xf32>
        %mul3A_684 = arith.mulf %get3A_681, %mul3A_683 : vector<16xf32>
        %add3A_685 = arith.constant 2 : i32
        %add3A_686 = vector.broadcast %add3A_685 : i32 to vector<16xi32>
        %add3A_687 = arith.addi %shift_right_logical3A_567, %add3A_686 : vector<16xi32>
        tpu.vector_store_idx %arg13[%add3A_687, %and3A_570, %add3A_672], %mul3A_684 : memref<4x8x144xf32, #tpu.memory_space<vmem>>[vector<16xi32>, vector<16xi32>, vector<16xi32>], vector<16xf32>,
        %add3A_688 = arith.constant 2 : i32
        %add3A_689 = arith.addi %mul3A_647, %add3A_688 : i32
        %broadcast_in_dim3A_690 = arith.constant 0 : i32
        %broadcast_in_dim3A_691 = vector.broadcast %broadcast_in_dim3A_690 : i32 to vector<16xi32>
        %add3A_692 = vector.broadcast %add3A_689 : i32 to vector<16xi32>
        %add3A_693 = arith.addi %broadcast_in_dim3A_691, %add3A_692 : vector<16xi32>
        %get3A_694 = arith.index_cast %add3A_689 : i32 to index
        %get3A_695 = arith.constant 0 : index
        %get3A_696 = tpu.vector_load %arg9[%get3A_694, %get3A_695] {strides = array<i32>} : memref<128x32xf32, #tpu.memory_space<vmem>>, vector<16xf32>,
        %mul3A_697 = arith.constant 5.65685415 : f32
        %mul3A_698 = vector.broadcast %mul3A_697 : f32 to vector<16xf32>
        %mul3A_699 = arith.mulf %get3A_696, %mul3A_698 : vector<16xf32>
        tpu.vector_store_idx %arg13[%shift_right_logical3A_567, %and3A_570, %add3A_693], %mul3A_699 : memref<4x8x144xf32, #tpu.memory_space<vmem>>[vector<16xi32>, vector<16xi32>, vector<16xi32>], vector<16xf32>,
        %get3A_700 = arith.index_cast %add3A_689 : i32 to index
        %get3A_701 = arith.constant 16 : index
        %get3A_702 = tpu.vector_load %arg9[%get3A_700, %get3A_701] {strides = array<i32>} : memref<128x32xf32, #tpu.memory_space<vmem>>, vector<16xf32>,
        %mul3A_703 = arith.constant 5.65685415 : f32
        %mul3A_704 = vector.broadcast %mul3A_703 : f32 to vector<16xf32>
        %mul3A_705 = arith.mulf %get3A_702, %mul3A_704 : vector<16xf32>
        %add3A_706 = arith.constant 2 : i32
        %add3A_707 = vector.broadcast %add3A_706 : i32 to vector<16xi32>
        %add3A_708 = arith.addi %shift_right_logical3A_567, %add3A_707 : vector<16xi32>
        tpu.vector_store_idx %arg13[%add3A_708, %and3A_570, %add3A_693], %mul3A_705 : memref<4x8x144xf32, #tpu.memory_space<vmem>>[vector<16xi32>, vector<16xi32>, vector<16xi32>], vector<16xf32>,
        %add3A_709 = arith.constant 3 : i32
        %add3A_710 = arith.addi %mul3A_647, %add3A_709 : i32
        %broadcast_in_dim3A_711 = arith.constant 0 : i32
        %broadcast_in_dim3A_712 = vector.broadcast %broadcast_in_dim3A_711 : i32 to vector<16xi32>
        %add3A_713 = vector.broadcast %add3A_710 : i32 to vector<16xi32>
        %add3A_714 = arith.addi %broadcast_in_dim3A_712, %add3A_713 : vector<16xi32>
        %get3A_715 = arith.index_cast %add3A_710 : i32 to index
        %get3A_716 = arith.constant 0 : index
        %get3A_717 = tpu.vector_load %arg9[%get3A_715, %get3A_716] {strides = array<i32>} : memref<128x32xf32, #tpu.memory_space<vmem>>, vector<16xf32>,
        %mul3A_718 = arith.constant 5.65685415 : f32
        %mul3A_719 = vector.broadcast %mul3A_718 : f32 to vector<16xf32>
        %mul3A_720 = arith.mulf %get3A_717, %mul3A_719 : vector<16xf32>
        tpu.vector_store_idx %arg13[%shift_right_logical3A_567, %and3A_570, %add3A_714], %mul3A_720 : memref<4x8x144xf32, #tpu.memory_space<vmem>>[vector<16xi32>, vector<16xi32>, vector<16xi32>], vector<16xf32>,
        %get3A_721 = arith.index_cast %add3A_710 : i32 to index
        %get3A_722 = arith.constant 16 : index
        %get3A_723 = tpu.vector_load %arg9[%get3A_721, %get3A_722] {strides = array<i32>} : memref<128x32xf32, #tpu.memory_space<vmem>>, vector<16xf32>,
        %mul3A_724 = arith.constant 5.65685415 : f32
        %mul3A_725 = vector.broadcast %mul3A_724 : f32 to vector<16xf32>
        %mul3A_726 = arith.mulf %get3A_723, %mul3A_725 : vector<16xf32>
        %add3A_727 = arith.constant 2 : i32
        %add3A_728 = vector.broadcast %add3A_727 : i32 to vector<16xi32>
        %add3A_729 = arith.addi %shift_right_logical3A_567, %add3A_728 : vector<16xi32>
        tpu.vector_store_idx %arg13[%add3A_729, %and3A_570, %add3A_714], %mul3A_726 : memref<4x8x144xf32, #tpu.memory_space<vmem>>[vector<16xi32>, vector<16xi32>, vector<16xi32>], vector<16xf32>,
        %add3A_730 = arith.constant 4 : i32
        %add3A_731 = arith.addi %mul3A_647, %add3A_730 : i32
        %broadcast_in_dim3A_732 = arith.constant 0 : i32
        %broadcast_in_dim3A_733 = vector.broadcast %broadcast_in_dim3A_732 : i32 to vector<16xi32>
        %add3A_734 = vector.broadcast %add3A_731 : i32 to vector<16xi32>
        %add3A_735 = arith.addi %broadcast_in_dim3A_733, %add3A_734 : vector<16xi32>
        %get3A_736 = arith.index_cast %add3A_731 : i32 to index
        %get3A_737 = arith.constant 0 : index
        %get3A_738 = tpu.vector_load %arg9[%get3A_736, %get3A_737] {strides = array<i32>} : memref<128x32xf32, #tpu.memory_space<vmem>>, vector<16xf32>,
        %mul3A_739 = arith.constant 5.65685415 : f32
        %mul3A_740 = vector.broadcast %mul3A_739 : f32 to vector<16xf32>
        %mul3A_741 = arith.mulf %get3A_738, %mul3A_740 : vector<16xf32>
        tpu.vector_store_idx %arg13[%shift_right_logical3A_567, %and3A_570, %add3A_735], %mul3A_741 : memref<4x8x144xf32, #tpu.memory_space<vmem>>[vector<16xi32>, vector<16xi32>, vector<16xi32>], vector<16xf32>,
        %get3A_742 = arith.index_cast %add3A_731 : i32 to index
        %get3A_743 = arith.constant 16 : index
        %get3A_744 = tpu.vector_load %arg9[%get3A_742, %get3A_743] {strides = array<i32>} : memref<128x32xf32, #tpu.memory_space<vmem>>, vector<16xf32>,
        %mul3A_745 = arith.constant 5.65685415 : f32
        %mul3A_746 = vector.broadcast %mul3A_745 : f32 to vector<16xf32>
        %mul3A_747 = arith.mulf %get3A_744, %mul3A_746 : vector<16xf32>
        %add3A_748 = arith.constant 2 : i32
        %add3A_749 = vector.broadcast %add3A_748 : i32 to vector<16xi32>
        %add3A_750 = arith.addi %shift_right_logical3A_567, %add3A_749 : vector<16xi32>
        tpu.vector_store_idx %arg13[%add3A_750, %and3A_570, %add3A_735], %mul3A_747 : memref<4x8x144xf32, #tpu.memory_space<vmem>>[vector<16xi32>, vector<16xi32>, vector<16xi32>], vector<16xf32>,
        %add3A_751 = arith.constant 5 : i32
        %add3A_752 = arith.addi %mul3A_647, %add3A_751 : i32
        %broadcast_in_dim3A_753 = arith.constant 0 : i32
        %broadcast_in_dim3A_754 = vector.broadcast %broadcast_in_dim3A_753 : i32 to vector<16xi32>
        %add3A_755 = vector.broadcast %add3A_752 : i32 to vector<16xi32>
        %add3A_756 = arith.addi %broadcast_in_dim3A_754, %add3A_755 : vector<16xi32>
        %get3A_757 = arith.index_cast %add3A_752 : i32 to index
        %get3A_758 = arith.constant 0 : index
        %get3A_759 = tpu.vector_load %arg9[%get3A_757, %get3A_758] {strides = array<i32>} : memref<128x32xf32, #tpu.memory_space<vmem>>, vector<16xf32>,
        %mul3A_760 = arith.constant 5.65685415 : f32
        %mul3A_761 = vector.broadcast %mul3A_760 : f32 to vector<16xf32>
        %mul3A_762 = arith.mulf %get3A_759, %mul3A_761 : vector<16xf32>
        tpu.vector_store_idx %arg13[%shift_right_logical3A_567, %and3A_570, %add3A_756], %mul3A_762 : memref<4x8x144xf32, #tpu.memory_space<vmem>>[vector<16xi32>, vector<16xi32>, vector<16xi32>], vector<16xf32>,
        %get3A_763 = arith.index_cast %add3A_752 : i32 to index
        %get3A_764 = arith.constant 16 : index
        %get3A_765 = tpu.vector_load %arg9[%get3A_763, %get3A_764] {strides = array<i32>} : memref<128x32xf32, #tpu.memory_space<vmem>>, vector<16xf32>,
        %mul3A_766 = arith.constant 5.65685415 : f32
        %mul3A_767 = vector.broadcast %mul3A_766 : f32 to vector<16xf32>
        %mul3A_768 = arith.mulf %get3A_765, %mul3A_767 : vector<16xf32>
        %add3A_769 = arith.constant 2 : i32
        %add3A_770 = vector.broadcast %add3A_769 : i32 to vector<16xi32>
        %add3A_771 = arith.addi %shift_right_logical3A_567, %add3A_770 : vector<16xi32>
        tpu.vector_store_idx %arg13[%add3A_771, %and3A_570, %add3A_756], %mul3A_768 : memref<4x8x144xf32, #tpu.memory_space<vmem>>[vector<16xi32>, vector<16xi32>, vector<16xi32>], vector<16xf32>,
        %add3A_772 = arith.constant 6 : i32
        %add3A_773 = arith.addi %mul3A_647, %add3A_772 : i32
        %broadcast_in_dim3A_774 = arith.constant 0 : i32
        %broadcast_in_dim3A_775 = vector.broadcast %broadcast_in_dim3A_774 : i32 to vector<16xi32>
        %add3A_776 = vector.broadcast %add3A_773 : i32 to vector<16xi32>
        %add3A_777 = arith.addi %broadcast_in_dim3A_775, %add3A_776 : vector<16xi32>
        %get3A_778 = arith.index_cast %add3A_773 : i32 to index
        %get3A_779 = arith.constant 0 : index
        %get3A_780 = tpu.vector_load %arg9[%get3A_778, %get3A_779] {strides = array<i32>} : memref<128x32xf32, #tpu.memory_space<vmem>>, vector<16xf32>,
        %mul3A_781 = arith.constant 5.65685415 : f32
        %mul3A_782 = vector.broadcast %mul3A_781 : f32 to vector<16xf32>
        %mul3A_783 = arith.mulf %get3A_780, %mul3A_782 : vector<16xf32>
        tpu.vector_store_idx %arg13[%shift_right_logical3A_567, %and3A_570, %add3A_777], %mul3A_783 : memref<4x8x144xf32, #tpu.memory_space<vmem>>[vector<16xi32>, vector<16xi32>, vector<16xi32>], vector<16xf32>,
        %get3A_784 = arith.index_cast %add3A_773 : i32 to index
        %get3A_785 = arith.constant 16 : index
        %get3A_786 = tpu.vector_load %arg9[%get3A_784, %get3A_785] {strides = array<i32>} : memref<128x32xf32, #tpu.memory_space<vmem>>, vector<16xf32>,
        %mul3A_787 = arith.constant 5.65685415 : f32
        %mul3A_788 = vector.broadcast %mul3A_787 : f32 to vector<16xf32>
        %mul3A_789 = arith.mulf %get3A_786, %mul3A_788 : vector<16xf32>
        %add3A_790 = arith.constant 2 : i32
        %add3A_791 = vector.broadcast %add3A_790 : i32 to vector<16xi32>
        %add3A_792 = arith.addi %shift_right_logical3A_567, %add3A_791 : vector<16xi32>
        tpu.vector_store_idx %arg13[%add3A_792, %and3A_570, %add3A_777], %mul3A_789 : memref<4x8x144xf32, #tpu.memory_space<vmem>>[vector<16xi32>, vector<16xi32>, vector<16xi32>], vector<16xf32>,
        %add3A_793 = arith.constant 7 : i32
        %add3A_794 = arith.addi %mul3A_647, %add3A_793 : i32
        %broadcast_in_dim3A_795 = arith.constant 0 : i32
        %broadcast_in_dim3A_796 = vector.broadcast %broadcast_in_dim3A_795 : i32 to vector<16xi32>
        %add3A_797 = vector.broadcast %add3A_794 : i32 to vector<16xi32>
        %add3A_798 = arith.addi %broadcast_in_dim3A_796, %add3A_797 : vector<16xi32>
        %get3A_799 = arith.index_cast %add3A_794 : i32 to index
        %get3A_800 = arith.constant 0 : index
        %get3A_801 = tpu.vector_load %arg9[%get3A_799, %get3A_800] {strides = array<i32>} : memref<128x32xf32, #tpu.memory_space<vmem>>, vector<16xf32>,
        %mul3A_802 = arith.constant 5.65685415 : f32
        %mul3A_803 = vector.broadcast %mul3A_802 : f32 to vector<16xf32>
        %mul3A_804 = arith.mulf %get3A_801, %mul3A_803 : vector<16xf32>
        tpu.vector_store_idx %arg13[%shift_right_logical3A_567, %and3A_570, %add3A_798], %mul3A_804 : memref<4x8x144xf32, #tpu.memory_space<vmem>>[vector<16xi32>, vector<16xi32>, vector<16xi32>], vector<16xf32>,
        %get3A_805 = arith.index_cast %add3A_794 : i32 to index
        %get3A_806 = arith.constant 16 : index
        %get3A_807 = tpu.vector_load %arg9[%get3A_805, %get3A_806] {strides = array<i32>} : memref<128x32xf32, #tpu.memory_space<vmem>>, vector<16xf32>,
        %mul3A_808 = arith.constant 5.65685415 : f32
        %mul3A_809 = vector.broadcast %mul3A_808 : f32 to vector<16xf32>
        %mul3A_810 = arith.mulf %get3A_807, %mul3A_809 : vector<16xf32>
        %add3A_811 = arith.constant 2 : i32
        %add3A_812 = vector.broadcast %add3A_811 : i32 to vector<16xi32>
        %add3A_813 = arith.addi %shift_right_logical3A_567, %add3A_812 : vector<16xi32>
        tpu.vector_store_idx %arg13[%add3A_813, %and3A_570, %add3A_798], %mul3A_810 : memref<4x8x144xf32, #tpu.memory_space<vmem>>[vector<16xi32>, vector<16xi32>, vector<16xi32>], vector<16xf32>,
      }
      %scan3A_576 = arith.constant 16 : i32
      %jit3A_577 = arith.constant 50 : i32
      %div3A_578 = arith.divsi %add3A_512, %jit3A_577 : i32
      %sign3A_579 = arith.constant 0 : i32
      %sign3A_580 = arith.cmpi sgt, %add3A_512, %sign3A_579 : i32
      %sign3A_581 = arith.extui %sign3A_580 : i1 to i32
      %sign3A_582 = arith.constant 0 : i32
      %sign3A_583 = arith.cmpi slt, %add3A_512, %sign3A_582 : i32
      %sign3A_584 = arith.extui %sign3A_583 : i1 to i32
      %sign3A_585 = arith.subi %sign3A_581, %sign3A_584 : i32
      %sign3A_586 = arith.constant 0 : i32
      %sign3A_587 = arith.cmpi sgt, %jit3A_577, %sign3A_586 : i32
      %sign3A_588 = arith.extui %sign3A_587 : i1 to i32
      %sign3A_589 = arith.constant 0 : i32
      %sign3A_590 = arith.cmpi slt, %jit3A_577, %sign3A_589 : i32
      %sign3A_591 = arith.extui %sign3A_590 : i1 to i32
      %sign3A_592 = arith.subi %sign3A_588, %sign3A_591 : i32
      %ne3A_593 = arith.cmpi ne, %sign3A_585, %sign3A_592 : i32
      %rem3A_594 = arith.remsi %add3A_512, %jit3A_577 : i32
      %ne3A_595 = arith.constant 0 : i32
      %ne3A_596 = arith.cmpi ne, %rem3A_594, %ne3A_595 : i32
      %and3A_597 = arith.andi %ne3A_593, %ne3A_596 : i1
      %sub3A_598 = arith.constant 1 : i32
      %sub3A_599 = arith.subi %div3A_578, %sub3A_598 : i32
      %select_n3A_600 = arith.select %and3A_597, %sub3A_599, %div3A_578 : i32
      %jit3A_601 = arith.constant 50 : i32
      %eq3A_602 = arith.constant 0 : i32
      %eq3A_603 = arith.cmpi eq, %jit3A_601, %eq3A_602 : i32
      %jit3A_604 = arith.constant 1 : i32
      %select_n3A_605 = arith.select %eq3A_603, %jit3A_604, %jit3A_601 : i32
      %rem3A_606 = arith.remsi %add3A_512, %select_n3A_605 : i32
      %ne3A_607 = arith.constant 0 : i32
      %ne3A_608 = arith.cmpi ne, %rem3A_606, %ne3A_607 : i32
      %lt3A_609 = arith.constant 0 : i32
      %lt3A_610 = arith.cmpi slt, %rem3A_606, %lt3A_609 : i32
      %lt3A_611 = arith.constant 0 : i32
      %lt3A_612 = arith.cmpi slt, %select_n3A_605, %lt3A_611 : i32
      %ne3A_613 = arith.xori %lt3A_610, %lt3A_612 : i1
      %and3A_614 = arith.andi %ne3A_613, %ne3A_608 : i1
      %add3A_615 = arith.addi %rem3A_606, %select_n3A_605 : i32
      %select_n3A_616 = arith.select %and3A_614, %add3A_615, %rem3A_606 : i32
      %mul3A_617 = arith.constant 4 : i32
      %mul3A_618 = arith.muli %add3A, %mul3A_617 : i32
      %add3A_619 = arith.addi %mul3A_618, %select_n3A_600 : i32
      %dma_start3A_620 = arith.constant 0 : i32
      %dma_start3A_621 = arith.constant 0 : i32
      %dma_start3A_622 = arith.constant 0 : i32
      %dma_start3A_623 = tpu.memref_slice %arg13[%dma_start3A_620, %dma_start3A_621, %dma_start3A_622] : memref<4x8x144xf32, #tpu.memory_space<vmem>> -> memref<4x8x128xf32, #tpu.memory_space<vmem>>
      %dma_start3A_624 = arith.constant 0 : i32
      %dma_start3A_625 = arith.constant 0 : i32
      %dma_start3A_626 = arith.constant 0 : i32
      %dma_start3A_627 = tpu.memref_slice %arg4[%select_n3A_616, %dma_start3A_624, %add3A_619, %dma_start3A_625, %dma_start3A_626] : memref<50x4x128x8x128xf32, #tpu.memory_space<hbm>> -> memref<1x4x1x8x128xf32, #tpu.memory_space<hbm>>
      %dma_start3A_628 = tpu.memref_squeeze %dma_start3A_627 : memref<1x4x1x8x128xf32, #tpu.memory_space<hbm>> -> memref<4x8x128xf32, #tpu.memory_space<hbm>>
      %dma_start3A_629 = arith.constant 0 : i32
      %dma_start3A_630 = arith.constant 0 : i32
      %dma_start3A_631 = arith.constant 0 : i32
      %dma_start3A_632 = tpu.memref_slice %arg4[%select_n3A_616, %dma_start3A_629, %add3A_619, %dma_start3A_630, %dma_start3A_631] : memref<50x4x128x8x128xf32, #tpu.memory_space<hbm>> -> memref<1x4x1x8x128xf32, #tpu.memory_space<hbm>>
      %dma_start3A_633 = tpu.memref_squeeze %dma_start3A_632 : memref<1x4x1x8x128xf32, #tpu.memory_space<hbm>> -> memref<4x8x128xf32, #tpu.memory_space<hbm>>
      %dma_start3A_634 = arith.constant 0 : i32
      %dma_start3A_635 = arith.constant 0 : i32
      %dma_start3A_636 = arith.constant 0 : i32
      %dma_start3A_637 = tpu.memref_slice %arg13[%dma_start3A_634, %dma_start3A_635, %dma_start3A_636] : memref<4x8x144xf32, #tpu.memory_space<vmem>> -> memref<4x8x128xf32, #tpu.memory_space<vmem>>
      tpu.enqueue_dma source(%dma_start3A_637 : memref<4x8x128xf32, #tpu.memory_space<vmem>>) target(%dma_start3A_633 : memref<4x8x128xf32, #tpu.memory_space<hbm>>) target_semaphore(%arg21 : memref<!tpu.dma_semaphore, #tpu.memory_space<semaphore_mem>>)
      %add3A_638 = arith.constant 4 : i32
      %add3A_639 = arith.addi %add3A_512, %add3A_638 : i32
      %lt3A_640 = arith.constant 200 : i32
      %lt3A_641 = arith.cmpi slt, %add3A_639, %lt3A_640 : i32
      %convert_element_type3A_642 = arith.extui %lt3A_641 : i1 to i32
      %cond3A_643 = arith.constant 0 : i32
      %cond3A_644 = arith.cmpi ne, %convert_element_type3A_642, %cond3A_643 : i32
      scf.if %cond3A_644 {
        %add3A_645 = arith.constant 4 : i32
        %add3A_646 = arith.addi %add3A_512, %add3A_645 : i32
        %jit3A_647 = arith.constant 50 : i32
        %div3A_648 = arith.divsi %add3A_646, %jit3A_647 : i32
        %sign3A_649 = arith.constant 0 : i32
        %sign3A_650 = arith.cmpi sgt, %add3A_646, %sign3A_649 : i32
        %sign3A_651 = arith.extui %sign3A_650 : i1 to i32
        %sign3A_652 = arith.constant 0 : i32
        %sign3A_653 = arith.cmpi slt, %add3A_646, %sign3A_652 : i32
        %sign3A_654 = arith.extui %sign3A_653 : i1 to i32
        %sign3A_655 = arith.subi %sign3A_651, %sign3A_654 : i32
        %sign3A_656 = arith.constant 0 : i32
        %sign3A_657 = arith.cmpi sgt, %jit3A_647, %sign3A_656 : i32
        %sign3A_658 = arith.extui %sign3A_657 : i1 to i32
        %sign3A_659 = arith.constant 0 : i32
        %sign3A_660 = arith.cmpi slt, %jit3A_647, %sign3A_659 : i32
        %sign3A_661 = arith.extui %sign3A_660 : i1 to i32
        %sign3A_662 = arith.subi %sign3A_658, %sign3A_661 : i32
        %ne3A_663 = arith.cmpi ne, %sign3A_655, %sign3A_662 : i32
        %rem3A_664 = arith.remsi %add3A_646, %jit3A_647 : i32
        %ne3A_665 = arith.constant 0 : i32
        %ne3A_666 = arith.cmpi ne, %rem3A_664, %ne3A_665 : i32
        %and3A_667 = arith.andi %ne3A_663, %ne3A_666 : i1
        %sub3A_668 = arith.constant 1 : i32
        %sub3A_669 = arith.subi %div3A_648, %sub3A_668 : i32
        %select_n3A_670 = arith.select %and3A_667, %sub3A_669, %div3A_648 : i32
        %jit3A_671 = arith.constant 50 : i32
        %eq3A_672 = arith.constant 0 : i32
        %eq3A_673 = arith.cmpi eq, %jit3A_671, %eq3A_672 : i32
        %jit3A_674 = arith.constant 1 : i32
        %select_n3A_675 = arith.select %eq3A_673, %jit3A_674, %jit3A_671 : i32
        %rem3A_676 = arith.remsi %add3A_646, %select_n3A_675 : i32
        %ne3A_677 = arith.constant 0 : i32
        %ne3A_678 = arith.cmpi ne, %rem3A_676, %ne3A_677 : i32
        %lt3A_679 = arith.constant 0 : i32
        %lt3A_680 = arith.cmpi slt, %rem3A_676, %lt3A_679 : i32
        %lt3A_681 = arith.constant 0 : i32
        %lt3A_682 = arith.cmpi slt, %select_n3A_675, %lt3A_681 : i32
        %ne3A_683 = arith.xori %lt3A_680, %lt3A_682 : i1
        %and3A_684 = arith.andi %ne3A_683, %ne3A_678 : i1
        %add3A_685 = arith.addi %rem3A_676, %select_n3A_675 : i32
        %select_n3A_686 = arith.select %and3A_684, %add3A_685, %rem3A_676 : i32
        %mul3A_687 = arith.constant 128 : i32
        %mul3A_688 = arith.muli %select_n3A_670, %mul3A_687 : i32
        %dma_start3A_689 = tpu.memref_slice %arg5[%select_n3A_686, %mul3A_688] : memref<50x512xi32, #tpu.memory_space<vmem>> -> memref<1x128xi32, #tpu.memory_space<vmem>>
        %dma_start3A_690 = tpu.memref_squeeze %dma_start3A_689 : memref<1x128xi32, #tpu.memory_space<vmem>> -> memref<128xi32, #tpu.memory_space<vmem>>
        %dma_start3A_691 = arith.constant 0 : i32
        %dma_start3A_692 = arith.constant 0 : i32
        %dma_start3A_693 = tpu.memref_slice %arg3[%dma_start3A_691, %dma_start3A_692] : memref<1000000x32xf32, #tpu.memory_space<hbm>> -> memref<1000000x32xf32, #tpu.memory_space<hbm>>
        tpu.enqueue_indirect_dma source(%dma_start3A_693 : memref<1000000x32xf32, #tpu.memory_space<hbm>>) target(%arg9 : memref<128x32xf32, #tpu.memory_space<vmem>>) offsets(%dma_start3A_690 : memref<128xi32, #tpu.memory_space<vmem>>) semaphore(%arg17 : memref<!tpu.dma_semaphore, #tpu.memory_space<semaphore_mem>>)
      } else {
      }
    }
    %scan3A_34 = arith.constant 50 : i32
    %dma_wait3A = arith.constant 0 : i32
    %dma_wait3A_35 = arith.constant 0 : i32
    %dma_wait3A_36 = arith.constant 0 : i32
    %dma_wait3A_37 = arith.constant 0 : i32
    %dma_wait3A_38 = arith.constant 0 : i32
    %dma_wait3A_39 = tpu.memref_slice %arg10[%dma_wait3A_36, %dma_wait3A_37, %dma_wait3A_38] : memref<4x8x144xf32, #tpu.memory_space<vmem>> -> memref<4x8x128xf32, #tpu.memory_space<vmem>>
    %dma_wait3A_40 = arith.constant 0 : i32
    %dma_wait3A_41 = arith.constant 0 : i32
    %dma_wait3A_42 = arith.constant 0 : i32
    %dma_wait3A_43 = tpu.memref_slice %arg4[%dma_wait3A, %dma_wait3A_40, %dma_wait3A_35, %dma_wait3A_41, %dma_wait3A_42] : memref<50x4x128x8x128xf32, #tpu.memory_space<hbm>> -> memref<1x4x1x8x128xf32, #tpu.memory_space<hbm>>
    %dma_wait3A_44 = tpu.memref_squeeze %dma_wait3A_43 : memref<1x4x1x8x128xf32, #tpu.memory_space<hbm>> -> memref<4x8x128xf32, #tpu.memory_space<hbm>>
    %dma_wait3A_45 = arith.constant 0 : i32
    %dma_wait3A_46 = arith.constant 0 : i32
    %dma_wait3A_47 = arith.constant 0 : i32
    %dma_wait3A_48 = tpu.memref_slice %arg4[%dma_wait3A, %dma_wait3A_45, %dma_wait3A_35, %dma_wait3A_46, %dma_wait3A_47] : memref<50x4x128x8x128xf32, #tpu.memory_space<hbm>> -> memref<1x4x1x8x128xf32, #tpu.memory_space<hbm>>
    %dma_wait3A_49 = tpu.memref_squeeze %dma_wait3A_48 : memref<1x4x1x8x128xf32, #tpu.memory_space<hbm>> -> memref<4x8x128xf32, #tpu.memory_space<hbm>>
    %dma_wait3A_50 = arith.constant 0 : i32
    %dma_wait3A_51 = arith.constant 0 : i32
    %dma_wait3A_52 = arith.constant 0 : i32
    %dma_wait3A_53 = tpu.memref_slice %arg10[%dma_wait3A_50, %dma_wait3A_51, %dma_wait3A_52] : memref<4x8x144xf32, #tpu.memory_space<vmem>> -> memref<4x8x128xf32, #tpu.memory_space<vmem>>
    tpu.wait_dma2 semaphore(%arg18 : memref<!tpu.dma_semaphore, #tpu.memory_space<semaphore_mem>>) src(%dma_wait3A_53 : memref<4x8x128xf32, #tpu.memory_space<vmem>>) dst(%dma_wait3A_49 : memref<4x8x128xf32, #tpu.memory_space<hbm>>)
    %dma_wait3A_54 = arith.constant 0 : i32
    %dma_wait3A_55 = arith.constant 0 : i32
    %dma_wait3A_56 = arith.constant 0 : i32
    %dma_wait3A_57 = arith.constant 0 : i32
    %dma_wait3A_58 = arith.constant 0 : i32
    %dma_wait3A_59 = tpu.memref_slice %arg11[%dma_wait3A_56, %dma_wait3A_57, %dma_wait3A_58] : memref<4x8x144xf32, #tpu.memory_space<vmem>> -> memref<4x8x128xf32, #tpu.memory_space<vmem>>
    %dma_wait3A_60 = arith.constant 0 : i32
    %dma_wait3A_61 = arith.constant 0 : i32
    %dma_wait3A_62 = arith.constant 0 : i32
    %dma_wait3A_63 = tpu.memref_slice %arg4[%dma_wait3A_54, %dma_wait3A_60, %dma_wait3A_55, %dma_wait3A_61, %dma_wait3A_62] : memref<50x4x128x8x128xf32, #tpu.memory_space<hbm>> -> memref<1x4x1x8x128xf32, #tpu.memory_space<hbm>>
    %dma_wait3A_64 = tpu.memref_squeeze %dma_wait3A_63 : memref<1x4x1x8x128xf32, #tpu.memory_space<hbm>> -> memref<4x8x128xf32, #tpu.memory_space<hbm>>
    %dma_wait3A_65 = arith.constant 0 : i32
    %dma_wait3A_66 = arith.constant 0 : i32
    %dma_wait3A_67 = arith.constant 0 : i32
    %dma_wait3A_68 = tpu.memref_slice %arg4[%dma_wait3A_54, %dma_wait3A_65, %dma_wait3A_55, %dma_wait3A_66, %dma_wait3A_67] : memref<50x4x128x8x128xf32, #tpu.memory_space<hbm>> -> memref<1x4x1x8x128xf32, #tpu.memory_space<hbm>>
    %dma_wait3A_69 = tpu.memref_squeeze %dma_wait3A_68 : memref<1x4x1x8x128xf32, #tpu.memory_space<hbm>> -> memref<4x8x128xf32, #tpu.memory_space<hbm>>
    %dma_wait3A_70 = arith.constant 0 : i32
    %dma_wait3A_71 = arith.constant 0 : i32
    %dma_wait3A_72 = arith.constant 0 : i32
    %dma_wait3A_73 = tpu.memref_slice %arg11[%dma_wait3A_70, %dma_wait3A_71, %dma_wait3A_72] : memref<4x8x144xf32, #tpu.memory_space<vmem>> -> memref<4x8x128xf32, #tpu.memory_space<vmem>>
    tpu.wait_dma2 semaphore(%arg19 : memref<!tpu.dma_semaphore, #tpu.memory_space<semaphore_mem>>) src(%dma_wait3A_73 : memref<4x8x128xf32, #tpu.memory_space<vmem>>) dst(%dma_wait3A_69 : memref<4x8x128xf32, #tpu.memory_space<hbm>>)
    %dma_wait3A_74 = arith.constant 0 : i32
    %dma_wait3A_75 = arith.constant 0 : i32
    %dma_wait3A_76 = arith.constant 0 : i32
    %dma_wait3A_77 = arith.constant 0 : i32
    %dma_wait3A_78 = arith.constant 0 : i32
    %dma_wait3A_79 = tpu.memref_slice %arg12[%dma_wait3A_76, %dma_wait3A_77, %dma_wait3A_78] : memref<4x8x144xf32, #tpu.memory_space<vmem>> -> memref<4x8x128xf32, #tpu.memory_space<vmem>>
    %dma_wait3A_80 = arith.constant 0 : i32
    %dma_wait3A_81 = arith.constant 0 : i32
    %dma_wait3A_82 = arith.constant 0 : i32
    %dma_wait3A_83 = tpu.memref_slice %arg4[%dma_wait3A_74, %dma_wait3A_80, %dma_wait3A_75, %dma_wait3A_81, %dma_wait3A_82] : memref<50x4x128x8x128xf32, #tpu.memory_space<hbm>> -> memref<1x4x1x8x128xf32, #tpu.memory_space<hbm>>
    %dma_wait3A_84 = tpu.memref_squeeze %dma_wait3A_83 : memref<1x4x1x8x128xf32, #tpu.memory_space<hbm>> -> memref<4x8x128xf32, #tpu.memory_space<hbm>>
    %dma_wait3A_85 = arith.constant 0 : i32
    %dma_wait3A_86 = arith.constant 0 : i32
    %dma_wait3A_87 = arith.constant 0 : i32
    %dma_wait3A_88 = tpu.memref_slice %arg4[%dma_wait3A_74, %dma_wait3A_85, %dma_wait3A_75, %dma_wait3A_86, %dma_wait3A_87] : memref<50x4x128x8x128xf32, #tpu.memory_space<hbm>> -> memref<1x4x1x8x128xf32, #tpu.memory_space<hbm>>
    %dma_wait3A_89 = tpu.memref_squeeze %dma_wait3A_88 : memref<1x4x1x8x128xf32, #tpu.memory_space<hbm>> -> memref<4x8x128xf32, #tpu.memory_space<hbm>>
    %dma_wait3A_90 = arith.constant 0 : i32
    %dma_wait3A_91 = arith.constant 0 : i32
    %dma_wait3A_92 = arith.constant 0 : i32
    %dma_wait3A_93 = tpu.memref_slice %arg12[%dma_wait3A_90, %dma_wait3A_91, %dma_wait3A_92] : memref<4x8x144xf32, #tpu.memory_space<vmem>> -> memref<4x8x128xf32, #tpu.memory_space<vmem>>
    tpu.wait_dma2 semaphore(%arg20 : memref<!tpu.dma_semaphore, #tpu.memory_space<semaphore_mem>>) src(%dma_wait3A_93 : memref<4x8x128xf32, #tpu.memory_space<vmem>>) dst(%dma_wait3A_89 : memref<4x8x128xf32, #tpu.memory_space<hbm>>)
    %dma_wait3A_94 = arith.constant 0 : i32
    %dma_wait3A_95 = arith.constant 0 : i32
    %dma_wait3A_96 = arith.constant 0 : i32
    %dma_wait3A_97 = arith.constant 0 : i32
    %dma_wait3A_98 = arith.constant 0 : i32
    %dma_wait3A_99 = tpu.memref_slice %arg13[%dma_wait3A_96, %dma_wait3A_97, %dma_wait3A_98] : memref<4x8x144xf32, #tpu.memory_space<vmem>> -> memref<4x8x128xf32, #tpu.memory_space<vmem>>
    %dma_wait3A_100 = arith.constant 0 : i32
    %dma_wait3A_101 = arith.constant 0 : i32
    %dma_wait3A_102 = arith.constant 0 : i32
    %dma_wait3A_103 = tpu.memref_slice %arg4[%dma_wait3A_94, %dma_wait3A_100, %dma_wait3A_95, %dma_wait3A_101, %dma_wait3A_102] : memref<50x4x128x8x128xf32, #tpu.memory_space<hbm>> -> memref<1x4x1x8x128xf32, #tpu.memory_space<hbm>>
    %dma_wait3A_104 = tpu.memref_squeeze %dma_wait3A_103 : memref<1x4x1x8x128xf32, #tpu.memory_space<hbm>> -> memref<4x8x128xf32, #tpu.memory_space<hbm>>
    %dma_wait3A_105 = arith.constant 0 : i32
    %dma_wait3A_106 = arith.constant 0 : i32
    %dma_wait3A_107 = arith.constant 0 : i32
    %dma_wait3A_108 = tpu.memref_slice %arg4[%dma_wait3A_94, %dma_wait3A_105, %dma_wait3A_95, %dma_wait3A_106, %dma_wait3A_107] : memref<50x4x128x8x128xf32, #tpu.memory_space<hbm>> -> memref<1x4x1x8x128xf32, #tpu.memory_space<hbm>>
    %dma_wait3A_109 = tpu.memref_squeeze %dma_wait3A_108 : memref<1x4x1x8x128xf32, #tpu.memory_space<hbm>> -> memref<4x8x128xf32, #tpu.memory_space<hbm>>
    %dma_wait3A_110 = arith.constant 0 : i32
    %dma_wait3A_111 = arith.constant 0 : i32
    %dma_wait3A_112 = arith.constant 0 : i32
    %dma_wait3A_113 = tpu.memref_slice %arg13[%dma_wait3A_110, %dma_wait3A_111, %dma_wait3A_112] : memref<4x8x144xf32, #tpu.memory_space<vmem>> -> memref<4x8x128xf32, #tpu.memory_space<vmem>>
    tpu.wait_dma2 semaphore(%arg21 : memref<!tpu.dma_semaphore, #tpu.memory_space<semaphore_mem>>) src(%dma_wait3A_113 : memref<4x8x128xf32, #tpu.memory_space<vmem>>) dst(%dma_wait3A_109 : memref<4x8x128xf32, #tpu.memory_space<hbm>>)
    return
  }
}

</mosaic_0001>

<sc_bundles>
// kernel: kernel.3.cloned.1.call-start
scs
__scs_entry_jumppad:
0x0: {  	(pc) =	sbr.rel $0x88, $3  }
0x1: {  	(tag) =	ssettag $0x0;
	lr =	simm.s32 $0x1  }
0x2: {  	[smem:$0x3F9F] =	sst lr;
	_ =	strace $0xD0000000  }
0x3: {  	_ = 	snop  }
0x4: {  	_ = 	snop  }
0x5: {  	_ = 	snop  }
0x6: {  	_ = 	snop  }
0x7: {  	_ = 	snop  }
__scs_overlays_trampoline_lowered:
0x8: {  	[smem:$0x3FAE] =	sst s0  }
0x9: {  	[smem:$0x3FAF] =	sst s1  }
0xa: {  	[smem:$0x3FB0] =	sst s2  }
0xb: {  	[smem:$0x3FB1] =	sst s3  }
0xc: {  	[smem:$0x3FB2] =	sst s4  }
0xd: {  	[smem:$0x3FB3] =	sst s5  }
0xe: {  	[smem:$0x3FB4] =	sst s6  }
0xf: {  	[smem:$0x3FB5] =	sst s7  }
0x10: {  	[smem:$0x3FB6] =	sst s8  }
0x11: {  	[smem:$0x3FB7] =	sst s9;
	s0 =	simm.s32 @!p0 $0x0  }
0x12: {  	s1 =	sld [smem:$0x3F9D];
	s0 =	simm.s32 @p0 $0x1  }
0x13: {  	[smem:$0x3FB8] =	sst s0;
	s0 =	simm.s32 @!p1 $0x0  }
0x14: {  	s2 =	sld [smem:$0x3F9C];
	s0 =	simm.s32 @p1 $0x1  }
0x15: {  	[smem:$0x3FB9] =	sst s0;
	s0 =	simm.s32 @!p2 $0x0  }
0x16: {  	s3 =	sld [smem:$0x3FDB];
	s0 =	simm.s32 @p2 $0x1  }
0x17: {  	s4 =	simm.s32 $0x1BF5;
	[smem:$0x3FBB] =	sst s0  }
0x18: {  	s0 =	sld [smem:$0x3F9E];
	_ =	swait.ge [sflag:s4], $0x0  }
0x19: {  	s7 =	sld [smem:$0x3F9F]  }
0x1a: {  	s8 =	sadd.s32 $0xFFFFE003, lr  }
0x1b: {  	s9 =	sadd.s32 $0xFFFFFEF7, lr;
	s5 =	simm.s32 $0xFFFFFFFF;
	p2 =	slt.u32 s8, $0xFFFFF086  }
0x1c: {  	p1 =	slt.u32 s9, $0xF7A;
	s5 =	simm.s32 @!p2 $0x0  }
0x1d: {  	s5 =	simm.s32 @p1 $0x1;
	p0 =	seq.s32 s7, s2  }
0x1e: {  	s7 =	smul.u32 @!p0 $0xF7A, s2;
	p2 =	seq.s32 @!p0 s5, $0x0  }
0x1f: {  	s9 =	smul.u32 $0xF7A, s1;
	s8 =	simm.s32 @!p0 $0x1BF5;
	p2 =	por !p2, p0  }
0x20: {  	[sflag:s8] =	ssyncset.s32 @!p0 $0xFFFFF086;
	s6 =	sadd.s32 @!p0 s3, s7;
	s7 =	simm.s32 @!p0 $0x108  }
0x21: {  	s3 =	sadd.s32 s3, s9;
	s6 =	sadd.s32 @!p0 $0x88, s6;
	s7 =	simm.s32 @p2 $0x1082  }
0x22: {  	[simem:s7], [sflag:s8] =	dma.local @!p0 [hbm:s6], $0xF7A  }
0x23: {  	s9 =	sor.u32 $0xD0000000, s2;
	s6 =	simm.s32 $0x108;
	_ =	swait.ge @!p0 [sflag:s8], $0x0  }
0x24: {  	s3 =	sadd.s32 $0x88, s3;
	s6 =	simm.s32 @!p1 $0x1082;
	[sflag:s4] =	ssyncset.s32 $0xFFFFF086  }
0x25: {  	[simem:s6], [sflag:s4] =	dma.local [hbm:s3], $0xF7A  }
0x26: {  	[smem:$0x3F9F] =	sst s1;
	(tag) =	ssettag s2;
	_ =	strace s9  }
0x27: {  	s1 =	sld [smem:$0x3FAF]  }
0x28: {  	s2 =	sld [smem:$0x3FB0]  }
0x29: {  	s4 =	sld [smem:$0x3FB2]  }
0x2a: {  	p0 =	seq.s32 s5, $0x0;
	s5 =	sld [smem:$0x3FB3]  }
0x2b: {  	s6 =	sld [smem:$0x3FB4]  }
0x2c: {  	s7 =	sld [smem:$0x3FB5]  }
0x2d: {  	s3 =	simm.s32 $0x108;
	s8 =	sld [smem:$0x3FB6]  }
0x2e: {  	s3 =	simm.s32 @!p0 $0x1082;
	s9 =	sld [smem:$0x3FB7]  }
0x2f: {  	lr =	sadd.s32 s0, s3;
	s0 =	sld [smem:$0x3FAE]  }
0x30: {  	s3 =	sld [smem:$0x3FB1]  }
0x31: {  	[smem:$0x3FBA] =	sst s10  }
0x32: {  	s10 =	sld [smem:$0x3FB8];
	_ =	sdelay $0x3  }
0x33: {  	p0 =	seq.s32 s10, $0x1;
	s10 =	sld [smem:$0x3FBA];
	_ =	sdelay $0x3  }
0x34: {  	[smem:$0x3FBA] =	sst s10  }
0x35: {  	s10 =	sld [smem:$0x3FB9];
	_ =	sdelay $0x3  }
0x36: {  	p1 =	seq.s32 s10, $0x1;
	s10 =	sld [smem:$0x3FBA];
	_ =	sdelay $0x3  }
0x37: {  	[smem:$0x3FBA] =	sst s10  }
0x38: {  	s10 =	sld [smem:$0x3FBB]  }
0x39: {  	_ = 	snop;
	(pc) =	sbr.ind lr, $3  }
0x3a: {  	_ = 	snop  }
0x3b: {  	_ = 	snop  }
0x3c: {  	p2 =	seq.s32 s10, $0x1;
	s10 =	sld [smem:$0x3FBA]  }
0x3d: {  	_ =	shalt  }
0x3e: {  	_ =	shalt  }
0x3f: {  	_ =	shalt  }
0x40: {  	_ =	shalt  }
0x41: {  	_ =	shalt  }
0x42: {  	_ =	shalt  }
0x43: {  	_ =	shalt  }
0x44: {  	_ =	shalt  }
0x45: {  	_ =	shalt  }
0x46: {  	_ =	shalt  }
0x47: {  	_ =	shalt  }
0x48: {  	_ =	shalt  }
0x49: {  	_ =	shalt  }
0x4a: {  	_ =	shalt  }
0x4b: {  	_ =	shalt  }
0x4c: {  	_ =	shalt  }
0x4d: {  	_ =	shalt  }
0x4e: {  	_ =	shalt  }
0x4f: {  	_ =	shalt  }
0x50: {  	_ =	shalt  }
0x51: {  	_ =	shalt  }
0x52: {  	_ =	shalt  }
0x53: {  	_ =	shalt  }
0x54: {  	_ =	shalt  }
0x55: {  	_ =	shalt  }
0x56: {  	_ =	shalt  }
0x57: {  	_ =	shalt  }
0x58: {  	_ =	shalt  }
0x59: {  	_ =	shalt  }
0x5a: {  	_ =	shalt  }
0x5b: {  	_ =	shalt  }
0x5c: {  	_ =	shalt  }
0x5d: {  	_ =	shalt  }
0x5e: {  	_ =	shalt  }
0x5f: {  	_ =	shalt  }
0x60: {  	_ =	shalt  }
0x61: {  	_ =	shalt  }
0x62: {  	_ =	shalt  }
0x63: {  	_ =	shalt  }
0x64: {  	_ =	shalt  }
0x65: {  	_ =	shalt  }
0x66: {  	_ =	shalt  }
0x67: {  	_ =	shalt  }
0x68: {  	_ =	shalt  }
0x69: {  	_ =	shalt  }
0x6a: {  	_ =	shalt  }
0x6b: {  	_ =	shalt  }
0x6c: {  	_ =	shalt  }
0x6d: {  	_ =	shalt  }
0x6e: {  	_ =	shalt  }
0x6f: {  	_ =	shalt  }
0x70: {  	_ =	shalt  }
0x71: {  	_ =	shalt  }
0x72: {  	_ =	shalt  }
0x73: {  	_ =	shalt  }
0x74: {  	_ =	shalt  }
0x75: {  	_ =	shalt  }
0x76: {  	_ =	shalt  }
0x77: {  	_ =	shalt  }
0x78: {  	_ =	shalt  }
0x79: {  	_ =	shalt  }
0x7a: {  	_ =	shalt  }
0x7b: {  	_ =	shalt  }
0x7c: {  	_ =	shalt  }
0x7d: {  	_ =	shalt  }
0x7e: {  	_ =	shalt  }
0x7f: {  	_ =	shalt  }
0x80: {  	_ =	shalt  }
0x81: {  	_ =	shalt  }
0x82: {  	_ =	shalt  }
0x83: {  	_ =	shalt  }
0x84: {  	_ =	shalt  }
0x85: {  	_ =	shalt  }
0x86: {  	_ =	shalt  }
0x87: {  	_ =	shalt  }
.Lfunc_end0:
.L_simem_size_0:
called_computation_lowered:
.L_overlay_start_0:
0x88: {  	s2 =	sld [smem:$0x3FD9]  }
0x89: {  	s3 =	sld [smem:$0x3FFE];
	_ =	sdelay $0x1  }
0x8a: {  	s1 =	srdreg.scid  }
0x8b: {  	s0 =	sand.u32 $0x1, s1  }
0x8c: {  	s17 =	sshll.u32 s0, $0xA;
	s2 =	sadd.s32 s3, s2  }
0x8d: {  	s2 =	sadd.s32 s2, s17  }
0x8e: {  	[smem:$0x3FC6] =	sst s2  }
0x8f: {  	_ = 	snop  }
0x90: {  	s2 =	sld [smem:$0x3FD0];
	(tm) =	ssettm $0x1  }
0x91: {  	s18 =	sld [smem:$0x3FFB];
	_ =	sdelay $0x3  }
0x92: {  	_ =	strace s18  }
0x93: {  	s3 =	sld [smem:$0x3FFC];
	_ =	sdelay $0x3  }
0x94: {  	_ =	strace s3  }
0x95: {  	s3 =	sld [smem:$0x3FFD];
	_ =	sdelay $0x3  }
0x96: {  	_ =	strace s3  }
0x97: {  	_ =	strace $0x8FFFFFFF  }
0x98: {  	s19 =	sld [smem:$0x3FDB];
	_ =	sdelay $0x1  }
0x99: {  	s4 =	simm.s32 $_scs_section_size  }
0x9a: {  	s5 =	simm.s32 $_size__tile_overlayer_lowered;
	s6 =	simm.s32 $_tile_overlayer_lowered  }
0x9b: {  	s22 =	simm.s32 $0x1BFF;
	s21 =	sshll.u32 s6, $0x1;
	s3 =	sadd.s32 s4, s19  }
0x9c: {  	s7 =	simm.s32 $0x0;
	s20 =	sshll.u32 s5, $0x1;
	s5 =	sadd.s32 s21, s3  }
0x9d: {  	[timem:s7], [sflag:s22] =	dma.local [hbm:s5], s20  }
0x9e: {  	_ =	swait.ge [sflag:s22], s20  }
0x9f: {  	s4 =	ssub.s32 $0x0, s20;
	[sflag:s22] =	ssyncset.done $0x0  }
0xa0: {  	[sflag:s22] =	ssyncadd.s32 s4;
	_ =	sdelay $0x1  }
0xa1: {  	s23 =	simm.s32 $0x1B8B  }
0xa2: {  	_ =	swait.ge [sflag:s23], $0x1  }
0xa3: {  	[sflag:s23] =	ssyncset.done $0x0  }
0xa4: {  	s25 =	simm.s32 $0x1B8E;
	s24 =	sld [smem:$0x3FFE];
	[sflag:s23] =	ssyncadd.s32 $0xFFFFFFFF  }
0xa5: {  	s26 =	simm.s32 $execute0_lowered;
	[smem:$0x3FD2] =	sst s25  }
0xa6: {  	s5 =	sshll.u32 s26, $0x1;
	_ =	strace $0x80000046;
	[dreg:$0x1] =	wrdreg $0xFFFFFFFF  }
0xa7: {  	s28 =	simm.s32 $_size_execute0_lowered;
	s3 =	sadd.s32 s3, s5;
	[dreg:$0x0] =	wrdreg $0x0  }
0xa8: {  	s5 =	sshll.u32 s28, $0x1;
	[dreg:$0x2] =	wrdreg s3  }
0xa9: {  	[dreg:$0x3] =	wrdreg s5  }
0xaa: {  	[dreg:$0x4] =	wrdreg $0xC0  }
0xab: {  	_ =	task [dreg:s7], $0x5FFFF  }
0xac: {  	[dreg:$0x1] =	wrdreg $0xFFFFFFFF  }
0xad: {  	[dreg:$0x0] =	wrdreg $0x60  }
0xae: {  	[dreg:$0x2] =	wrdreg s24  }
0xaf: {  	[dreg:$0x3] =	wrdreg s2  }
0xb0: {  	[dreg:$0x4] =	wrdreg $0x9  }
0xb1: {  	_ =	task.clear_ibuf [dreg:s7], $0x5FFFF;
	_ =	strace $0x90000046  }
0xb2: {  	s29 =	simm.s32 $0x9;
	_ =	strace $0x80000048  }
0xb3: {  	_ =	swait.ge [sflag:s29], $0x1  }
0xb4: {  	[sflag:s29] =	ssyncadd.s32 $0xFFFFFFFF  }
0xb5: {  	_ =	strace $0x90000048  }
0xb6: {  	_ =	sfence  }
0xb7: {  	s30 =	sld [smem:$0x0];
	_ =	sdelay $0x2  }
0xb8: {  	s31 =	sshll.u32 s1, $0xD;
	s1 =	sshrl.u32 s1, $0x2  }
0xb9: {  	s3 =	sand.u32 $0x4000, s31;
	s1 =	sadd.s32 s1, s30  }
0xba: {  	s0 =	sor.u32 s3, s0;
	s1 =	sshll.u32 s1, $0x11  }
0xbb: {  	s0 =	sor.u32 s1, s0  }
0xbc: {  	s0 =	sadd.s32 $0x8F2B, s0  }
0xbd: {  	[sflag:s0] =	ssyncadd.remote.s32 $0x1  }
0xbe: {  	_ =	sfence.sel $0xFFFF  }
0xbf: {  	[dreg:$0x0] =	wrdreg $0xFFFFFFFF;
	(pc) =	sbr.abs _section_cstart, $3  }
0xc0: {  	[dreg:$0x1] =	wrdreg $0xFFFFFFFF  }
0xc1: {  	_ =	task.clear_ibuf [dreg:s7], $0x2FFFF;
	_ =	strace $0x9FFFFFFF  }
0xc2: {  	(tm) =	ssettm $0x7FFFFFFF  }
0xc3: {  	_ =	shalt  }
tec
execute0_lowered:
.L_overlay_start_1:
0x0: {  	(tag) =	ssettag $0x1  }
0x1: {  	s0 =	rddreg [dreg:$0x0]  }
0x2: {  	s2 =	rddreg [dreg:$0x1]  }
0x3: {  	s1 =	srdreg.scid;
	s4 =	stileid.u32;
	s3 =	simm.s32 $0x0  }
0x4: {  	s11 =	simm.s32 $0x80;
	s18 =	simm.s32 $0x1;
	s19 =	simm.s32 $0xA400  }
0x5: {  	s28 =	simm.s32 $0x2;
	s29 =	simm.s32 $0xB600;
	s16 =	simm.s32 $0x3  }
0x6: {  	s8 =	simm.s32 $0xC800;
	s30 =	simm.s32 $0x4;
	s31 =	simm.s32 $0xDA00  }
0x7: {  	s13 =	simm.s32 $0xE6F0;
	s14 =	simm.s32 $0xE780;
	s15 =	simm.s32 $0xE810  }
0x8: {  	v0 =	vlaneseq.u32;
	s10 =	simm.s32 $0xE9C0;
	s17 =	simm.s32 $0xEA50;
	s20 =	simm.s32 $0xEAE0  }
0x9: {  	v1 =	vimm.s32 $0x0;
	vm0 =	vcmask $0x300;
	s21 =	simm.s32 $0xEB70;
	s1 =	sand.u32 $0x1, s1;
	s4 =	sshll.u32 s4, $0x1;
	v0 =	vmul.u32 $0x90, v0  }
0xa: {  	s9 =	simm.s32 $0x0;
	[smem:$0x7FF] =	sst s3;
	v1 =	vsel vm0, $0x3, v1;
	s5 =	sor.u32 s1, s4  }
.Ltmp0:
0xb: {  	s1 =	ssub.s32 $0x2, s1;
	s4 =	sshll.u32 s5, $0x6;
	v2 =	vadd.s32 $0x900, v0;
	v3 =	vor.u32 $0x1, v0;
	v4 =	vadd.s32 $0x901, v0;
	(pc) =	sbr.rel .LBB2_1-.Ltmp0, $4  }
0xc: {  	_ =	strace $0x80000047;
	s6 =	sshrl.u32 s1, $0x1;
	v5 =	vor.u32 $0x2, v0;
	v6 =	vadd.s32 $0x902, v0;
	v7 =	vor.u32 $0x3, v0;
	s7 =	sadd.s32 s4, s0  }
0xd: {  	v8 =	vadd.s32 $0x903, v0;
	v9 =	vor.u32 $0x4, v0;
	v10 =	vadd.s32 $0x904, v0;
	s4 =	sadd.s32 $0xF42A00, s0;
	s25 =	ssub.s32 s1, s6;
	s26 =	sadd.s32 $0x600, s7  }
0xe: {  	v11 =	vor.u32 $0x5, v0;
	v12 =	vadd.s32 $0x905, v0;
	v13 =	vor.u32 $0x6, v0;
	s6 =	sshll.u32 s5, $0x2;
	s0 =	smax.u32 s25, $0x1;
	[dreg:$0x3] =	wrdreg s26  }
0xf: {  	v14 =	vadd.s32 $0x906, v0;
	v15 =	vor.u32 $0x7, v0;
	v16 =	vadd.s32 $0x907, v0;
	s5 =	simm.s32 $0xE8A0;
	s7 =	simm.s32 $0xE930;
	[dreg:$0x4] =	wrdreg s0  }
.LBB2_12:
0x10: {  	s0 =	simm.s32 $0x5  }
0x11: {  	_ =	swait.ge [sflag:s0], $0x1000  }
0x12: {  	[sflag:s0] =	ssyncset.done $0x0  }
0x13: {  	s24 =	simm.s32 $0x6;
	[sflag:s0] =	ssyncadd.s32 $0xFFFFF000  }
0x14: {  	_ =	swait.ge [sflag:s24], $0x1000  }
0x15: {  	[sflag:s24] =	ssyncset.done $0x0  }
0x16: {  	s25 =	simm.s32 $0x7;
	[sflag:s24] =	ssyncadd.s32 $0xFFFFF000  }
0x17: {  	_ =	swait.ge [sflag:s25], $0x1000  }
0x18: {  	[sflag:s25] =	ssyncset.done $0x0  }
0x19: {  	s1 =	simm.s32 $0x8;
	[sflag:s25] =	ssyncadd.s32 $0xFFFFF000  }
0x1a: {  	_ =	swait.ge [sflag:s1], $0x1000  }
0x1b: {  	s9 =	rddreg [dreg:$0x5]  }
0x1c: {  	s26 =	rddreg [dreg:$0x4];
	s9 =	sadd.s32 $0x1, s9  }
0x1d: {  	p0 =	sne.s32 s9, s26  }
.Ltmp1:
0x1e: {  	_ = 	snop;
	(pc) =	sbr.rel @!p0 .LBB2_13-.Ltmp1, $3  }
0x1f: {  	_ =	sdelay $0x1  }
0x20: {  	[sflag:s1] =	ssyncset.done $0x0  }
0x21: {  	[sflag:s1] =	ssyncadd.s32 $0xFFFFF000  }
.LBB2_1:
0x22: {  	[dreg:$0x5] =	wrdreg s9  }
0x23: {  	s0 =	rddreg [dreg:$0x3]  }
0x24: {  	s1 =	simm.s32 $0x200;
	s26 =	simm.s32 $0x4000;
	s9 =	simm.s32 $0x9  }
0x25: {  	[tilespmem:s3], [sflag:$0x9] =	stream.strided.gather [hbm4b:s0+s1], $0x6400, s26, s1, $0x38;
	[tilespmem:$0xEC00] =	vst v63  }
0x26: {  	_ =	swait.ge [sflag:s9], $0x6400  }
0x27: {  	[sflag:s9] =	ssyncset.done $0x0  }
0x28: {  	s12 =	simm.s32 $0x6400;
	[sflag:s9] =	ssyncadd.s32 $0xFFFF9C00  }
0x29: {  	[tilespmem:s12], [sflag:$0x1] =	stream.indirect.gather [hbm4b:s4+s11], $0x20, s3, s11, $0xb8;
	[tilespmem:$0xEC00] =	vst v63  }
0x2a: {  	s22 =	simm.s32 $0x7400  }
0x2b: {  	[tilespmem:s22], [sflag:$0x2] =	stream.indirect.gather [hbm4b:s4+s11], $0x20, s1, s11, $0xb8;
	[tilespmem:$0xEC00] =	vst v63  }
0x2c: {  	s23 =	simm.s32 $0x400;
	s24 =	simm.s32 $0x8400  }
0x2d: {  	[tilespmem:s24], [sflag:$0x3] =	stream.indirect.gather [hbm4b:s4+s11], $0x20, s23, s11, $0xb8;
	[tilespmem:$0xEC00] =	vst v63  }
0x2e: {  	s25 =	simm.s32 $0x600;
	s26 =	simm.s32 $0x9400;
	s22 =	simm.s32 $0x0  }
0x2f: {  	[tilespmem:s26], [sflag:$0x4] =	stream.indirect.gather [hbm4b:s4+s11], $0x20, s25, s11, $0xb8;
	[tilespmem:$0xEC00] =	vst v63  }
.LBB2_2:
0x30: {  	_ =	swait.ge [sflag:s18], $0x1000  }
0x31: {  	p0 =	seq.s32 s22, $0x0;
	[sflag:s18] =	ssyncset.done $0x0  }
0x32: {  	s1 =	simm.s32 $0x0;
	s0 =	simm.s32 @!p0 $0x5;
	[sflag:s18] =	ssyncadd.s32 $0xFFFFF000  }
0x33: {  	v17 =	vmov s1;
	_ =	swait.ge @!p0 [sflag:s0], $0x1000  }
0x34: {  	v17 =	vshrl.u32 v17, $0x3;
	[sflag:s0] =	ssyncset.done @!p0 $0x0  }
0x35: {  	s24 =	simm.s32 $0x6480;
	v17 =	vshll.u32 v17, v1;
	[sflag:s0] =	ssyncadd.s32 @!p0 $0xFFFFF000  }
0x36: {  	v17 =	vbroadcast v17, $0x0;
	v18 =	vld [tilespmem:s24+$0xFFFFFF80];
	_ =	sdelay $0x1  }
0x37: {  	v19 =	vadd.s32 v0, v17;
	_ =	sdelay $0x2  }
0x38: {  	v18 =	vmul.f32 $5.656854150e+00, v18;
	_ =	sdelay $0x1  }
0x39: {  	[tilespmem:v19+s19+$0x0] =	vst.idx.msk $0xffff, v18  }
0x3a: {  	v18 =	vld [tilespmem:s24+$0xFFFFFF90];
	_ =	sdelay $0x1  }
0x3b: {  	v17 =	vadd.s32 v2, v17;
	_ =	sdelay $0x1  }
0x3c: {  	s25 =	simm.s32 $0x1  }
0x3d: {  	v19 =	vmov s25;
	v18 =	vmul.f32 $5.656854150e+00, v18  }
0x3e: {  	v19 =	vshrl.u32 v19, $0x3  }
0x3f: {  	[tilespmem:v17+s19+$0x0] =	vst.idx.msk $0xffff, v18;
	v17 =	vshll.u32 v19, v1  }
0x40: {  	v18 =	vld [tilespmem:s24+$0xFFFFFFA0];
	v17 =	vbroadcast v17, $0x0;
	_ =	sdelay $0x1  }
0x41: {  	v19 =	vadd.s32 v3, v17;
	_ =	sdelay $0x2  }
0x42: {  	v18 =	vmul.f32 $5.656854150e+00, v18;
	_ =	sdelay $0x1  }
0x43: {  	[tilespmem:v19+s19+$0x0] =	vst.idx.msk $0xffff, v18  }
0x44: {  	v18 =	vld [tilespmem:s24+$0xFFFFFFB0];
	_ =	sdelay $0x1  }
0x45: {  	v17 =	vadd.s32 v4, v17;
	_ =	sdelay $0x1  }
0x46: {  	s26 =	simm.s32 $0x2  }
0x47: {  	v19 =	vmov s26;
	v18 =	vmul.f32 $5.656854150e+00, v18  }
0x48: {  	v19 =	vshrl.u32 v19, $0x3  }
0x49: {  	[tilespmem:v17+s19+$0x0] =	vst.idx.msk $0xffff, v18;
	v17 =	vshll.u32 v19, v1  }
0x4a: {  	v18 =	vld [tilespmem:s24+$0xFFFFFFC0];
	v17 =	vbroadcast v17, $0x0;
	_ =	sdelay $0x1  }
0x4b: {  	v19 =	vadd.s32 v5, v17;
	_ =	sdelay $0x2  }
0x4c: {  	v18 =	vmul.f32 $5.656854150e+00, v18;
	_ =	sdelay $0x1  }
0x4d: {  	[tilespmem:v19+s19+$0x0] =	vst.idx.msk $0xffff, v18  }
0x4e: {  	v18 =	vld [tilespmem:s24+$0xFFFFFFD0];
	_ =	sdelay $0x1  }
0x4f: {  	v17 =	vadd.s32 v6, v17;
	_ =	sdelay $0x1  }
0x50: {  	s1 =	simm.s32 $0x3  }
0x51: {  	v19 =	vmov s1;
	v18 =	vmul.f32 $5.656854150e+00, v18  }
0x52: {  	v19 =	vshrl.u32 v19, $0x3  }
0x53: {  	[tilespmem:v17+s19+$0x0] =	vst.idx.msk $0xffff, v18;
	v17 =	vshll.u32 v19, v1  }
0x54: {  	v18 =	vld [tilespmem:s24+$0xFFFFFFE0];
	v17 =	vbroadcast v17, $0x0;
	_ =	sdelay $0x1  }
0x55: {  	v19 =	vadd.s32 v7, v17;
	_ =	sdelay $0x2  }
0x56: {  	v18 =	vmul.f32 $5.656854150e+00, v18;
	_ =	sdelay $0x1  }
0x57: {  	[tilespmem:v19+s19+$0x0] =	vst.idx.msk $0xffff, v18  }
0x58: {  	v18 =	vld [tilespmem:s24+$0xFFFFFFF0];
	_ =	sdelay $0x1  }
0x59: {  	v17 =	vadd.s32 v8, v17;
	_ =	sdelay $0x1  }
0x5a: {  	s9 =	simm.s32 $0x4  }
0x5b: {  	v19 =	vmov s9;
	v18 =	vmul.f32 $5.656854150e+00, v18  }
0x5c: {  	v19 =	vshrl.u32 v19, $0x3  }
0x5d: {  	[tilespmem:v17+s19+$0x0] =	vst.idx.msk $0xffff, v18;
	v17 =	vshll.u32 v19, v1  }
0x5e: {  	v18 =	vld [tilespmem:s24+$0x0];
	v17 =	vbroadcast v17, $0x0;
	_ =	sdelay $0x1  }
0x5f: {  	v19 =	vadd.s32 v9, v17;
	_ =	sdelay $0x2  }
0x60: {  	v18 =	vmul.f32 $5.656854150e+00, v18;
	_ =	sdelay $0x1  }
0x61: {  	[tilespmem:v19+s19+$0x0] =	vst.idx.msk $0xffff, v18  }
0x62: {  	v18 =	vld [tilespmem:s24+$0x10];
	_ =	sdelay $0x1  }
0x63: {  	v17 =	vadd.s32 v10, v17;
	_ =	sdelay $0x1  }
0x64: {  	s12 =	simm.s32 $0x5  }
0x65: {  	v19 =	vmov s12;
	v18 =	vmul.f32 $5.656854150e+00, v18  }
0x66: {  	v19 =	vshrl.u32 v19, $0x3  }
0x67: {  	[tilespmem:v17+s19+$0x0] =	vst.idx.msk $0xffff, v18;
	v17 =	vshll.u32 v19, v1  }
0x68: {  	v18 =	vld [tilespmem:s24+$0x20];
	v17 =	vbroadcast v17, $0x0;
	_ =	sdelay $0x1  }
0x69: {  	v19 =	vadd.s32 v11, v17;
	_ =	sdelay $0x2  }
0x6a: {  	v18 =	vmul.f32 $5.656854150e+00, v18;
	_ =	sdelay $0x1  }
0x6b: {  	[tilespmem:v19+s19+$0x0] =	vst.idx.msk $0xffff, v18  }
0x6c: {  	v18 =	vld [tilespmem:s24+$0x30];
	_ =	sdelay $0x1  }
0x6d: {  	v17 =	vadd.s32 v12, v17;
	_ =	sdelay $0x1  }
0x6e: {  	s23 =	simm.s32 $0x6  }
0x6f: {  	v19 =	vmov s23;
	v18 =	vmul.f32 $5.656854150e+00, v18  }
0x70: {  	v19 =	vshrl.u32 v19, $0x3  }
0x71: {  	[tilespmem:v17+s19+$0x0] =	vst.idx.msk $0xffff, v18;
	v17 =	vshll.u32 v19, v1  }
0x72: {  	v18 =	vld [tilespmem:s24+$0x40];
	v17 =	vbroadcast v17, $0x0;
	_ =	sdelay $0x1  }
0x73: {  	v19 =	vadd.s32 v13, v17;
	_ =	sdelay $0x2  }
0x74: {  	v18 =	vmul.f32 $5.656854150e+00, v18;
	_ =	sdelay $0x1  }
0x75: {  	[tilespmem:v19+s19+$0x0] =	vst.idx.msk $0xffff, v18  }
0x76: {  	v18 =	vld [tilespmem:s24+$0x50];
	_ =	sdelay $0x1  }
0x77: {  	v17 =	vadd.s32 v14, v17;
	_ =	sdelay $0x1  }
0x78: {  	s25 =	simm.s32 $0x7  }
0x79: {  	v19 =	vmov s25;
	v18 =	vmul.f32 $5.656854150e+00, v18  }
0x7a: {  	v19 =	vshrl.u32 v19, $0x3  }
0x7b: {  	[tilespmem:v17+s19+$0x0] =	vst.idx.msk $0xffff, v18;
	v17 =	vshll.u32 v19, v1  }
0x7c: {  	v18 =	vld [tilespmem:s24+$0x60];
	v17 =	vbroadcast v17, $0x0;
	_ =	sdelay $0x1  }
0x7d: {  	v19 =	vadd.s32 v15, v17;
	_ =	sdelay $0x2  }
0x7e: {  	v18 =	vmul.f32 $5.656854150e+00, v18;
	_ =	sdelay $0x1  }
0x7f: {  	[tilespmem:v19+s19+$0x0] =	vst.idx.msk $0xffff, v18  }
0x80: {  	v18 =	vld [tilespmem:s24+$0x70];
	_ =	sdelay $0x1  }
0x81: {  	v17 =	vadd.s32 v16, v17  }
0x82: {  	s26 =	simm.s32 $0x8  }
0x83: {  	v19 =	vmov s26  }
0x84: {  	s0 =	simm.s32 $0x17;
	s23 =	sshll.u32 s22, $0x2;
	s25 =	simm.s32 $0xF;
	v19 =	vshrl.u32 v19, $0x3;
	v18 =	vmul.f32 $5.656854150e+00, v18  }
.LBB2_3:
0x85: {  	p1 =	sne.s32 s0, $0x7F  }
0x86: {  	v19 =	vshll.u32 v19, v1;
	[tilespmem:v17+s19+$0x0] =	vst.idx.msk $0xffff, v18;
	s24 =	sadd.s32 $0x100, s24;
	s1 =	smov.u32 s0;
	s0 =	sadd.s32 $0x8, s0  }
0x87: {  	v17 =	vld [tilespmem:s24+$0xFFFFFF80];
	v18 =	vbroadcast v19, $0x0;
	_ =	sdelay $0x1  }
0x88: {  	v19 =	vadd.s32 v0, v18;
	_ =	sdelay $0x2  }
0x89: {  	v17 =	vmul.f32 $5.656854150e+00, v17;
	_ =	sdelay $0x1  }
0x8a: {  	[tilespmem:v19+s19+$0x0] =	vst.idx.msk $0xffff, v17  }
0x8b: {  	v17 =	vld [tilespmem:s24+$0xFFFFFF90];
	_ =	sdelay $0x1  }
0x8c: {  	v18 =	vadd.s32 v2, v18;
	_ =	sdelay $0x1  }
0x8d: {  	s9 =	sadd.s32 $0xFFFFFFFA, s25  }
0x8e: {  	v19 =	vmov s9;
	v17 =	vmul.f32 $5.656854150e+00, v17  }
0x8f: {  	v19 =	vshrl.u32 v19, $0x3  }
0x90: {  	[tilespmem:v18+s19+$0x0] =	vst.idx.msk $0xffff, v17;
	v17 =	vshll.u32 v19, v1  }
0x91: {  	v18 =	vld [tilespmem:s24+$0xFFFFFFA0];
	v17 =	vbroadcast v17, $0x0;
	_ =	sdelay $0x1  }
0x92: {  	v19 =	vadd.s32 v3, v17;
	_ =	sdelay $0x2  }
0x93: {  	v18 =	vmul.f32 $5.656854150e+00, v18;
	_ =	sdelay $0x1  }
0x94: {  	[tilespmem:v19+s19+$0x0] =	vst.idx.msk $0xffff, v18  }
0x95: {  	v18 =	vld [tilespmem:s24+$0xFFFFFFB0];
	_ =	sdelay $0x1  }
0x96: {  	v17 =	vadd.s32 v4, v17;
	_ =	sdelay $0x1  }
0x97: {  	s9 =	sadd.s32 $0xFFFFFFFB, s25  }
0x98: {  	v19 =	vmov s9;
	v18 =	vmul.f32 $5.656854150e+00, v18  }
0x99: {  	v19 =	vshrl.u32 v19, $0x3  }
0x9a: {  	[tilespmem:v17+s19+$0x0] =	vst.idx.msk $0xffff, v18;
	v17 =	vshll.u32 v19, v1  }
0x9b: {  	v18 =	vld [tilespmem:s24+$0xFFFFFFC0];
	v17 =	vbroadcast v17, $0x0;
	_ =	sdelay $0x1  }
0x9c: {  	v19 =	vadd.s32 v5, v17;
	_ =	sdelay $0x2  }
0x9d: {  	v18 =	vmul.f32 $5.656854150e+00, v18;
	_ =	sdelay $0x1  }
0x9e: {  	[tilespmem:v19+s19+$0x0] =	vst.idx.msk $0xffff, v18  }
0x9f: {  	v18 =	vld [tilespmem:s24+$0xFFFFFFD0];
	_ =	sdelay $0x1  }
0xa0: {  	v17 =	vadd.s32 v6, v17;
	_ =	sdelay $0x1  }
0xa1: {  	s9 =	sadd.s32 $0xFFFFFFFC, s25  }
0xa2: {  	v19 =	vmov s9;
	v18 =	vmul.f32 $5.656854150e+00, v18  }
0xa3: {  	v19 =	vshrl.u32 v19, $0x3  }
0xa4: {  	[tilespmem:v17+s19+$0x0] =	vst.idx.msk $0xffff, v18;
	v17 =	vshll.u32 v19, v1  }
0xa5: {  	v18 =	vld [tilespmem:s24+$0xFFFFFFE0];
	v17 =	vbroadcast v17, $0x0;
	_ =	sdelay $0x1  }
0xa6: {  	v19 =	vadd.s32 v7, v17;
	_ =	sdelay $0x2  }
0xa7: {  	v18 =	vmul.f32 $5.656854150e+00, v18;
	_ =	sdelay $0x1  }
0xa8: {  	[tilespmem:v19+s19+$0x0] =	vst.idx.msk $0xffff, v18  }
0xa9: {  	v18 =	vld [tilespmem:s24+$0xFFFFFFF0];
	_ =	sdelay $0x1  }
0xaa: {  	v17 =	vadd.s32 v8, v17;
	_ =	sdelay $0x1  }
0xab: {  	s9 =	sadd.s32 $0xFFFFFFFD, s25  }
0xac: {  	v19 =	vmov s9;
	v18 =	vmul.f32 $5.656854150e+00, v18  }
0xad: {  	v19 =	vshrl.u32 v19, $0x3  }
0xae: {  	[tilespmem:v17+s19+$0x0] =	vst.idx.msk $0xffff, v18;
	v17 =	vshll.u32 v19, v1  }
0xaf: {  	v18 =	vld [tilespmem:s24+$0x0];
	v17 =	vbroadcast v17, $0x0;
	_ =	sdelay $0x1  }
0xb0: {  	v19 =	vadd.s32 v9, v17;
	_ =	sdelay $0x2  }
0xb1: {  	v18 =	vmul.f32 $5.656854150e+00, v18;
	_ =	sdelay $0x1  }
0xb2: {  	[tilespmem:v19+s19+$0x0] =	vst.idx.msk $0xffff, v18  }
0xb3: {  	v18 =	vld [tilespmem:s24+$0x10];
	_ =	sdelay $0x1  }
0xb4: {  	v17 =	vadd.s32 v10, v17;
	_ =	sdelay $0x1  }
0xb5: {  	s9 =	sadd.s32 $0xFFFFFFFE, s25  }
0xb6: {  	v19 =	vmov s9;
	v18 =	vmul.f32 $5.656854150e+00, v18  }
0xb7: {  	v19 =	vshrl.u32 v19, $0x3  }
0xb8: {  	[tilespmem:v17+s19+$0x0] =	vst.idx.msk $0xffff, v18;
	v17 =	vshll.u32 v19, v1  }
0xb9: {  	v18 =	vld [tilespmem:s24+$0x20];
	v17 =	vbroadcast v17, $0x0;
	_ =	sdelay $0x1  }
0xba: {  	v19 =	vadd.s32 v11, v17;
	_ =	sdelay $0x2  }
0xbb: {  	v18 =	vmul.f32 $5.656854150e+00, v18;
	_ =	sdelay $0x1  }
0xbc: {  	[tilespmem:v19+s19+$0x0] =	vst.idx.msk $0xffff, v18  }
0xbd: {  	v18 =	vld [tilespmem:s24+$0x30];
	_ =	sdelay $0x1  }
0xbe: {  	v17 =	vadd.s32 v12, v17;
	_ =	sdelay $0x1  }
0xbf: {  	s9 =	sadd.s32 $0xFFFFFFFF, s25  }
0xc0: {  	v19 =	vmov s9;
	v18 =	vmul.f32 $5.656854150e+00, v18  }
0xc1: {  	v19 =	vshrl.u32 v19, $0x3  }
0xc2: {  	[tilespmem:v17+s19+$0x0] =	vst.idx.msk $0xffff, v18;
	v17 =	vshll.u32 v19, v1  }
0xc3: {  	v18 =	vld [tilespmem:s24+$0x40];
	v17 =	vbroadcast v17, $0x0;
	_ =	sdelay $0x1  }
0xc4: {  	v19 =	vadd.s32 v13, v17;
	_ =	sdelay $0x2  }
0xc5: {  	v18 =	vmul.f32 $5.656854150e+00, v18;
	_ =	sdelay $0x1  }
0xc6: {  	[tilespmem:v19+s19+$0x0] =	vst.idx.msk $0xffff, v18  }
0xc7: {  	v18 =	vld [tilespmem:s24+$0x50];
	_ =	sdelay $0x1  }
0xc8: {  	v17 =	vadd.s32 v14, v17;
	_ =	sdelay $0x2  }
0xc9: {  	v19 =	vmov s25;
	s25 =	smov.u32 s1;
	v18 =	vmul.f32 $5.656854150e+00, v18  }
0xca: {  	v19 =	vshrl.u32 v19, $0x3  }
0xcb: {  	[tilespmem:v17+s19+$0x0] =	vst.idx.msk $0xffff, v18;
	v17 =	vshll.u32 v19, v1  }
0xcc: {  	v18 =	vld [tilespmem:s24+$0x60];
	v17 =	vbroadcast v17, $0x0;
	_ =	sdelay $0x1  }
0xcd: {  	v19 =	vadd.s32 v15, v17;
	_ =	sdelay $0x2  }
0xce: {  	v18 =	vmul.f32 $5.656854150e+00, v18;
	_ =	sdelay $0x1  }
0xcf: {  	[tilespmem:v19+s19+$0x0] =	vst.idx.msk $0xffff, v18  }
0xd0: {  	v18 =	vld [tilespmem:s24+$0x70];
	_ =	sdelay $0x1  }
.Ltmp2:
0xd1: {  	v17 =	vadd.s32 v16, v17;
	(pc) =	sbr.rel @p1 .LBB2_3-.Ltmp2, $4  }
0xd2: {  	_ = 	snop  }
0xd3: {  	s1 =	sadd.s32 $0xFFFFFFF9, s25  }
0xd4: {  	v19 =	vmov s1;
	v18 =	vmul.f32 $5.656854150e+00, v18  }
0xd5: {  	v19 =	vshrl.u32 v19, $0x3  }
0xd6: {  	_ =	sdelay $0x3  }
0xd7: {  	v19 =	vshll.u32 v19, v1;
	[tilespmem:v17+s19+$0x0] =	vst.idx.msk $0xffff, v18;
	s0 =	sadd.s32 $0x100, s24  }
0xd8: {  	v17 =	vld [tilespmem:s0+$0xFFFFFF80];
	v18 =	vbroadcast v19, $0x0;
	_ =	sdelay $0x1  }
0xd9: {  	v19 =	vadd.s32 v0, v18;
	_ =	sdelay $0x2  }
0xda: {  	v17 =	vmul.f32 $5.656854150e+00, v17;
	_ =	sdelay $0x1  }
0xdb: {  	[tilespmem:v19+s19+$0x0] =	vst.idx.msk $0xffff, v17  }
0xdc: {  	v17 =	vld [tilespmem:s0+$0xFFFFFF90];
	_ =	sdelay $0x1  }
0xdd: {  	v18 =	vadd.s32 v2, v18;
	_ =	sdelay $0x1  }
0xde: {  	s1 =	sadd.s32 $0xFFFFFFFA, s25  }
0xdf: {  	v19 =	vmov s1;
	v17 =	vmul.f32 $5.656854150e+00, v17  }
0xe0: {  	v19 =	vshrl.u32 v19, $0x3  }
0xe1: {  	[tilespmem:v18+s19+$0x0] =	vst.idx.msk $0xffff, v17;
	v17 =	vshll.u32 v19, v1  }
0xe2: {  	v18 =	vld [tilespmem:s0+$0xFFFFFFA0];
	v17 =	vbroadcast v17, $0x0;
	_ =	sdelay $0x1  }
0xe3: {  	v19 =	vadd.s32 v3, v17;
	_ =	sdelay $0x2  }
0xe4: {  	v18 =	vmul.f32 $5.656854150e+00, v18;
	_ =	sdelay $0x1  }
0xe5: {  	[tilespmem:v19+s19+$0x0] =	vst.idx.msk $0xffff, v18  }
0xe6: {  	v18 =	vld [tilespmem:s0+$0xFFFFFFB0];
	_ =	sdelay $0x1  }
0xe7: {  	v17 =	vadd.s32 v4, v17;
	_ =	sdelay $0x1  }
0xe8: {  	s24 =	sadd.s32 $0xFFFFFFFB, s25  }
0xe9: {  	v19 =	vmov s24;
	v18 =	vmul.f32 $5.656854150e+00, v18  }
0xea: {  	v19 =	vshrl.u32 v19, $0x3  }
0xeb: {  	[tilespmem:v17+s19+$0x0] =	vst.idx.msk $0xffff, v18;
	v17 =	vshll.u32 v19, v1  }
0xec: {  	v18 =	vld [tilespmem:s0+$0xFFFFFFC0];
	v17 =	vbroadcast v17, $0x0;
	_ =	sdelay $0x1  }
0xed: {  	v19 =	vadd.s32 v5, v17;
	_ =	sdelay $0x2  }
0xee: {  	v18 =	vmul.f32 $5.656854150e+00, v18;
	_ =	sdelay $0x1  }
0xef: {  	[tilespmem:v19+s19+$0x0] =	vst.idx.msk $0xffff, v18  }
0xf0: {  	v18 =	vld [tilespmem:s0+$0xFFFFFFD0];
	_ =	sdelay $0x1  }
0xf1: {  	v17 =	vadd.s32 v6, v17;
	_ =	sdelay $0x1  }
0xf2: {  	s26 =	sadd.s32 $0xFFFFFFFC, s25  }
0xf3: {  	v19 =	vmov s26;
	v18 =	vmul.f32 $5.656854150e+00, v18  }
0xf4: {  	v19 =	vshrl.u32 v19, $0x3  }
0xf5: {  	[tilespmem:v17+s19+$0x0] =	vst.idx.msk $0xffff, v18;
	v17 =	vshll.u32 v19, v1  }
0xf6: {  	v18 =	vld [tilespmem:s0+$0xFFFFFFE0];
	v17 =	vbroadcast v17, $0x0;
	_ =	sdelay $0x1  }
0xf7: {  	v19 =	vadd.s32 v7, v17;
	_ =	sdelay $0x2  }
0xf8: {  	v18 =	vmul.f32 $5.656854150e+00, v18;
	_ =	sdelay $0x1  }
0xf9: {  	[tilespmem:v19+s19+$0x0] =	vst.idx.msk $0xffff, v18  }
0xfa: {  	v18 =	vld [tilespmem:s0+$0xFFFFFFF0];
	_ =	sdelay $0x1  }
0xfb: {  	v17 =	vadd.s32 v8, v17;
	_ =	sdelay $0x1  }
0xfc: {  	s9 =	sadd.s32 $0xFFFFFFFD, s25  }
0xfd: {  	v19 =	vmov s9;
	v18 =	vmul.f32 $5.656854150e+00, v18  }
0xfe: {  	v19 =	vshrl.u32 v19, $0x3  }
0xff: {  	[tilespmem:v17+s19+$0x0] =	vst.idx.msk $0xffff, v18;
	v17 =	vshll.u32 v19, v1  }
0x100: {  	v18 =	vld [tilespmem:s0+$0x0];
	v17 =	vbroadcast v17, $0x0;
	_ =	sdelay $0x1  }
0x101: {  	v19 =	vadd.s32 v9, v17;
	_ =	sdelay $0x2  }
0x102: {  	v18 =	vmul.f32 $5.656854150e+00, v18;
	_ =	sdelay $0x1  }
0x103: {  	[tilespmem:v19+s19+$0x0] =	vst.idx.msk $0xffff, v18  }
0x104: {  	v18 =	vld [tilespmem:s0+$0x10];
	_ =	sdelay $0x1  }
0x105: {  	v17 =	vadd.s32 v10, v17;
	_ =	sdelay $0x1  }
0x106: {  	s12 =	sadd.s32 $0xFFFFFFFE, s25  }
0x107: {  	v19 =	vmov s12;
	v18 =	vmul.f32 $5.656854150e+00, v18  }
0x108: {  	v19 =	vshrl.u32 v19, $0x3  }
0x109: {  	[tilespmem:v17+s19+$0x0] =	vst.idx.msk $0xffff, v18;
	v17 =	vshll.u32 v19, v1  }
0x10a: {  	v18 =	vld [tilespmem:s0+$0x20];
	v17 =	vbroadcast v17, $0x0;
	_ =	sdelay $0x1  }
0x10b: {  	v19 =	vadd.s32 v11, v17;
	_ =	sdelay $0x2  }
0x10c: {  	v18 =	vmul.f32 $5.656854150e+00, v18;
	_ =	sdelay $0x1  }
0x10d: {  	[tilespmem:v19+s19+$0x0] =	vst.idx.msk $0xffff, v18  }
0x10e: {  	v18 =	vld [tilespmem:s0+$0x30];
	_ =	sdelay $0x1  }
0x10f: {  	v17 =	vadd.s32 v12, v17;
	_ =	sdelay $0x1  }
0x110: {  	s24 =	sadd.s32 $0xFFFFFFFF, s25  }
0x111: {  	v19 =	vmov s24;
	v18 =	vmul.f32 $5.656854150e+00, v18  }
0x112: {  	v19 =	vshrl.u32 v19, $0x3  }
0x113: {  	[tilespmem:v17+s19+$0x0] =	vst.idx.msk $0xffff, v18;
	v17 =	vshll.u32 v19, v1  }
0x114: {  	v18 =	vld [tilespmem:s0+$0x40];
	v17 =	vbroadcast v17, $0x0;
	_ =	sdelay $0x1  }
0x115: {  	v19 =	vadd.s32 v13, v17;
	_ =	sdelay $0x2  }
0x116: {  	v18 =	vmul.f32 $5.656854150e+00, v18;
	_ =	sdelay $0x1  }
0x117: {  	[tilespmem:v19+s19+$0x0] =	vst.idx.msk $0xffff, v18  }
0x118: {  	v18 =	vld [tilespmem:s0+$0x50];
	_ =	sdelay $0x1  }
0x119: {  	v17 =	vadd.s32 v14, v17;
	_ =	sdelay $0x2  }
0x11a: {  	v19 =	vmov s25;
	v18 =	vmul.f32 $5.656854150e+00, v18  }
0x11b: {  	v19 =	vshrl.u32 v19, $0x3  }
0x11c: {  	[tilespmem:v17+s19+$0x0] =	vst.idx.msk $0xffff, v18;
	v17 =	vshll.u32 v19, v1  }
0x11d: {  	v18 =	vld [tilespmem:s0+$0x60];
	v17 =	vbroadcast v17, $0x0;
	_ =	sdelay $0x1  }
0x11e: {  	v19 =	vadd.s32 v15, v17;
	_ =	sdelay $0x2  }
0x11f: {  	v18 =	vmul.f32 $5.656854150e+00, v18;
	_ =	sdelay $0x1  }
0x120: {  	s25 =	smulhi.u32 $0x51EB851F, s23;
	[tilespmem:v19+s19+$0x0] =	vst.idx.msk $0xffff, v18  }
0x121: {  	v18 =	vld [tilespmem:s0+$0x70]  }
0x122: {  	s26 =	sshrl.u32 s25, $0x4  }
0x123: {  	s1 =	smul.u32 $0x32, s26;
	v17 =	vadd.s32 v16, v17;
	_ =	sdelay $0x1  }
0x124: {  	s1 =	ssub.s32 s23, s1  }
0x125: {  	s1 =	sshll.u32 s1, $0x10;
	s0 =	sadd.s32 s6, s26;
	v18 =	vmul.f32 $5.656854150e+00, v18  }
0x126: {  	s9 =	sadd.s32 s2, s1;
	s24 =	sshll.u32 s0, $0x7  }
0x127: {  	s0 =	sadd.s32 s24, s9;
	[tilespmem:v17+s19+$0x0] =	vst.idx.msk $0xffff, v18  }
0x128: {  	[hbm4b:s0+s3] =	stream.linear.scatter [tilespmem:s19], [sflag:$0x5], $0x80, $0x38;
	[tilespmem:$0xEC00] =	vst v63  }
0x129: {  	s9 =	simm.s32 $0xA490;
	s12 =	sadd.s32 $0x10, s0  }
0x12a: {  	[hbm4b:s12+s3] =	stream.linear.scatter [tilespmem:s9], [sflag:$0x5], $0x80, $0x38;
	[tilespmem:$0xEC00] =	vst v63  }
0x12b: {  	s26 =	simm.s32 $0xA520;
	s25 =	sadd.s32 $0x20, s0  }
0x12c: {  	[hbm4b:s25+s3] =	stream.linear.scatter [tilespmem:s26], [sflag:$0x5], $0x80, $0x38;
	[tilespmem:$0xEC00] =	vst v63  }
0x12d: {  	s9 =	sadd.s32 $0x30, s0;
	s12 =	simm.s32 $0xA5B0  }
0x12e: {  	[hbm4b:s9+s3] =	stream.linear.scatter [tilespmem:s12], [sflag:$0x5], $0x80, $0x38;
	[tilespmem:$0xEC00] =	vst v63  }
0x12f: {  	s25 =	sadd.s32 $0x40, s0;
	s26 =	simm.s32 $0xA640  }
0x130: {  	[hbm4b:s25+s3] =	stream.linear.scatter [tilespmem:s26], [sflag:$0x5], $0x80, $0x38;
	[tilespmem:$0xEC00] =	vst v63  }
0x131: {  	s9 =	sadd.s32 $0x50, s0;
	s12 =	simm.s32 $0xA6D0  }
0x132: {  	[hbm4b:s9+s3] =	stream.linear.scatter [tilespmem:s12], [sflag:$0x5], $0x80, $0x38;
	[tilespmem:$0xEC00] =	vst v63  }
0x133: {  	s25 =	sadd.s32 $0x60, s0;
	s26 =	simm.s32 $0xA760  }
0x134: {  	[hbm4b:s25+s3] =	stream.linear.scatter [tilespmem:s26], [sflag:$0x5], $0x80, $0x38;
	[tilespmem:$0xEC00] =	vst v63  }
0x135: {  	s9 =	sadd.s32 $0x70, s0;
	s12 =	simm.s32 $0xA7F0  }
0x136: {  	[hbm4b:s9+s3] =	stream.linear.scatter [tilespmem:s12], [sflag:$0x5], $0x80, $0x38;
	[tilespmem:$0xEC00] =	vst v63  }
0x137: {  	s25 =	sadd.s32 $0x4000, s0;
	s26 =	simm.s32 $0xA880  }
0x138: {  	[hbm4b:s25+s3] =	stream.linear.scatter [tilespmem:s26], [sflag:$0x5], $0x80, $0x38;
	[tilespmem:$0xEC00] =	vst v63  }
0x139: {  	s9 =	sadd.s32 $0x4010, s0;
	s12 =	simm.s32 $0xA910  }
0x13a: {  	[hbm4b:s9+s3] =	stream.linear.scatter [tilespmem:s12], [sflag:$0x5], $0x80, $0x38;
	[tilespmem:$0xEC00] =	vst v63  }
0x13b: {  	s25 =	sadd.s32 $0x4020, s0;
	s26 =	simm.s32 $0xA9A0  }
0x13c: {  	[hbm4b:s25+s3] =	stream.linear.scatter [tilespmem:s26], [sflag:$0x5], $0x80, $0x38;
	[tilespmem:$0xEC00] =	vst v63  }
0x13d: {  	s9 =	sadd.s32 $0x4030, s0;
	s12 =	simm.s32 $0xAA30  }
0x13e: {  	[hbm4b:s9+s3] =	stream.linear.scatter [tilespmem:s12], [sflag:$0x5], $0x80, $0x38;
	[tilespmem:$0xEC00] =	vst v63  }
0x13f: {  	s25 =	sadd.s32 $0x4040, s0;
	s26 =	simm.s32 $0xAAC0  }
0x140: {  	[hbm4b:s25+s3] =	stream.linear.scatter [tilespmem:s26], [sflag:$0x5], $0x80, $0x38;
	[tilespmem:$0xEC00] =	vst v63  }
0x141: {  	s9 =	sadd.s32 $0x4050, s0;
	s12 =	simm.s32 $0xAB50  }
0x142: {  	[hbm4b:s9+s3] =	stream.linear.scatter [tilespmem:s12], [sflag:$0x5], $0x80, $0x38;
	[tilespmem:$0xEC00] =	vst v63  }
0x143: {  	s25 =	sadd.s32 $0x4060, s0;
	s26 =	simm.s32 $0xABE0  }
0x144: {  	[hbm4b:s25+s3] =	stream.linear.scatter [tilespmem:s26], [sflag:$0x5], $0x80, $0x38;
	[tilespmem:$0xEC00] =	vst v63  }
0x145: {  	s9 =	sadd.s32 $0x4070, s0;
	s12 =	simm.s32 $0xAC70  }
0x146: {  	[hbm4b:s9+s3] =	stream.linear.scatter [tilespmem:s12], [sflag:$0x5], $0x80, $0x38;
	[tilespmem:$0xEC00] =	vst v63  }
0x147: {  	s25 =	sadd.s32 $0x8000, s0;
	s26 =	simm.s32 $0xAD00  }
0x148: {  	[hbm4b:s25+s3] =	stream.linear.scatter [tilespmem:s26], [sflag:$0x5], $0x80, $0x38;
	[tilespmem:$0xEC00] =	vst v63  }
0x149: {  	s9 =	sadd.s32 $0x8010, s0;
	s12 =	simm.s32 $0xAD90  }
0x14a: {  	[hbm4b:s9+s3] =	stream.linear.scatter [tilespmem:s12], [sflag:$0x5], $0x80, $0x38;
	[tilespmem:$0xEC00] =	vst v63  }
0x14b: {  	s25 =	sadd.s32 $0x8020, s0;
	s26 =	simm.s32 $0xAE20  }
0x14c: {  	[hbm4b:s25+s3] =	stream.linear.scatter [tilespmem:s26], [sflag:$0x5], $0x80, $0x38;
	[tilespmem:$0xEC00] =	vst v63  }
0x14d: {  	s9 =	sadd.s32 $0x8030, s0;
	s12 =	simm.s32 $0xAEB0  }
0x14e: {  	[hbm4b:s9+s3] =	stream.linear.scatter [tilespmem:s12], [sflag:$0x5], $0x80, $0x38;
	[tilespmem:$0xEC00] =	vst v63  }
0x14f: {  	s25 =	sadd.s32 $0x8040, s0;
	s26 =	simm.s32 $0xAF40  }
0x150: {  	[hbm4b:s25+s3] =	stream.linear.scatter [tilespmem:s26], [sflag:$0x5], $0x80, $0x38;
	[tilespmem:$0xEC00] =	vst v63  }
0x151: {  	s9 =	sadd.s32 $0x8050, s0;
	s12 =	simm.s32 $0xAFD0  }
0x152: {  	[hbm4b:s9+s3] =	stream.linear.scatter [tilespmem:s12], [sflag:$0x5], $0x80, $0x38;
	[tilespmem:$0xEC00] =	vst v63  }
0x153: {  	s25 =	sadd.s32 $0x8060, s0;
	s26 =	simm.s32 $0xB060  }
0x154: {  	[hbm4b:s25+s3] =	stream.linear.scatter [tilespmem:s26], [sflag:$0x5], $0x80, $0x38;
	[tilespmem:$0xEC00] =	vst v63  }
0x155: {  	s9 =	sadd.s32 $0x8070, s0;
	s12 =	simm.s32 $0xB0F0  }
0x156: {  	[hbm4b:s9+s3] =	stream.linear.scatter [tilespmem:s12], [sflag:$0x5], $0x80, $0x38;
	[tilespmem:$0xEC00] =	vst v63  }
0x157: {  	s25 =	sadd.s32 $0xC000, s0;
	s26 =	simm.s32 $0xB180  }
0x158: {  	[hbm4b:s25+s3] =	stream.linear.scatter [tilespmem:s26], [sflag:$0x5], $0x80, $0x38;
	[tilespmem:$0xEC00] =	vst v63  }
0x159: {  	s9 =	sadd.s32 $0xC010, s0;
	s12 =	simm.s32 $0xB210  }
0x15a: {  	[hbm4b:s9+s3] =	stream.linear.scatter [tilespmem:s12], [sflag:$0x5], $0x80, $0x38;
	[tilespmem:$0xEC00] =	vst v63  }
0x15b: {  	s25 =	sadd.s32 $0xC020, s0;
	s26 =	simm.s32 $0xB2A0  }
0x15c: {  	[hbm4b:s25+s3] =	stream.linear.scatter [tilespmem:s26], [sflag:$0x5], $0x80, $0x38;
	[tilespmem:$0xEC00] =	vst v63  }
0x15d: {  	s9 =	sadd.s32 $0xC030, s0;
	s12 =	simm.s32 $0xB330  }
0x15e: {  	[hbm4b:s9+s3] =	stream.linear.scatter [tilespmem:s12], [sflag:$0x5], $0x80, $0x38;
	[tilespmem:$0xEC00] =	vst v63  }
0x15f: {  	p1 =	seq.s32 s22, $0x31;
	s25 =	sadd.s32 $0xC040, s0;
	s26 =	simm.s32 $0xB3C0  }
0x160: {  	[hbm4b:s25+s3] =	stream.linear.scatter [tilespmem:s26], [sflag:$0x5], $0x80, $0x38;
	[tilespmem:$0xEC00] =	vst v63  }
0x161: {  	s1 =	sadd.s32 @!p1 $0x4, s23;
	s12 =	sadd.s32 $0xC050, s0;
	s25 =	simm.s32 $0xB450  }
0x162: {  	[hbm4b:s12+s3] =	stream.linear.scatter [tilespmem:s25], [sflag:$0x5], $0x80, $0x38;
	[tilespmem:$0xEC00] =	vst v63  }
0x163: {  	s26 =	sadd.s32 $0xC060, s0;
	s25 =	smulhi.u32 @!p1 $0x51EB851F, s1;
	s12 =	simm.s32 $0xB4E0  }
0x164: {  	[hbm4b:s26+s3] =	stream.linear.scatter [tilespmem:s12], [sflag:$0x5], $0x80, $0x38;
	[tilespmem:$0xEC00] =	vst v63  }
0x165: {  	s9 =	sshrl.u32 @!p1 s25, $0x4  }
0x166: {  	s0 =	sadd.s32 $0xC070, s0;
	s26 =	simm.s32 $0xB570;
	s9 =	smul.u32 @!p1 $0x32, s9  }
0x167: {  	[hbm4b:s0+s3] =	stream.linear.scatter [tilespmem:s26], [sflag:$0x5], $0x80, $0x38;
	[tilespmem:$0xEC00] =	vst v63  }
0x168: {  	s0 =	ssub.s32 @!p1 s1, s9;
	s1 =	sshll.u32 @!p1 s25, $0x3  }
0x169: {  	s0 =	sshll.u32 @!p1 s0, $0x9;
	s1 =	sand.u32 @!p1 $0x3FFFFF80, s1  }
0x16a: {  	s9 =	simm.s32 @!p1 $0x6400;
	s0 =	sadd.s32 @!p1 s1, s0;
	s1 =	simm.s32 @!p1 $0x80  }
0x16b: {  	[tilespmem:s9], [sflag:$0x1] =	stream.indirect.gather @!p1 [hbm4b:s4+s1], $0x20, s0, s1, $0xb8;
	[tilespmem:$0xEC00] =	vst v63  }
0x16c: {  	_ =	swait.ge [sflag:s28], $0x1000  }
0x16d: {  	[sflag:s28] =	ssyncset.done $0x0  }
0x16e: {  	s26 =	simm.s32 $0x0;
	s0 =	simm.s32 @!p0 $0x6;
	[sflag:s28] =	ssyncadd.s32 $0xFFFFF000  }
0x16f: {  	v17 =	vmov s26;
	_ =	swait.ge @!p0 [sflag:s0], $0x1000  }
0x170: {  	v17 =	vshrl.u32 v17, $0x3;
	[sflag:s0] =	ssyncset.done @!p0 $0x0  }
0x171: {  	s26 =	simm.s32 $0x7480;
	v17 =	vshll.u32 v17, v1;
	[sflag:s0] =	ssyncadd.s32 @!p0 $0xFFFFF000  }
0x172: {  	v17 =	vbroadcast v17, $0x0;
	v18 =	vld [tilespmem:s26+$0xFFFFFF80];
	_ =	sdelay $0x1  }
0x173: {  	v19 =	vadd.s32 v0, v17;
	_ =	sdelay $0x2  }
0x174: {  	v18 =	vmul.f32 $5.656854150e+00, v18;
	_ =	sdelay $0x1  }
0x175: {  	[tilespmem:v19+s29+$0x0] =	vst.idx.msk $0xffff, v18  }
0x176: {  	v18 =	vld [tilespmem:s26+$0xFFFFFF90];
	_ =	sdelay $0x1  }
0x177: {  	v17 =	vadd.s32 v2, v17;
	_ =	sdelay $0x1  }
0x178: {  	s1 =	simm.s32 $0x1  }
0x179: {  	v19 =	vmov s1;
	v18 =	vmul.f32 $5.656854150e+00, v18  }
0x17a: {  	v19 =	vshrl.u32 v19, $0x3  }
0x17b: {  	[tilespmem:v17+s29+$0x0] =	vst.idx.msk $0xffff, v18;
	v17 =	vshll.u32 v19, v1  }
0x17c: {  	v18 =	vld [tilespmem:s26+$0xFFFFFFA0];
	v17 =	vbroadcast v17, $0x0;
	_ =	sdelay $0x1  }
0x17d: {  	v19 =	vadd.s32 v3, v17;
	_ =	sdelay $0x2  }
0x17e: {  	v18 =	vmul.f32 $5.656854150e+00, v18;
	_ =	sdelay $0x1  }
0x17f: {  	[tilespmem:v19+s29+$0x0] =	vst.idx.msk $0xffff, v18  }
0x180: {  	v18 =	vld [tilespmem:s26+$0xFFFFFFB0];
	_ =	sdelay $0x1  }
0x181: {  	v17 =	vadd.s32 v4, v17;
	_ =	sdelay $0x1  }
0x182: {  	s9 =	simm.s32 $0x2  }
0x183: {  	v19 =	vmov s9;
	v18 =	vmul.f32 $5.656854150e+00, v18  }
0x184: {  	v19 =	vshrl.u32 v19, $0x3  }
0x185: {  	[tilespmem:v17+s29+$0x0] =	vst.idx.msk $0xffff, v18;
	v17 =	vshll.u32 v19, v1  }
0x186: {  	v18 =	vld [tilespmem:s26+$0xFFFFFFC0];
	v17 =	vbroadcast v17, $0x0;
	_ =	sdelay $0x1  }
0x187: {  	v19 =	vadd.s32 v5, v17;
	_ =	sdelay $0x2  }
0x188: {  	v18 =	vmul.f32 $5.656854150e+00, v18;
	_ =	sdelay $0x1  }
0x189: {  	[tilespmem:v19+s29+$0x0] =	vst.idx.msk $0xffff, v18  }
0x18a: {  	v18 =	vld [tilespmem:s26+$0xFFFFFFD0];
	_ =	sdelay $0x1  }
0x18b: {  	v17 =	vadd.s32 v6, v17;
	_ =	sdelay $0x1  }
0x18c: {  	s12 =	simm.s32 $0x3  }
0x18d: {  	v19 =	vmov s12;
	v18 =	vmul.f32 $5.656854150e+00, v18  }
0x18e: {  	v19 =	vshrl.u32 v19, $0x3  }
0x18f: {  	[tilespmem:v17+s29+$0x0] =	vst.idx.msk $0xffff, v18;
	v17 =	vshll.u32 v19, v1  }
0x190: {  	v18 =	vld [tilespmem:s26+$0xFFFFFFE0];
	v17 =	vbroadcast v17, $0x0;
	_ =	sdelay $0x1  }
0x191: {  	v19 =	vadd.s32 v7, v17;
	_ =	sdelay $0x2  }
0x192: {  	v18 =	vmul.f32 $5.656854150e+00, v18;
	_ =	sdelay $0x1  }
0x193: {  	[tilespmem:v19+s29+$0x0] =	vst.idx.msk $0xffff, v18  }
0x194: {  	v18 =	vld [tilespmem:s26+$0xFFFFFFF0];
	_ =	sdelay $0x1  }
0x195: {  	v17 =	vadd.s32 v8, v17;
	_ =	sdelay $0x1  }
0x196: {  	s25 =	simm.s32 $0x4  }
0x197: {  	v19 =	vmov s25;
	v18 =	vmul.f32 $5.656854150e+00, v18  }
0x198: {  	v19 =	vshrl.u32 v19, $0x3  }
0x199: {  	[tilespmem:v17+s29+$0x0] =	vst.idx.msk $0xffff, v18;
	v17 =	vshll.u32 v19, v1  }
0x19a: {  	v18 =	vld [tilespmem:s26+$0x0];
	v17 =	vbroadcast v17, $0x0;
	_ =	sdelay $0x1  }
0x19b: {  	v19 =	vadd.s32 v9, v17;
	_ =	sdelay $0x2  }
0x19c: {  	v18 =	vmul.f32 $5.656854150e+00, v18;
	_ =	sdelay $0x1  }
0x19d: {  	[tilespmem:v19+s29+$0x0] =	vst.idx.msk $0xffff, v18  }
0x19e: {  	v18 =	vld [tilespmem:s26+$0x10];
	_ =	sdelay $0x1  }
0x19f: {  	v17 =	vadd.s32 v10, v17;
	_ =	sdelay $0x1  }
0x1a0: {  	s1 =	simm.s32 $0x5  }
0x1a1: {  	v19 =	vmov s1;
	v18 =	vmul.f32 $5.656854150e+00, v18  }
0x1a2: {  	v19 =	vshrl.u32 v19, $0x3  }
0x1a3: {  	[tilespmem:v17+s29+$0x0] =	vst.idx.msk $0xffff, v18;
	v17 =	vshll.u32 v19, v1  }
0x1a4: {  	v18 =	vld [tilespmem:s26+$0x20];
	v17 =	vbroadcast v17, $0x0;
	_ =	sdelay $0x1  }
0x1a5: {  	v19 =	vadd.s32 v11, v17;
	_ =	sdelay $0x2  }
0x1a6: {  	v18 =	vmul.f32 $5.656854150e+00, v18;
	_ =	sdelay $0x1  }
0x1a7: {  	[tilespmem:v19+s29+$0x0] =	vst.idx.msk $0xffff, v18  }
0x1a8: {  	v18 =	vld [tilespmem:s26+$0x30];
	_ =	sdelay $0x1  }
0x1a9: {  	v17 =	vadd.s32 v12, v17;
	_ =	sdelay $0x1  }
0x1aa: {  	s9 =	simm.s32 $0x6  }
0x1ab: {  	v19 =	vmov s9;
	v18 =	vmul.f32 $5.656854150e+00, v18  }
0x1ac: {  	v19 =	vshrl.u32 v19, $0x3  }
0x1ad: {  	[tilespmem:v17+s29+$0x0] =	vst.idx.msk $0xffff, v18;
	v17 =	vshll.u32 v19, v1  }
0x1ae: {  	v18 =	vld [tilespmem:s26+$0x40];
	v17 =	vbroadcast v17, $0x0;
	_ =	sdelay $0x1  }
0x1af: {  	v19 =	vadd.s32 v13, v17;
	_ =	sdelay $0x2  }
0x1b0: {  	v18 =	vmul.f32 $5.656854150e+00, v18;
	_ =	sdelay $0x1  }
0x1b1: {  	[tilespmem:v19+s29+$0x0] =	vst.idx.msk $0xffff, v18  }
0x1b2: {  	v18 =	vld [tilespmem:s26+$0x50];
	_ =	sdelay $0x1  }
0x1b3: {  	v17 =	vadd.s32 v14, v17;
	_ =	sdelay $0x1  }
0x1b4: {  	s12 =	simm.s32 $0x7  }
0x1b5: {  	v19 =	vmov s12;
	v18 =	vmul.f32 $5.656854150e+00, v18  }
0x1b6: {  	v19 =	vshrl.u32 v19, $0x3  }
0x1b7: {  	[tilespmem:v17+s29+$0x0] =	vst.idx.msk $0xffff, v18;
	v17 =	vshll.u32 v19, v1  }
0x1b8: {  	v18 =	vld [tilespmem:s26+$0x60];
	v17 =	vbroadcast v17, $0x0;
	_ =	sdelay $0x1  }
0x1b9: {  	v19 =	vadd.s32 v15, v17;
	_ =	sdelay $0x2  }
0x1ba: {  	v18 =	vmul.f32 $5.656854150e+00, v18;
	_ =	sdelay $0x1  }
0x1bb: {  	[tilespmem:v19+s29+$0x0] =	vst.idx.msk $0xffff, v18  }
0x1bc: {  	v18 =	vld [tilespmem:s26+$0x70];
	_ =	sdelay $0x1  }
0x1bd: {  	v17 =	vadd.s32 v16, v17  }
0x1be: {  	s25 =	simm.s32 $0x8  }
0x1bf: {  	v19 =	vmov s25  }
0x1c0: {  	s0 =	simm.s32 $0xF;
	s1 =	simm.s32 $0x17;
	s25 =	sor.u32 $0x1, s23;
	v19 =	vshrl.u32 v19, $0x3;
	v18 =	vmul.f32 $5.656854150e+00, v18  }
.LBB2_5:
0x1c1: {  	p2 =	sne.s32 s1, $0x7F  }
0x1c2: {  	v19 =	vshll.u32 v19, v1;
	[tilespmem:v17+s29+$0x0] =	vst.idx.msk $0xffff, v18;
	s26 =	sadd.s32 $0x100, s26;
	s9 =	smov.u32 s1;
	s1 =	sadd.s32 $0x8, s1  }
0x1c3: {  	v17 =	vld [tilespmem:s26+$0xFFFFFF80];
	v18 =	vbroadcast v19, $0x0;
	_ =	sdelay $0x1  }
0x1c4: {  	v19 =	vadd.s32 v0, v18;
	_ =	sdelay $0x2  }
0x1c5: {  	v17 =	vmul.f32 $5.656854150e+00, v17;
	_ =	sdelay $0x1  }
0x1c6: {  	[tilespmem:v19+s29+$0x0] =	vst.idx.msk $0xffff, v17  }
0x1c7: {  	v17 =	vld [tilespmem:s26+$0xFFFFFF90];
	_ =	sdelay $0x1  }
0x1c8: {  	v18 =	vadd.s32 v2, v18;
	_ =	sdelay $0x1  }
0x1c9: {  	s12 =	sadd.s32 $0xFFFFFFFA, s0  }
0x1ca: {  	v19 =	vmov s12;
	v17 =	vmul.f32 $5.656854150e+00, v17  }
0x1cb: {  	v19 =	vshrl.u32 v19, $0x3  }
0x1cc: {  	[tilespmem:v18+s29+$0x0] =	vst.idx.msk $0xffff, v17;
	v17 =	vshll.u32 v19, v1  }
0x1cd: {  	v18 =	vld [tilespmem:s26+$0xFFFFFFA0];
	v17 =	vbroadcast v17, $0x0;
	_ =	sdelay $0x1  }
0x1ce: {  	v19 =	vadd.s32 v3, v17;
	_ =	sdelay $0x2  }
0x1cf: {  	v18 =	vmul.f32 $5.656854150e+00, v18;
	_ =	sdelay $0x1  }
0x1d0: {  	[tilespmem:v19+s29+$0x0] =	vst.idx.msk $0xffff, v18  }
0x1d1: {  	v18 =	vld [tilespmem:s26+$0xFFFFFFB0];
	_ =	sdelay $0x1  }
0x1d2: {  	v17 =	vadd.s32 v4, v17;
	_ =	sdelay $0x1  }
0x1d3: {  	s12 =	sadd.s32 $0xFFFFFFFB, s0  }
0x1d4: {  	v19 =	vmov s12;
	v18 =	vmul.f32 $5.656854150e+00, v18  }
0x1d5: {  	v19 =	vshrl.u32 v19, $0x3  }
0x1d6: {  	[tilespmem:v17+s29+$0x0] =	vst.idx.msk $0xffff, v18;
	v17 =	vshll.u32 v19, v1  }
0x1d7: {  	v18 =	vld [tilespmem:s26+$0xFFFFFFC0];
	v17 =	vbroadcast v17, $0x0;
	_ =	sdelay $0x1  }
0x1d8: {  	v19 =	vadd.s32 v5, v17;
	_ =	sdelay $0x2  }
0x1d9: {  	v18 =	vmul.f32 $5.656854150e+00, v18;
	_ =	sdelay $0x1  }
0x1da: {  	[tilespmem:v19+s29+$0x0] =	vst.idx.msk $0xffff, v18  }
0x1db: {  	v18 =	vld [tilespmem:s26+$0xFFFFFFD0];
	_ =	sdelay $0x1  }
0x1dc: {  	v17 =	vadd.s32 v6, v17;
	_ =	sdelay $0x1  }
0x1dd: {  	s12 =	sadd.s32 $0xFFFFFFFC, s0  }
0x1de: {  	v19 =	vmov s12;
	v18 =	vmul.f32 $5.656854150e+00, v18  }
0x1df: {  	v19 =	vshrl.u32 v19, $0x3  }
0x1e0: {  	[tilespmem:v17+s29+$0x0] =	vst.idx.msk $0xffff, v18;
	v17 =	vshll.u32 v19, v1  }
0x1e1: {  	v18 =	vld [tilespmem:s26+$0xFFFFFFE0];
	v17 =	vbroadcast v17, $0x0;
	_ =	sdelay $0x1  }
0x1e2: {  	v19 =	vadd.s32 v7, v17;
	_ =	sdelay $0x2  }
0x1e3: {  	v18 =	vmul.f32 $5.656854150e+00, v18;
	_ =	sdelay $0x1  }
0x1e4: {  	[tilespmem:v19+s29+$0x0] =	vst.idx.msk $0xffff, v18  }
0x1e5: {  	v18 =	vld [tilespmem:s26+$0xFFFFFFF0];
	_ =	sdelay $0x1  }
0x1e6: {  	v17 =	vadd.s32 v8, v17;
	_ =	sdelay $0x1  }
0x1e7: {  	s12 =	sadd.s32 $0xFFFFFFFD, s0  }
0x1e8: {  	v19 =	vmov s12;
	v18 =	vmul.f32 $5.656854150e+00, v18  }
0x1e9: {  	v19 =	vshrl.u32 v19, $0x3  }
0x1ea: {  	[tilespmem:v17+s29+$0x0] =	vst.idx.msk $0xffff, v18;
	v17 =	vshll.u32 v19, v1  }
0x1eb: {  	v18 =	vld [tilespmem:s26+$0x0];
	v17 =	vbroadcast v17, $0x0;
	_ =	sdelay $0x1  }
0x1ec: {  	v19 =	vadd.s32 v9, v17;
	_ =	sdelay $0x2  }
0x1ed: {  	v18 =	vmul.f32 $5.656854150e+00, v18;
	_ =	sdelay $0x1  }
0x1ee: {  	[tilespmem:v19+s29+$0x0] =	vst.idx.msk $0xffff, v18  }
0x1ef: {  	v18 =	vld [tilespmem:s26+$0x10];
	_ =	sdelay $0x1  }
0x1f0: {  	v17 =	vadd.s32 v10, v17;
	_ =	sdelay $0x1  }
0x1f1: {  	s12 =	sadd.s32 $0xFFFFFFFE, s0  }
0x1f2: {  	v19 =	vmov s12;
	v18 =	vmul.f32 $5.656854150e+00, v18  }
0x1f3: {  	v19 =	vshrl.u32 v19, $0x3  }
0x1f4: {  	[tilespmem:v17+s29+$0x0] =	vst.idx.msk $0xffff, v18;
	v17 =	vshll.u32 v19, v1  }
0x1f5: {  	v18 =	vld [tilespmem:s26+$0x20];
	v17 =	vbroadcast v17, $0x0;
	_ =	sdelay $0x1  }
0x1f6: {  	v19 =	vadd.s32 v11, v17;
	_ =	sdelay $0x2  }
0x1f7: {  	v18 =	vmul.f32 $5.656854150e+00, v18;
	_ =	sdelay $0x1  }
0x1f8: {  	[tilespmem:v19+s29+$0x0] =	vst.idx.msk $0xffff, v18  }
0x1f9: {  	v18 =	vld [tilespmem:s26+$0x30];
	_ =	sdelay $0x1  }
0x1fa: {  	v17 =	vadd.s32 v12, v17;
	_ =	sdelay $0x1  }
0x1fb: {  	s12 =	sadd.s32 $0xFFFFFFFF, s0  }
0x1fc: {  	v19 =	vmov s12;
	v18 =	vmul.f32 $5.656854150e+00, v18  }
0x1fd: {  	v19 =	vshrl.u32 v19, $0x3  }
0x1fe: {  	[tilespmem:v17+s29+$0x0] =	vst.idx.msk $0xffff, v18;
	v17 =	vshll.u32 v19, v1  }
0x1ff: {  	v18 =	vld [tilespmem:s26+$0x40];
	v17 =	vbroadcast v17, $0x0;
	_ =	sdelay $0x1  }
0x200: {  	v19 =	vadd.s32 v13, v17;
	_ =	sdelay $0x2  }
0x201: {  	v18 =	vmul.f32 $5.656854150e+00, v18;
	_ =	sdelay $0x1  }
0x202: {  	[tilespmem:v19+s29+$0x0] =	vst.idx.msk $0xffff, v18  }
0x203: {  	v18 =	vld [tilespmem:s26+$0x50];
	_ =	sdelay $0x1  }
0x204: {  	v17 =	vadd.s32 v14, v17;
	_ =	sdelay $0x2  }
0x205: {  	v19 =	vmov s0;
	s0 =	smov.u32 s9;
	v18 =	vmul.f32 $5.656854150e+00, v18  }
0x206: {  	v19 =	vshrl.u32 v19, $0x3  }
0x207: {  	[tilespmem:v17+s29+$0x0] =	vst.idx.msk $0xffff, v18;
	v17 =	vshll.u32 v19, v1  }
0x208: {  	v18 =	vld [tilespmem:s26+$0x60];
	v17 =	vbroadcast v17, $0x0;
	_ =	sdelay $0x1  }
0x209: {  	v19 =	vadd.s32 v15, v17;
	_ =	sdelay $0x2  }
0x20a: {  	v18 =	vmul.f32 $5.656854150e+00, v18;
	_ =	sdelay $0x1  }
0x20b: {  	[tilespmem:v19+s29+$0x0] =	vst.idx.msk $0xffff, v18  }
0x20c: {  	v18 =	vld [tilespmem:s26+$0x70];
	_ =	sdelay $0x1  }
.Ltmp3:
0x20d: {  	v17 =	vadd.s32 v16, v17;
	(pc) =	sbr.rel @p2 .LBB2_5-.Ltmp3, $4  }
0x20e: {  	_ = 	snop  }
0x20f: {  	s9 =	sadd.s32 $0xFFFFFFF9, s0  }
0x210: {  	v19 =	vmov s9;
	v18 =	vmul.f32 $5.656854150e+00, v18  }
0x211: {  	v19 =	vshrl.u32 v19, $0x3  }
0x212: {  	_ =	sdelay $0x3  }
0x213: {  	v19 =	vshll.u32 v19, v1;
	[tilespmem:v17+s29+$0x0] =	vst.idx.msk $0xffff, v18;
	s1 =	sadd.s32 $0x100, s26  }
0x214: {  	v17 =	vld [tilespmem:s1+$0xFFFFFF80];
	v18 =	vbroadcast v19, $0x0;
	_ =	sdelay $0x1  }
0x215: {  	v19 =	vadd.s32 v0, v18;
	_ =	sdelay $0x2  }
0x216: {  	v17 =	vmul.f32 $5.656854150e+00, v17;
	_ =	sdelay $0x1  }
0x217: {  	[tilespmem:v19+s29+$0x0] =	vst.idx.msk $0xffff, v17  }
0x218: {  	v17 =	vld [tilespmem:s1+$0xFFFFFF90];
	_ =	sdelay $0x1  }
0x219: {  	v18 =	vadd.s32 v2, v18;
	_ =	sdelay $0x1  }
0x21a: {  	s9 =	sadd.s32 $0xFFFFFFFA, s0  }
0x21b: {  	v19 =	vmov s9;
	v17 =	vmul.f32 $5.656854150e+00, v17  }
0x21c: {  	v19 =	vshrl.u32 v19, $0x3  }
0x21d: {  	[tilespmem:v18+s29+$0x0] =	vst.idx.msk $0xffff, v17;
	v17 =	vshll.u32 v19, v1  }
0x21e: {  	v18 =	vld [tilespmem:s1+$0xFFFFFFA0];
	v17 =	vbroadcast v17, $0x0;
	_ =	sdelay $0x1  }
0x21f: {  	v19 =	vadd.s32 v3, v17;
	_ =	sdelay $0x2  }
0x220: {  	v18 =	vmul.f32 $5.656854150e+00, v18;
	_ =	sdelay $0x1  }
0x221: {  	[tilespmem:v19+s29+$0x0] =	vst.idx.msk $0xffff, v18  }
0x222: {  	v18 =	vld [tilespmem:s1+$0xFFFFFFB0];
	_ =	sdelay $0x1  }
0x223: {  	v17 =	vadd.s32 v4, v17;
	_ =	sdelay $0x1  }
0x224: {  	s26 =	sadd.s32 $0xFFFFFFFB, s0  }
0x225: {  	v19 =	vmov s26;
	v18 =	vmul.f32 $5.656854150e+00, v18  }
0x226: {  	v19 =	vshrl.u32 v19, $0x3  }
0x227: {  	[tilespmem:v17+s29+$0x0] =	vst.idx.msk $0xffff, v18;
	v17 =	vshll.u32 v19, v1  }
0x228: {  	v18 =	vld [tilespmem:s1+$0xFFFFFFC0];
	v17 =	vbroadcast v17, $0x0;
	_ =	sdelay $0x1  }
0x229: {  	v19 =	vadd.s32 v5, v17;
	_ =	sdelay $0x2  }
0x22a: {  	v18 =	vmul.f32 $5.656854150e+00, v18;
	_ =	sdelay $0x1  }
0x22b: {  	[tilespmem:v19+s29+$0x0] =	vst.idx.msk $0xffff, v18  }
0x22c: {  	v18 =	vld [tilespmem:s1+$0xFFFFFFD0];
	_ =	sdelay $0x1  }
0x22d: {  	v17 =	vadd.s32 v6, v17;
	_ =	sdelay $0x1  }
0x22e: {  	s12 =	sadd.s32 $0xFFFFFFFC, s0  }
0x22f: {  	v19 =	vmov s12;
	v18 =	vmul.f32 $5.656854150e+00, v18  }
0x230: {  	v19 =	vshrl.u32 v19, $0x3  }
0x231: {  	[tilespmem:v17+s29+$0x0] =	vst.idx.msk $0xffff, v18;
	v17 =	vshll.u32 v19, v1  }
0x232: {  	v18 =	vld [tilespmem:s1+$0xFFFFFFE0];
	v17 =	vbroadcast v17, $0x0;
	_ =	sdelay $0x1  }
0x233: {  	v19 =	vadd.s32 v7, v17;
	_ =	sdelay $0x2  }
0x234: {  	v18 =	vmul.f32 $5.656854150e+00, v18;
	_ =	sdelay $0x1  }
0x235: {  	[tilespmem:v19+s29+$0x0] =	vst.idx.msk $0xffff, v18  }
0x236: {  	v18 =	vld [tilespmem:s1+$0xFFFFFFF0];
	_ =	sdelay $0x1  }
0x237: {  	v17 =	vadd.s32 v8, v17;
	_ =	sdelay $0x1  }
0x238: {  	s26 =	sadd.s32 $0xFFFFFFFD, s0  }
0x239: {  	v19 =	vmov s26;
	v18 =	vmul.f32 $5.656854150e+00, v18  }
0x23a: {  	v19 =	vshrl.u32 v19, $0x3  }
0x23b: {  	[tilespmem:v17+s29+$0x0] =	vst.idx.msk $0xffff, v18;
	v17 =	vshll.u32 v19, v1  }
0x23c: {  	v18 =	vld [tilespmem:s1+$0x0];
	v17 =	vbroadcast v17, $0x0;
	_ =	sdelay $0x1  }
0x23d: {  	v19 =	vadd.s32 v9, v17;
	_ =	sdelay $0x2  }
0x23e: {  	v18 =	vmul.f32 $5.656854150e+00, v18;
	_ =	sdelay $0x1  }
0x23f: {  	[tilespmem:v19+s29+$0x0] =	vst.idx.msk $0xffff, v18  }
0x240: {  	v18 =	vld [tilespmem:s1+$0x10];
	_ =	sdelay $0x1  }
0x241: {  	v17 =	vadd.s32 v10, v17;
	_ =	sdelay $0x1  }
0x242: {  	s12 =	sadd.s32 $0xFFFFFFFE, s0  }
0x243: {  	v19 =	vmov s12;
	v18 =	vmul.f32 $5.656854150e+00, v18  }
0x244: {  	v19 =	vshrl.u32 v19, $0x3  }
0x245: {  	[tilespmem:v17+s29+$0x0] =	vst.idx.msk $0xffff, v18;
	v17 =	vshll.u32 v19, v1  }
0x246: {  	v18 =	vld [tilespmem:s1+$0x20];
	v17 =	vbroadcast v17, $0x0;
	_ =	sdelay $0x1  }
0x247: {  	v19 =	vadd.s32 v11, v17;
	_ =	sdelay $0x2  }
0x248: {  	v18 =	vmul.f32 $5.656854150e+00, v18;
	_ =	sdelay $0x1  }
0x249: {  	[tilespmem:v19+s29+$0x0] =	vst.idx.msk $0xffff, v18  }
0x24a: {  	v18 =	vld [tilespmem:s1+$0x30];
	_ =	sdelay $0x1  }
0x24b: {  	v17 =	vadd.s32 v12, v17;
	_ =	sdelay $0x1  }
0x24c: {  	s26 =	sadd.s32 $0xFFFFFFFF, s0  }
0x24d: {  	v19 =	vmov s26;
	v18 =	vmul.f32 $5.656854150e+00, v18  }
0x24e: {  	v19 =	vshrl.u32 v19, $0x3  }
0x24f: {  	[tilespmem:v17+s29+$0x0] =	vst.idx.msk $0xffff, v18;
	v17 =	vshll.u32 v19, v1  }
0x250: {  	v18 =	vld [tilespmem:s1+$0x40];
	v17 =	vbroadcast v17, $0x0;
	_ =	sdelay $0x1  }
0x251: {  	v19 =	vadd.s32 v13, v17;
	_ =	sdelay $0x2  }
0x252: {  	v18 =	vmul.f32 $5.656854150e+00, v18;
	_ =	sdelay $0x1  }
0x253: {  	[tilespmem:v19+s29+$0x0] =	vst.idx.msk $0xffff, v18  }
0x254: {  	v18 =	vld [tilespmem:s1+$0x50];
	_ =	sdelay $0x1  }
0x255: {  	v17 =	vadd.s32 v14, v17;
	_ =	sdelay $0x2  }
0x256: {  	v19 =	vmov s0;
	v18 =	vmul.f32 $5.656854150e+00, v18  }
0x257: {  	v19 =	vshrl.u32 v19, $0x3  }
0x258: {  	[tilespmem:v17+s29+$0x0] =	vst.idx.msk $0xffff, v18;
	v17 =	vshll.u32 v19, v1  }
0x259: {  	v18 =	vld [tilespmem:s1+$0x60];
	v17 =	vbroadcast v17, $0x0;
	_ =	sdelay $0x1  }
0x25a: {  	v19 =	vadd.s32 v15, v17;
	_ =	sdelay $0x2  }
0x25b: {  	v18 =	vmul.f32 $5.656854150e+00, v18;
	_ =	sdelay $0x1  }
0x25c: {  	[tilespmem:v19+s29+$0x0] =	vst.idx.msk $0xffff, v18  }
0x25d: {  	s9 =	smulhi.u32 $0x51EB851F, s25;
	v18 =	vld [tilespmem:s1+$0x70];
	_ =	sdelay $0x1  }
0x25e: {  	s0 =	sshrl.u32 s9, $0x4;
	v17 =	vadd.s32 v16, v17  }
0x25f: {  	s0 =	smul.u32 $0x32, s0;
	_ =	sdelay $0x1  }
0x260: {  	s0 =	ssub.s32 s25, s0;
	v18 =	vmul.f32 $5.656854150e+00, v18  }
0x261: {  	s12 =	sadd.s32 s2, s24;
	s0 =	sshll.u32 s0, $0x10  }
0x262: {  	s0 =	sadd.s32 s0, s12;
	[tilespmem:v17+s29+$0x0] =	vst.idx.msk $0xffff, v18  }
0x263: {  	[hbm4b:s0+s3] =	stream.linear.scatter [tilespmem:s29], [sflag:$0x6], $0x80, $0x38;
	[tilespmem:$0xEC00] =	vst v63  }
0x264: {  	s24 =	simm.s32 $0xB690;
	s1 =	sadd.s32 $0x10, s0  }
0x265: {  	[hbm4b:s1+s3] =	stream.linear.scatter [tilespmem:s24], [sflag:$0x6], $0x80, $0x38;
	[tilespmem:$0xEC00] =	vst v63  }
0x266: {  	s26 =	simm.s32 $0xB720;
	s25 =	sadd.s32 $0x20, s0  }
0x267: {  	[hbm4b:s25+s3] =	stream.linear.scatter [tilespmem:s26], [sflag:$0x6], $0x80, $0x38;
	[tilespmem:$0xEC00] =	vst v63  }
0x268: {  	s12 =	sadd.s32 $0x30, s0;
	s24 =	simm.s32 $0xB7B0  }
0x269: {  	[hbm4b:s12+s3] =	stream.linear.scatter [tilespmem:s24], [sflag:$0x6], $0x80, $0x38;
	[tilespmem:$0xEC00] =	vst v63  }
0x26a: {  	s25 =	sadd.s32 $0x40, s0;
	s26 =	simm.s32 $0xB840  }
0x26b: {  	[hbm4b:s25+s3] =	stream.linear.scatter [tilespmem:s26], [sflag:$0x6], $0x80, $0x38;
	[tilespmem:$0xEC00] =	vst v63  }
0x26c: {  	s12 =	sadd.s32 $0x50, s0;
	s24 =	simm.s32 $0xB8D0  }
0x26d: {  	[hbm4b:s12+s3] =	stream.linear.scatter [tilespmem:s24], [sflag:$0x6], $0x80, $0x38;
	[tilespmem:$0xEC00] =	vst v63  }
0x26e: {  	s25 =	sadd.s32 $0x60, s0;
	s26 =	simm.s32 $0xB960  }
0x26f: {  	[hbm4b:s25+s3] =	stream.linear.scatter [tilespmem:s26], [sflag:$0x6], $0x80, $0x38;
	[tilespmem:$0xEC00] =	vst v63  }
0x270: {  	s12 =	sadd.s32 $0x70, s0;
	s24 =	simm.s32 $0xB9F0  }
0x271: {  	[hbm4b:s12+s3] =	stream.linear.scatter [tilespmem:s24], [sflag:$0x6], $0x80, $0x38;
	[tilespmem:$0xEC00] =	vst v63  }
0x272: {  	s25 =	sadd.s32 $0x4000, s0;
	s26 =	simm.s32 $0xBA80  }
0x273: {  	[hbm4b:s25+s3] =	stream.linear.scatter [tilespmem:s26], [sflag:$0x6], $0x80, $0x38;
	[tilespmem:$0xEC00] =	vst v63  }
0x274: {  	s12 =	sadd.s32 $0x4010, s0;
	s24 =	simm.s32 $0xBB10  }
0x275: {  	[hbm4b:s12+s3] =	stream.linear.scatter [tilespmem:s24], [sflag:$0x6], $0x80, $0x38;
	[tilespmem:$0xEC00] =	vst v63  }
0x276: {  	s25 =	sadd.s32 $0x4020, s0;
	s26 =	simm.s32 $0xBBA0  }
0x277: {  	[hbm4b:s25+s3] =	stream.linear.scatter [tilespmem:s26], [sflag:$0x6], $0x80, $0x38;
	[tilespmem:$0xEC00] =	vst v63  }
0x278: {  	s12 =	sadd.s32 $0x4030, s0;
	s24 =	simm.s32 $0xBC30  }
0x279: {  	[hbm4b:s12+s3] =	stream.linear.scatter [tilespmem:s24], [sflag:$0x6], $0x80, $0x38;
	[tilespmem:$0xEC00] =	vst v63  }
0x27a: {  	s25 =	sadd.s32 $0x4040, s0;
	s26 =	simm.s32 $0xBCC0  }
0x27b: {  	[hbm4b:s25+s3] =	stream.linear.scatter [tilespmem:s26], [sflag:$0x6], $0x80, $0x38;
	[tilespmem:$0xEC00] =	vst v63  }
0x27c: {  	s12 =	sadd.s32 $0x4050, s0;
	s24 =	simm.s32 $0xBD50  }
0x27d: {  	[hbm4b:s12+s3] =	stream.linear.scatter [tilespmem:s24], [sflag:$0x6], $0x80, $0x38;
	[tilespmem:$0xEC00] =	vst v63  }
0x27e: {  	s25 =	sadd.s32 $0x4060, s0;
	s26 =	simm.s32 $0xBDE0  }
0x27f: {  	[hbm4b:s25+s3] =	stream.linear.scatter [tilespmem:s26], [sflag:$0x6], $0x80, $0x38;
	[tilespmem:$0xEC00] =	vst v63  }
0x280: {  	s12 =	sadd.s32 $0x4070, s0;
	s24 =	simm.s32 $0xBE70  }
0x281: {  	[hbm4b:s12+s3] =	stream.linear.scatter [tilespmem:s24], [sflag:$0x6], $0x80, $0x38;
	[tilespmem:$0xEC00] =	vst v63  }
0x282: {  	s25 =	sadd.s32 $0x8000, s0;
	s26 =	simm.s32 $0xBF00  }
0x283: {  	[hbm4b:s25+s3] =	stream.linear.scatter [tilespmem:s26], [sflag:$0x6], $0x80, $0x38;
	[tilespmem:$0xEC00] =	vst v63  }
0x284: {  	s12 =	sadd.s32 $0x8010, s0;
	s24 =	simm.s32 $0xBF90  }
0x285: {  	[hbm4b:s12+s3] =	stream.linear.scatter [tilespmem:s24], [sflag:$0x6], $0x80, $0x38;
	[tilespmem:$0xEC00] =	vst v63  }
0x286: {  	s25 =	sadd.s32 $0x8020, s0;
	s26 =	simm.s32 $0xC020  }
0x287: {  	[hbm4b:s25+s3] =	stream.linear.scatter [tilespmem:s26], [sflag:$0x6], $0x80, $0x38;
	[tilespmem:$0xEC00] =	vst v63  }
0x288: {  	s12 =	sadd.s32 $0x8030, s0;
	s24 =	simm.s32 $0xC0B0  }
0x289: {  	[hbm4b:s12+s3] =	stream.linear.scatter [tilespmem:s24], [sflag:$0x6], $0x80, $0x38;
	[tilespmem:$0xEC00] =	vst v63  }
0x28a: {  	s25 =	sadd.s32 $0x8040, s0;
	s26 =	simm.s32 $0xC140  }
0x28b: {  	[hbm4b:s25+s3] =	stream.linear.scatter [tilespmem:s26], [sflag:$0x6], $0x80, $0x38;
	[tilespmem:$0xEC00] =	vst v63  }
0x28c: {  	s12 =	sadd.s32 $0x8050, s0;
	s24 =	simm.s32 $0xC1D0  }
0x28d: {  	[hbm4b:s12+s3] =	stream.linear.scatter [tilespmem:s24], [sflag:$0x6], $0x80, $0x38;
	[tilespmem:$0xEC00] =	vst v63  }
0x28e: {  	s25 =	sadd.s32 $0x8060, s0;
	s26 =	simm.s32 $0xC260  }
0x28f: {  	[hbm4b:s25+s3] =	stream.linear.scatter [tilespmem:s26], [sflag:$0x6], $0x80, $0x38;
	[tilespmem:$0xEC00] =	vst v63  }
0x290: {  	s12 =	sadd.s32 $0x8070, s0;
	s24 =	simm.s32 $0xC2F0  }
0x291: {  	[hbm4b:s12+s3] =	stream.linear.scatter [tilespmem:s24], [sflag:$0x6], $0x80, $0x38;
	[tilespmem:$0xEC00] =	vst v63  }
0x292: {  	s25 =	sadd.s32 $0xC000, s0;
	s26 =	simm.s32 $0xC380  }
0x293: {  	[hbm4b:s25+s3] =	stream.linear.scatter [tilespmem:s26], [sflag:$0x6], $0x80, $0x38;
	[tilespmem:$0xEC00] =	vst v63  }
0x294: {  	s12 =	sadd.s32 $0xC010, s0;
	s24 =	simm.s32 $0xC410  }
0x295: {  	[hbm4b:s12+s3] =	stream.linear.scatter [tilespmem:s24], [sflag:$0x6], $0x80, $0x38;
	[tilespmem:$0xEC00] =	vst v63  }
0x296: {  	s25 =	sadd.s32 $0xC020, s0;
	s26 =	simm.s32 $0xC4A0  }
0x297: {  	[hbm4b:s25+s3] =	stream.linear.scatter [tilespmem:s26], [sflag:$0x6], $0x80, $0x38;
	[tilespmem:$0xEC00] =	vst v63  }
0x298: {  	s12 =	sadd.s32 $0xC030, s0;
	s24 =	simm.s32 $0xC530  }
0x299: {  	[hbm4b:s12+s3] =	stream.linear.scatter [tilespmem:s24], [sflag:$0x6], $0x80, $0x38;
	[tilespmem:$0xEC00] =	vst v63  }
0x29a: {  	s25 =	sadd.s32 $0xC040, s0;
	s26 =	simm.s32 $0xC5C0  }
0x29b: {  	[hbm4b:s25+s3] =	stream.linear.scatter [tilespmem:s26], [sflag:$0x6], $0x80, $0x38;
	[tilespmem:$0xEC00] =	vst v63  }
0x29c: {  	s9 =	sadd.s32 $0xC050, s0;
	s1 =	sadd.s32 @!p1 $0x5, s23;
	s12 =	simm.s32 $0xC650  }
0x29d: {  	[hbm4b:s9+s3] =	stream.linear.scatter [tilespmem:s12], [sflag:$0x6], $0x80, $0x38;
	[tilespmem:$0xEC00] =	vst v63  }
0x29e: {  	s24 =	sadd.s32 $0xC060, s0;
	s25 =	simm.s32 $0xC6E0;
	s12 =	smulhi.u32 @!p1 $0x51EB851F, s1  }
0x29f: {  	[hbm4b:s24+s3] =	stream.linear.scatter [tilespmem:s25], [sflag:$0x6], $0x80, $0x38;
	[tilespmem:$0xEC00] =	vst v63  }
0x2a0: {  	s9 =	sshrl.u32 @!p1 s12, $0x4  }
0x2a1: {  	s0 =	sadd.s32 $0xC070, s0;
	s26 =	simm.s32 $0xC770;
	s9 =	smul.u32 @!p1 $0x32, s9  }
0x2a2: {  	[hbm4b:s0+s3] =	stream.linear.scatter [tilespmem:s26], [sflag:$0x6], $0x80, $0x38;
	[tilespmem:$0xEC00] =	vst v63  }
0x2a3: {  	s0 =	ssub.s32 @!p1 s1, s9;
	s1 =	sshll.u32 @!p1 s12, $0x3  }
0x2a4: {  	s0 =	sshll.u32 @!p1 s0, $0x9;
	s1 =	sand.u32 @!p1 $0x3FFFFF80, s1  }
0x2a5: {  	s9 =	simm.s32 @!p1 $0x7400;
	s0 =	sadd.s32 @!p1 s1, s0;
	s1 =	simm.s32 @!p1 $0x80  }
0x2a6: {  	[tilespmem:s9], [sflag:$0x2] =	stream.indirect.gather @!p1 [hbm4b:s4+s1], $0x20, s0, s1, $0xb8;
	[tilespmem:$0xEC00] =	vst v63  }
0x2a7: {  	_ =	swait.ge [sflag:s16], $0x1000  }
0x2a8: {  	[sflag:s16] =	ssyncset.done $0x0  }
0x2a9: {  	s0 =	simm.s32 @!p0 $0x7;
	s9 =	simm.s32 $0x0;
	[sflag:s16] =	ssyncadd.s32 $0xFFFFF000  }
0x2aa: {  	v17 =	vmov s9;
	_ =	swait.ge @!p0 [sflag:s0], $0x1000  }
0x2ab: {  	v17 =	vshrl.u32 v17, $0x3;
	[sflag:s0] =	ssyncset.done @!p0 $0x0  }
0x2ac: {  	s25 =	simm.s32 $0x8480;
	v17 =	vshll.u32 v17, v1;
	[sflag:s0] =	ssyncadd.s32 @!p0 $0xFFFFF000  }
0x2ad: {  	v17 =	vbroadcast v17, $0x0;
	v18 =	vld [tilespmem:s25+$0xFFFFFF80];
	_ =	sdelay $0x1  }
0x2ae: {  	v19 =	vadd.s32 v0, v17;
	_ =	sdelay $0x2  }
0x2af: {  	v18 =	vmul.f32 $5.656854150e+00, v18;
	_ =	sdelay $0x1  }
0x2b0: {  	[tilespmem:v19+s8+$0x0] =	vst.idx.msk $0xffff, v18  }
0x2b1: {  	v18 =	vld [tilespmem:s25+$0xFFFFFF90];
	_ =	sdelay $0x1  }
0x2b2: {  	v17 =	vadd.s32 v2, v17;
	_ =	sdelay $0x1  }
0x2b3: {  	s12 =	simm.s32 $0x1  }
0x2b4: {  	v19 =	vmov s12;
	v18 =	vmul.f32 $5.656854150e+00, v18  }
0x2b5: {  	v19 =	vshrl.u32 v19, $0x3  }
0x2b6: {  	[tilespmem:v17+s8+$0x0] =	vst.idx.msk $0xffff, v18;
	v17 =	vshll.u32 v19, v1  }
0x2b7: {  	v18 =	vld [tilespmem:s25+$0xFFFFFFA0];
	v17 =	vbroadcast v17, $0x0;
	_ =	sdelay $0x1  }
0x2b8: {  	v19 =	vadd.s32 v3, v17;
	_ =	sdelay $0x2  }
0x2b9: {  	v18 =	vmul.f32 $5.656854150e+00, v18;
	_ =	sdelay $0x1  }
0x2ba: {  	[tilespmem:v19+s8+$0x0] =	vst.idx.msk $0xffff, v18  }
0x2bb: {  	v18 =	vld [tilespmem:s25+$0xFFFFFFB0];
	_ =	sdelay $0x1  }
0x2bc: {  	v17 =	vadd.s32 v4, v17;
	_ =	sdelay $0x1  }
0x2bd: {  	s24 =	simm.s32 $0x2  }
0x2be: {  	v19 =	vmov s24;
	v18 =	vmul.f32 $5.656854150e+00, v18  }
0x2bf: {  	v19 =	vshrl.u32 v19, $0x3  }
0x2c0: {  	[tilespmem:v17+s8+$0x0] =	vst.idx.msk $0xffff, v18;
	v17 =	vshll.u32 v19, v1  }
0x2c1: {  	v18 =	vld [tilespmem:s25+$0xFFFFFFC0];
	v17 =	vbroadcast v17, $0x0;
	_ =	sdelay $0x1  }
0x2c2: {  	v19 =	vadd.s32 v5, v17;
	_ =	sdelay $0x2  }
0x2c3: {  	v18 =	vmul.f32 $5.656854150e+00, v18;
	_ =	sdelay $0x1  }
0x2c4: {  	[tilespmem:v19+s8+$0x0] =	vst.idx.msk $0xffff, v18  }
0x2c5: {  	v18 =	vld [tilespmem:s25+$0xFFFFFFD0];
	_ =	sdelay $0x1  }
0x2c6: {  	v17 =	vadd.s32 v6, v17;
	_ =	sdelay $0x1  }
0x2c7: {  	s26 =	simm.s32 $0x3  }
0x2c8: {  	v19 =	vmov s26;
	v18 =	vmul.f32 $5.656854150e+00, v18  }
0x2c9: {  	v19 =	vshrl.u32 v19, $0x3  }
0x2ca: {  	[tilespmem:v17+s8+$0x0] =	vst.idx.msk $0xffff, v18;
	v17 =	vshll.u32 v19, v1  }
0x2cb: {  	v18 =	vld [tilespmem:s25+$0xFFFFFFE0];
	v17 =	vbroadcast v17, $0x0;
	_ =	sdelay $0x1  }
0x2cc: {  	v19 =	vadd.s32 v7, v17;
	_ =	sdelay $0x2  }
0x2cd: {  	v18 =	vmul.f32 $5.656854150e+00, v18;
	_ =	sdelay $0x1  }
0x2ce: {  	[tilespmem:v19+s8+$0x0] =	vst.idx.msk $0xffff, v18  }
0x2cf: {  	v18 =	vld [tilespmem:s25+$0xFFFFFFF0];
	_ =	sdelay $0x1  }
0x2d0: {  	v17 =	vadd.s32 v8, v17;
	_ =	sdelay $0x1  }
0x2d1: {  	s1 =	simm.s32 $0x4  }
0x2d2: {  	v19 =	vmov s1;
	v18 =	vmul.f32 $5.656854150e+00, v18  }
0x2d3: {  	v19 =	vshrl.u32 v19, $0x3  }
0x2d4: {  	[tilespmem:v17+s8+$0x0] =	vst.idx.msk $0xffff, v18;
	v17 =	vshll.u32 v19, v1  }
0x2d5: {  	v18 =	vld [tilespmem:s25+$0x0];
	v17 =	vbroadcast v17, $0x0;
	_ =	sdelay $0x1  }
0x2d6: {  	v19 =	vadd.s32 v9, v17;
	_ =	sdelay $0x2  }
0x2d7: {  	v18 =	vmul.f32 $5.656854150e+00, v18;
	_ =	sdelay $0x1  }
0x2d8: {  	[tilespmem:v19+s8+$0x0] =	vst.idx.msk $0xffff, v18  }
0x2d9: {  	v18 =	vld [tilespmem:s25+$0x10];
	_ =	sdelay $0x1  }
0x2da: {  	v17 =	vadd.s32 v10, v17;
	_ =	sdelay $0x1  }
0x2db: {  	s9 =	simm.s32 $0x5  }
0x2dc: {  	v19 =	vmov s9;
	v18 =	vmul.f32 $5.656854150e+00, v18  }
0x2dd: {  	v19 =	vshrl.u32 v19, $0x3  }
0x2de: {  	[tilespmem:v17+s8+$0x0] =	vst.idx.msk $0xffff, v18;
	v17 =	vshll.u32 v19, v1  }
0x2df: {  	v18 =	vld [tilespmem:s25+$0x20];
	v17 =	vbroadcast v17, $0x0;
	_ =	sdelay $0x1  }
0x2e0: {  	v19 =	vadd.s32 v11, v17;
	_ =	sdelay $0x2  }
0x2e1: {  	v18 =	vmul.f32 $5.656854150e+00, v18;
	_ =	sdelay $0x1  }
0x2e2: {  	[tilespmem:v19+s8+$0x0] =	vst.idx.msk $0xffff, v18  }
0x2e3: {  	v18 =	vld [tilespmem:s25+$0x30];
	_ =	sdelay $0x1  }
0x2e4: {  	v17 =	vadd.s32 v12, v17;
	_ =	sdelay $0x1  }
0x2e5: {  	s12 =	simm.s32 $0x6  }
0x2e6: {  	v19 =	vmov s12;
	v18 =	vmul.f32 $5.656854150e+00, v18  }
0x2e7: {  	v19 =	vshrl.u32 v19, $0x3  }
0x2e8: {  	[tilespmem:v17+s8+$0x0] =	vst.idx.msk $0xffff, v18;
	v17 =	vshll.u32 v19, v1  }
0x2e9: {  	v18 =	vld [tilespmem:s25+$0x40];
	v17 =	vbroadcast v17, $0x0;
	_ =	sdelay $0x1  }
0x2ea: {  	v19 =	vadd.s32 v13, v17;
	_ =	sdelay $0x2  }
0x2eb: {  	v18 =	vmul.f32 $5.656854150e+00, v18;
	_ =	sdelay $0x1  }
0x2ec: {  	[tilespmem:v19+s8+$0x0] =	vst.idx.msk $0xffff, v18  }
0x2ed: {  	v18 =	vld [tilespmem:s25+$0x50];
	_ =	sdelay $0x1  }
0x2ee: {  	v17 =	vadd.s32 v14, v17;
	_ =	sdelay $0x1  }
0x2ef: {  	s24 =	simm.s32 $0x7  }
0x2f0: {  	v19 =	vmov s24;
	v18 =	vmul.f32 $5.656854150e+00, v18  }
0x2f1: {  	v19 =	vshrl.u32 v19, $0x3  }
0x2f2: {  	[tilespmem:v17+s8+$0x0] =	vst.idx.msk $0xffff, v18;
	v17 =	vshll.u32 v19, v1  }
0x2f3: {  	v18 =	vld [tilespmem:s25+$0x60];
	v17 =	vbroadcast v17, $0x0;
	_ =	sdelay $0x1  }
0x2f4: {  	v19 =	vadd.s32 v15, v17;
	_ =	sdelay $0x2  }
0x2f5: {  	v18 =	vmul.f32 $5.656854150e+00, v18;
	_ =	sdelay $0x1  }
0x2f6: {  	[tilespmem:v19+s8+$0x0] =	vst.idx.msk $0xffff, v18  }
0x2f7: {  	v18 =	vld [tilespmem:s25+$0x70];
	_ =	sdelay $0x1  }
0x2f8: {  	v17 =	vadd.s32 v16, v17  }
0x2f9: {  	s26 =	simm.s32 $0x8  }
0x2fa: {  	v19 =	vmov s26  }
0x2fb: {  	s0 =	simm.s32 $0xF;
	s1 =	simm.s32 $0x17;
	s24 =	sor.u32 $0x2, s23;
	v19 =	vshrl.u32 v19, $0x3;
	v18 =	vmul.f32 $5.656854150e+00, v18  }
.LBB2_7:
0x2fc: {  	p2 =	sne.s32 s1, $0x7F  }
0x2fd: {  	v19 =	vshll.u32 v19, v1;
	[tilespmem:v17+s8+$0x0] =	vst.idx.msk $0xffff, v18;
	s25 =	sadd.s32 $0x100, s25;
	s9 =	smov.u32 s1;
	s1 =	sadd.s32 $0x8, s1  }
0x2fe: {  	v17 =	vld [tilespmem:s25+$0xFFFFFF80];
	v18 =	vbroadcast v19, $0x0;
	_ =	sdelay $0x1  }
0x2ff: {  	v19 =	vadd.s32 v0, v18;
	_ =	sdelay $0x2  }
0x300: {  	v17 =	vmul.f32 $5.656854150e+00, v17;
	_ =	sdelay $0x1  }
0x301: {  	[tilespmem:v19+s8+$0x0] =	vst.idx.msk $0xffff, v17  }
0x302: {  	v17 =	vld [tilespmem:s25+$0xFFFFFF90];
	_ =	sdelay $0x1  }
0x303: {  	v18 =	vadd.s32 v2, v18;
	_ =	sdelay $0x1  }
0x304: {  	s12 =	sadd.s32 $0xFFFFFFFA, s0  }
0x305: {  	v19 =	vmov s12;
	v17 =	vmul.f32 $5.656854150e+00, v17  }
0x306: {  	v19 =	vshrl.u32 v19, $0x3  }
0x307: {  	[tilespmem:v18+s8+$0x0] =	vst.idx.msk $0xffff, v17;
	v17 =	vshll.u32 v19, v1  }
0x308: {  	v18 =	vld [tilespmem:s25+$0xFFFFFFA0];
	v17 =	vbroadcast v17, $0x0;
	_ =	sdelay $0x1  }
0x309: {  	v19 =	vadd.s32 v3, v17;
	_ =	sdelay $0x2  }
0x30a: {  	v18 =	vmul.f32 $5.656854150e+00, v18;
	_ =	sdelay $0x1  }
0x30b: {  	[tilespmem:v19+s8+$0x0] =	vst.idx.msk $0xffff, v18  }
0x30c: {  	v18 =	vld [tilespmem:s25+$0xFFFFFFB0];
	_ =	sdelay $0x1  }
0x30d: {  	v17 =	vadd.s32 v4, v17;
	_ =	sdelay $0x1  }
0x30e: {  	s12 =	sadd.s32 $0xFFFFFFFB, s0  }
0x30f: {  	v19 =	vmov s12;
	v18 =	vmul.f32 $5.656854150e+00, v18  }
0x310: {  	v19 =	vshrl.u32 v19, $0x3  }
0x311: {  	[tilespmem:v17+s8+$0x0] =	vst.idx.msk $0xffff, v18;
	v17 =	vshll.u32 v19, v1  }
0x312: {  	v18 =	vld [tilespmem:s25+$0xFFFFFFC0];
	v17 =	vbroadcast v17, $0x0;
	_ =	sdelay $0x1  }
0x313: {  	v19 =	vadd.s32 v5, v17;
	_ =	sdelay $0x2  }
0x314: {  	v18 =	vmul.f32 $5.656854150e+00, v18;
	_ =	sdelay $0x1  }
0x315: {  	[tilespmem:v19+s8+$0x0] =	vst.idx.msk $0xffff, v18  }
0x316: {  	v18 =	vld [tilespmem:s25+$0xFFFFFFD0];
	_ =	sdelay $0x1  }
0x317: {  	v17 =	vadd.s32 v6, v17;
	_ =	sdelay $0x1  }
0x318: {  	s12 =	sadd.s32 $0xFFFFFFFC, s0  }
0x319: {  	v19 =	vmov s12;
	v18 =	vmul.f32 $5.656854150e+00, v18  }
0x31a: {  	v19 =	vshrl.u32 v19, $0x3  }
0x31b: {  	[tilespmem:v17+s8+$0x0] =	vst.idx.msk $0xffff, v18;
	v17 =	vshll.u32 v19, v1  }
0x31c: {  	v18 =	vld [tilespmem:s25+$0xFFFFFFE0];
	v17 =	vbroadcast v17, $0x0;
	_ =	sdelay $0x1  }
0x31d: {  	v19 =	vadd.s32 v7, v17;
	_ =	sdelay $0x2  }
0x31e: {  	v18 =	vmul.f32 $5.656854150e+00, v18;
	_ =	sdelay $0x1  }
0x31f: {  	[tilespmem:v19+s8+$0x0] =	vst.idx.msk $0xffff, v18  }
0x320: {  	v18 =	vld [tilespmem:s25+$0xFFFFFFF0];
	_ =	sdelay $0x1  }
0x321: {  	v17 =	vadd.s32 v8, v17;
	_ =	sdelay $0x1  }
0x322: {  	s12 =	sadd.s32 $0xFFFFFFFD, s0  }
0x323: {  	v19 =	vmov s12;
	v18 =	vmul.f32 $5.656854150e+00, v18  }
0x324: {  	v19 =	vshrl.u32 v19, $0x3  }
0x325: {  	[tilespmem:v17+s8+$0x0] =	vst.idx.msk $0xffff, v18;
	v17 =	vshll.u32 v19, v1  }
0x326: {  	v18 =	vld [tilespmem:s25+$0x0];
	v17 =	vbroadcast v17, $0x0;
	_ =	sdelay $0x1  }
0x327: {  	v19 =	vadd.s32 v9, v17;
	_ =	sdelay $0x2  }
0x328: {  	v18 =	vmul.f32 $5.656854150e+00, v18;
	_ =	sdelay $0x1  }
0x329: {  	[tilespmem:v19+s8+$0x0] =	vst.idx.msk $0xffff, v18  }
0x32a: {  	v18 =	vld [tilespmem:s25+$0x10];
	_ =	sdelay $0x1  }
0x32b: {  	v17 =	vadd.s32 v10, v17;
	_ =	sdelay $0x1  }
0x32c: {  	s12 =	sadd.s32 $0xFFFFFFFE, s0  }
0x32d: {  	v19 =	vmov s12;
	v18 =	vmul.f32 $5.656854150e+00, v18  }
0x32e: {  	v19 =	vshrl.u32 v19, $0x3  }
0x32f: {  	[tilespmem:v17+s8+$0x0] =	vst.idx.msk $0xffff, v18;
	v17 =	vshll.u32 v19, v1  }
0x330: {  	v18 =	vld [tilespmem:s25+$0x20];
	v17 =	vbroadcast v17, $0x0;
	_ =	sdelay $0x1  }
0x331: {  	v19 =	vadd.s32 v11, v17;
	_ =	sdelay $0x2  }
0x332: {  	v18 =	vmul.f32 $5.656854150e+00, v18;
	_ =	sdelay $0x1  }
0x333: {  	[tilespmem:v19+s8+$0x0] =	vst.idx.msk $0xffff, v18  }
0x334: {  	v18 =	vld [tilespmem:s25+$0x30];
	_ =	sdelay $0x1  }
0x335: {  	v17 =	vadd.s32 v12, v17;
	_ =	sdelay $0x1  }
0x336: {  	s12 =	sadd.s32 $0xFFFFFFFF, s0  }
0x337: {  	v19 =	vmov s12;
	v18 =	vmul.f32 $5.656854150e+00, v18  }
0x338: {  	v19 =	vshrl.u32 v19, $0x3  }
0x339: {  	[tilespmem:v17+s8+$0x0] =	vst.idx.msk $0xffff, v18;
	v17 =	vshll.u32 v19, v1  }
0x33a: {  	v18 =	vld [tilespmem:s25+$0x40];
	v17 =	vbroadcast v17, $0x0;
	_ =	sdelay $0x1  }
0x33b: {  	v19 =	vadd.s32 v13, v17;
	_ =	sdelay $0x2  }
0x33c: {  	v18 =	vmul.f32 $5.656854150e+00, v18;
	_ =	sdelay $0x1  }
0x33d: {  	[tilespmem:v19+s8+$0x0] =	vst.idx.msk $0xffff, v18  }
0x33e: {  	v18 =	vld [tilespmem:s25+$0x50];
	_ =	sdelay $0x1  }
0x33f: {  	v17 =	vadd.s32 v14, v17;
	_ =	sdelay $0x2  }
0x340: {  	v19 =	vmov s0;
	s0 =	smov.u32 s9;
	v18 =	vmul.f32 $5.656854150e+00, v18  }
0x341: {  	v19 =	vshrl.u32 v19, $0x3  }
0x342: {  	[tilespmem:v17+s8+$0x0] =	vst.idx.msk $0xffff, v18;
	v17 =	vshll.u32 v19, v1  }
0x343: {  	v18 =	vld [tilespmem:s25+$0x60];
	v17 =	vbroadcast v17, $0x0;
	_ =	sdelay $0x1  }
0x344: {  	v19 =	vadd.s32 v15, v17;
	_ =	sdelay $0x2  }
0x345: {  	v18 =	vmul.f32 $5.656854150e+00, v18;
	_ =	sdelay $0x1  }
0x346: {  	[tilespmem:v19+s8+$0x0] =	vst.idx.msk $0xffff, v18  }
0x347: {  	v18 =	vld [tilespmem:s25+$0x70];
	_ =	sdelay $0x1  }
.Ltmp4:
0x348: {  	v17 =	vadd.s32 v16, v17;
	(pc) =	sbr.rel @p2 .LBB2_7-.Ltmp4, $4  }
0x349: {  	_ = 	snop  }
0x34a: {  	s9 =	sadd.s32 $0xFFFFFFF9, s0  }
0x34b: {  	v19 =	vmov s9;
	v18 =	vmul.f32 $5.656854150e+00, v18  }
0x34c: {  	v19 =	vshrl.u32 v19, $0x3  }
0x34d: {  	_ =	sdelay $0x3  }
0x34e: {  	v19 =	vshll.u32 v19, v1;
	[tilespmem:v17+s8+$0x0] =	vst.idx.msk $0xffff, v18;
	s1 =	sadd.s32 $0x100, s25  }
0x34f: {  	v17 =	vld [tilespmem:s1+$0xFFFFFF80];
	v18 =	vbroadcast v19, $0x0;
	_ =	sdelay $0x1  }
0x350: {  	v19 =	vadd.s32 v0, v18;
	_ =	sdelay $0x2  }
0x351: {  	v17 =	vmul.f32 $5.656854150e+00, v17;
	_ =	sdelay $0x1  }
0x352: {  	[tilespmem:v19+s8+$0x0] =	vst.idx.msk $0xffff, v17  }
0x353: {  	v17 =	vld [tilespmem:s1+$0xFFFFFF90];
	_ =	sdelay $0x1  }
0x354: {  	v18 =	vadd.s32 v2, v18;
	_ =	sdelay $0x1  }
0x355: {  	s9 =	sadd.s32 $0xFFFFFFFA, s0  }
0x356: {  	v19 =	vmov s9;
	v17 =	vmul.f32 $5.656854150e+00, v17  }
0x357: {  	v19 =	vshrl.u32 v19, $0x3  }
0x358: {  	[tilespmem:v18+s8+$0x0] =	vst.idx.msk $0xffff, v17;
	v17 =	vshll.u32 v19, v1  }
0x359: {  	v18 =	vld [tilespmem:s1+$0xFFFFFFA0];
	v17 =	vbroadcast v17, $0x0;
	_ =	sdelay $0x1  }
0x35a: {  	v19 =	vadd.s32 v3, v17;
	_ =	sdelay $0x2  }
0x35b: {  	v18 =	vmul.f32 $5.656854150e+00, v18;
	_ =	sdelay $0x1  }
0x35c: {  	[tilespmem:v19+s8+$0x0] =	vst.idx.msk $0xffff, v18  }
0x35d: {  	v18 =	vld [tilespmem:s1+$0xFFFFFFB0];
	_ =	sdelay $0x1  }
0x35e: {  	v17 =	vadd.s32 v4, v17;
	_ =	sdelay $0x1  }
0x35f: {  	s25 =	sadd.s32 $0xFFFFFFFB, s0  }
0x360: {  	v19 =	vmov s25;
	v18 =	vmul.f32 $5.656854150e+00, v18  }
0x361: {  	v19 =	vshrl.u32 v19, $0x3  }
0x362: {  	[tilespmem:v17+s8+$0x0] =	vst.idx.msk $0xffff, v18;
	v17 =	vshll.u32 v19, v1  }
0x363: {  	v18 =	vld [tilespmem:s1+$0xFFFFFFC0];
	v17 =	vbroadcast v17, $0x0;
	_ =	sdelay $0x1  }
0x364: {  	v19 =	vadd.s32 v5, v17;
	_ =	sdelay $0x2  }
0x365: {  	v18 =	vmul.f32 $5.656854150e+00, v18;
	_ =	sdelay $0x1  }
0x366: {  	[tilespmem:v19+s8+$0x0] =	vst.idx.msk $0xffff, v18  }
0x367: {  	v18 =	vld [tilespmem:s1+$0xFFFFFFD0];
	_ =	sdelay $0x1  }
0x368: {  	v17 =	vadd.s32 v6, v17;
	_ =	sdelay $0x1  }
0x369: {  	s26 =	sadd.s32 $0xFFFFFFFC, s0  }
0x36a: {  	v19 =	vmov s26;
	v18 =	vmul.f32 $5.656854150e+00, v18  }
0x36b: {  	v19 =	vshrl.u32 v19, $0x3  }
0x36c: {  	[tilespmem:v17+s8+$0x0] =	vst.idx.msk $0xffff, v18;
	v17 =	vshll.u32 v19, v1  }
0x36d: {  	v18 =	vld [tilespmem:s1+$0xFFFFFFE0];
	v17 =	vbroadcast v17, $0x0;
	_ =	sdelay $0x1  }
0x36e: {  	v19 =	vadd.s32 v7, v17;
	_ =	sdelay $0x2  }
0x36f: {  	v18 =	vmul.f32 $5.656854150e+00, v18;
	_ =	sdelay $0x1  }
0x370: {  	[tilespmem:v19+s8+$0x0] =	vst.idx.msk $0xffff, v18  }
0x371: {  	v18 =	vld [tilespmem:s1+$0xFFFFFFF0];
	_ =	sdelay $0x1  }
0x372: {  	v17 =	vadd.s32 v8, v17;
	_ =	sdelay $0x1  }
0x373: {  	s12 =	sadd.s32 $0xFFFFFFFD, s0  }
0x374: {  	v19 =	vmov s12;
	v18 =	vmul.f32 $5.656854150e+00, v18  }
0x375: {  	v19 =	vshrl.u32 v19, $0x3  }
0x376: {  	[tilespmem:v17+s8+$0x0] =	vst.idx.msk $0xffff, v18;
	v17 =	vshll.u32 v19, v1  }
0x377: {  	v18 =	vld [tilespmem:s1+$0x0];
	v17 =	vbroadcast v17, $0x0;
	_ =	sdelay $0x1  }
0x378: {  	v19 =	vadd.s32 v9, v17;
	_ =	sdelay $0x2  }
0x379: {  	v18 =	vmul.f32 $5.656854150e+00, v18;
	_ =	sdelay $0x1  }
0x37a: {  	[tilespmem:v19+s8+$0x0] =	vst.idx.msk $0xffff, v18  }
0x37b: {  	v18 =	vld [tilespmem:s1+$0x10];
	_ =	sdelay $0x1  }
0x37c: {  	v17 =	vadd.s32 v10, v17;
	_ =	sdelay $0x1  }
0x37d: {  	s25 =	sadd.s32 $0xFFFFFFFE, s0  }
0x37e: {  	v19 =	vmov s25;
	v18 =	vmul.f32 $5.656854150e+00, v18  }
0x37f: {  	v19 =	vshrl.u32 v19, $0x3  }
0x380: {  	[tilespmem:v17+s8+$0x0] =	vst.idx.msk $0xffff, v18;
	v17 =	vshll.u32 v19, v1  }
0x381: {  	v18 =	vld [tilespmem:s1+$0x20];
	v17 =	vbroadcast v17, $0x0;
	_ =	sdelay $0x1  }
0x382: {  	v19 =	vadd.s32 v11, v17;
	_ =	sdelay $0x2  }
0x383: {  	v18 =	vmul.f32 $5.656854150e+00, v18;
	_ =	sdelay $0x1  }
0x384: {  	[tilespmem:v19+s8+$0x0] =	vst.idx.msk $0xffff, v18  }
0x385: {  	v18 =	vld [tilespmem:s1+$0x30];
	_ =	sdelay $0x1  }
0x386: {  	v17 =	vadd.s32 v12, v17;
	_ =	sdelay $0x1  }
0x387: {  	s26 =	sadd.s32 $0xFFFFFFFF, s0  }
0x388: {  	v19 =	vmov s26;
	v18 =	vmul.f32 $5.656854150e+00, v18  }
0x389: {  	v19 =	vshrl.u32 v19, $0x3  }
0x38a: {  	[tilespmem:v17+s8+$0x0] =	vst.idx.msk $0xffff, v18;
	v17 =	vshll.u32 v19, v1  }
0x38b: {  	v18 =	vld [tilespmem:s1+$0x40];
	v17 =	vbroadcast v17, $0x0;
	_ =	sdelay $0x1  }
0x38c: {  	v19 =	vadd.s32 v13, v17;
	_ =	sdelay $0x2  }
0x38d: {  	v18 =	vmul.f32 $5.656854150e+00, v18;
	_ =	sdelay $0x1  }
0x38e: {  	[tilespmem:v19+s8+$0x0] =	vst.idx.msk $0xffff, v18  }
0x38f: {  	v18 =	vld [tilespmem:s1+$0x50];
	_ =	sdelay $0x1  }
0x390: {  	v17 =	vadd.s32 v14, v17;
	_ =	sdelay $0x2  }
0x391: {  	v19 =	vmov s0;
	v18 =	vmul.f32 $5.656854150e+00, v18  }
0x392: {  	v19 =	vshrl.u32 v19, $0x3  }
0x393: {  	[tilespmem:v17+s8+$0x0] =	vst.idx.msk $0xffff, v18;
	v17 =	vshll.u32 v19, v1  }
0x394: {  	v18 =	vld [tilespmem:s1+$0x60];
	v17 =	vbroadcast v17, $0x0;
	_ =	sdelay $0x1  }
0x395: {  	v19 =	vadd.s32 v15, v17;
	_ =	sdelay $0x2  }
0x396: {  	v18 =	vmul.f32 $5.656854150e+00, v18;
	_ =	sdelay $0x1  }
0x397: {  	s9 =	smulhi.u32 $0x51EB851F, s24;
	[tilespmem:v19+s8+$0x0] =	vst.idx.msk $0xffff, v18  }
0x398: {  	v18 =	vld [tilespmem:s1+$0x70]  }
0x399: {  	s0 =	sshrl.u32 s9, $0x4  }
0x39a: {  	s12 =	smul.u32 $0x32, s0;
	v17 =	vadd.s32 v16, v17;
	_ =	sdelay $0x1  }
0x39b: {  	s1 =	ssub.s32 s24, s12  }
0x39c: {  	s0 =	sadd.s32 s6, s0;
	s1 =	sshll.u32 s1, $0x10;
	v18 =	vmul.f32 $5.656854150e+00, v18  }
0x39d: {  	s0 =	sshll.u32 s0, $0x7;
	s1 =	sadd.s32 s2, s1  }
0x39e: {  	s0 =	sadd.s32 s0, s1;
	[tilespmem:v17+s8+$0x0] =	vst.idx.msk $0xffff, v18  }
0x39f: {  	[hbm4b:s0+s3] =	stream.linear.scatter [tilespmem:s8], [sflag:$0x7], $0x80, $0x38;
	[tilespmem:$0xEC00] =	vst v63  }
0x3a0: {  	s24 =	simm.s32 $0xC890;
	s1 =	sadd.s32 $0x10, s0  }
0x3a1: {  	[hbm4b:s1+s3] =	stream.linear.scatter [tilespmem:s24], [sflag:$0x7], $0x80, $0x38;
	[tilespmem:$0xEC00] =	vst v63  }
0x3a2: {  	s26 =	simm.s32 $0xC920;
	s25 =	sadd.s32 $0x20, s0  }
0x3a3: {  	[hbm4b:s25+s3] =	stream.linear.scatter [tilespmem:s26], [sflag:$0x7], $0x80, $0x38;
	[tilespmem:$0xEC00] =	vst v63  }
0x3a4: {  	s12 =	sadd.s32 $0x30, s0;
	s24 =	simm.s32 $0xC9B0  }
0x3a5: {  	[hbm4b:s12+s3] =	stream.linear.scatter [tilespmem:s24], [sflag:$0x7], $0x80, $0x38;
	[tilespmem:$0xEC00] =	vst v63  }
0x3a6: {  	s25 =	sadd.s32 $0x40, s0;
	s26 =	simm.s32 $0xCA40  }
0x3a7: {  	[hbm4b:s25+s3] =	stream.linear.scatter [tilespmem:s26], [sflag:$0x7], $0x80, $0x38;
	[tilespmem:$0xEC00] =	vst v63  }
0x3a8: {  	s12 =	sadd.s32 $0x50, s0;
	s24 =	simm.s32 $0xCAD0  }
0x3a9: {  	[hbm4b:s12+s3] =	stream.linear.scatter [tilespmem:s24], [sflag:$0x7], $0x80, $0x38;
	[tilespmem:$0xEC00] =	vst v63  }
0x3aa: {  	s25 =	sadd.s32 $0x60, s0;
	s26 =	simm.s32 $0xCB60  }
0x3ab: {  	[hbm4b:s25+s3] =	stream.linear.scatter [tilespmem:s26], [sflag:$0x7], $0x80, $0x38;
	[tilespmem:$0xEC00] =	vst v63  }
0x3ac: {  	s12 =	sadd.s32 $0x70, s0;
	s24 =	simm.s32 $0xCBF0  }
0x3ad: {  	[hbm4b:s12+s3] =	stream.linear.scatter [tilespmem:s24], [sflag:$0x7], $0x80, $0x38;
	[tilespmem:$0xEC00] =	vst v63  }
0x3ae: {  	s25 =	sadd.s32 $0x4000, s0;
	s26 =	simm.s32 $0xCC80  }
0x3af: {  	[hbm4b:s25+s3] =	stream.linear.scatter [tilespmem:s26], [sflag:$0x7], $0x80, $0x38;
	[tilespmem:$0xEC00] =	vst v63  }
0x3b0: {  	s12 =	sadd.s32 $0x4010, s0;
	s24 =	simm.s32 $0xCD10  }
0x3b1: {  	[hbm4b:s12+s3] =	stream.linear.scatter [tilespmem:s24], [sflag:$0x7], $0x80, $0x38;
	[tilespmem:$0xEC00] =	vst v63  }
0x3b2: {  	s25 =	sadd.s32 $0x4020, s0;
	s26 =	simm.s32 $0xCDA0  }
0x3b3: {  	[hbm4b:s25+s3] =	stream.linear.scatter [tilespmem:s26], [sflag:$0x7], $0x80, $0x38;
	[tilespmem:$0xEC00] =	vst v63  }
0x3b4: {  	s12 =	sadd.s32 $0x4030, s0;
	s24 =	simm.s32 $0xCE30  }
0x3b5: {  	[hbm4b:s12+s3] =	stream.linear.scatter [tilespmem:s24], [sflag:$0x7], $0x80, $0x38;
	[tilespmem:$0xEC00] =	vst v63  }
0x3b6: {  	s25 =	sadd.s32 $0x4040, s0;
	s26 =	simm.s32 $0xCEC0  }
0x3b7: {  	[hbm4b:s25+s3] =	stream.linear.scatter [tilespmem:s26], [sflag:$0x7], $0x80, $0x38;
	[tilespmem:$0xEC00] =	vst v63  }
0x3b8: {  	s12 =	sadd.s32 $0x4050, s0;
	s24 =	simm.s32 $0xCF50  }
0x3b9: {  	[hbm4b:s12+s3] =	stream.linear.scatter [tilespmem:s24], [sflag:$0x7], $0x80, $0x38;
	[tilespmem:$0xEC00] =	vst v63  }
0x3ba: {  	s25 =	sadd.s32 $0x4060, s0;
	s26 =	simm.s32 $0xCFE0  }
0x3bb: {  	[hbm4b:s25+s3] =	stream.linear.scatter [tilespmem:s26], [sflag:$0x7], $0x80, $0x38;
	[tilespmem:$0xEC00] =	vst v63  }
0x3bc: {  	s12 =	sadd.s32 $0x4070, s0;
	s24 =	simm.s32 $0xD070  }
0x3bd: {  	[hbm4b:s12+s3] =	stream.linear.scatter [tilespmem:s24], [sflag:$0x7], $0x80, $0x38;
	[tilespmem:$0xEC00] =	vst v63  }
0x3be: {  	s25 =	sadd.s32 $0x8000, s0;
	s26 =	simm.s32 $0xD100  }
0x3bf: {  	[hbm4b:s25+s3] =	stream.linear.scatter [tilespmem:s26], [sflag:$0x7], $0x80, $0x38;
	[tilespmem:$0xEC00] =	vst v63  }
0x3c0: {  	s12 =	sadd.s32 $0x8010, s0;
	s24 =	simm.s32 $0xD190  }
0x3c1: {  	[hbm4b:s12+s3] =	stream.linear.scatter [tilespmem:s24], [sflag:$0x7], $0x80, $0x38;
	[tilespmem:$0xEC00] =	vst v63  }
0x3c2: {  	s25 =	sadd.s32 $0x8020, s0;
	s26 =	simm.s32 $0xD220  }
0x3c3: {  	[hbm4b:s25+s3] =	stream.linear.scatter [tilespmem:s26], [sflag:$0x7], $0x80, $0x38;
	[tilespmem:$0xEC00] =	vst v63  }
0x3c4: {  	s12 =	sadd.s32 $0x8030, s0;
	s24 =	simm.s32 $0xD2B0  }
0x3c5: {  	[hbm4b:s12+s3] =	stream.linear.scatter [tilespmem:s24], [sflag:$0x7], $0x80, $0x38;
	[tilespmem:$0xEC00] =	vst v63  }
0x3c6: {  	s25 =	sadd.s32 $0x8040, s0;
	s26 =	simm.s32 $0xD340  }
0x3c7: {  	[hbm4b:s25+s3] =	stream.linear.scatter [tilespmem:s26], [sflag:$0x7], $0x80, $0x38;
	[tilespmem:$0xEC00] =	vst v63  }
0x3c8: {  	s12 =	sadd.s32 $0x8050, s0;
	s24 =	simm.s32 $0xD3D0  }
0x3c9: {  	[hbm4b:s12+s3] =	stream.linear.scatter [tilespmem:s24], [sflag:$0x7], $0x80, $0x38;
	[tilespmem:$0xEC00] =	vst v63  }
0x3ca: {  	s25 =	sadd.s32 $0x8060, s0;
	s26 =	simm.s32 $0xD460  }
0x3cb: {  	[hbm4b:s25+s3] =	stream.linear.scatter [tilespmem:s26], [sflag:$0x7], $0x80, $0x38;
	[tilespmem:$0xEC00] =	vst v63  }
0x3cc: {  	s12 =	sadd.s32 $0x8070, s0;
	s24 =	simm.s32 $0xD4F0  }
0x3cd: {  	[hbm4b:s12+s3] =	stream.linear.scatter [tilespmem:s24], [sflag:$0x7], $0x80, $0x38;
	[tilespmem:$0xEC00] =	vst v63  }
0x3ce: {  	s25 =	sadd.s32 $0xC000, s0;
	s26 =	simm.s32 $0xD580  }
0x3cf: {  	[hbm4b:s25+s3] =	stream.linear.scatter [tilespmem:s26], [sflag:$0x7], $0x80, $0x38;
	[tilespmem:$0xEC00] =	vst v63  }
0x3d0: {  	s12 =	sadd.s32 $0xC010, s0;
	s24 =	simm.s32 $0xD610  }
0x3d1: {  	[hbm4b:s12+s3] =	stream.linear.scatter [tilespmem:s24], [sflag:$0x7], $0x80, $0x38;
	[tilespmem:$0xEC00] =	vst v63  }
0x3d2: {  	s25 =	sadd.s32 $0xC020, s0;
	s26 =	simm.s32 $0xD6A0  }
0x3d3: {  	[hbm4b:s25+s3] =	stream.linear.scatter [tilespmem:s26], [sflag:$0x7], $0x80, $0x38;
	[tilespmem:$0xEC00] =	vst v63  }
0x3d4: {  	s12 =	sadd.s32 $0xC030, s0;
	s24 =	simm.s32 $0xD730  }
0x3d5: {  	[hbm4b:s12+s3] =	stream.linear.scatter [tilespmem:s24], [sflag:$0x7], $0x80, $0x38;
	[tilespmem:$0xEC00] =	vst v63  }
0x3d6: {  	s25 =	sadd.s32 $0xC040, s0;
	s26 =	simm.s32 $0xD7C0  }
0x3d7: {  	[hbm4b:s25+s3] =	stream.linear.scatter [tilespmem:s26], [sflag:$0x7], $0x80, $0x38;
	[tilespmem:$0xEC00] =	vst v63  }
0x3d8: {  	s9 =	sadd.s32 $0xC050, s0;
	s1 =	sadd.s32 @!p1 $0x6, s23;
	s12 =	simm.s32 $0xD850  }
0x3d9: {  	[hbm4b:s9+s3] =	stream.linear.scatter [tilespmem:s12], [sflag:$0x7], $0x80, $0x38;
	[tilespmem:$0xEC00] =	vst v63  }
0x3da: {  	s24 =	sadd.s32 $0xC060, s0;
	s25 =	simm.s32 $0xD8E0;
	s12 =	smulhi.u32 @!p1 $0x51EB851F, s1  }
0x3db: {  	[hbm4b:s24+s3] =	stream.linear.scatter [tilespmem:s25], [sflag:$0x7], $0x80, $0x38;
	[tilespmem:$0xEC00] =	vst v63  }
0x3dc: {  	s9 =	sshrl.u32 @!p1 s12, $0x4  }
0x3dd: {  	s0 =	sadd.s32 $0xC070, s0;
	s26 =	simm.s32 $0xD970;
	s9 =	smul.u32 @!p1 $0x32, s9  }
0x3de: {  	[hbm4b:s0+s3] =	stream.linear.scatter [tilespmem:s26], [sflag:$0x7], $0x80, $0x38;
	[tilespmem:$0xEC00] =	vst v63  }
0x3df: {  	s0 =	ssub.s32 @!p1 s1, s9;
	s1 =	sshll.u32 @!p1 s12, $0x3  }
0x3e0: {  	s0 =	sshll.u32 @!p1 s0, $0x9;
	s1 =	sand.u32 @!p1 $0x3FFFFF80, s1  }
0x3e1: {  	s9 =	simm.s32 @!p1 $0x8400;
	s0 =	sadd.s32 @!p1 s1, s0;
	s1 =	simm.s32 @!p1 $0x80  }
0x3e2: {  	[tilespmem:s9], [sflag:$0x3] =	stream.indirect.gather @!p1 [hbm4b:s4+s1], $0x20, s0, s1, $0xb8;
	[tilespmem:$0xEC00] =	vst v63  }
0x3e3: {  	_ =	swait.ge [sflag:s30], $0x1000  }
0x3e4: {  	[sflag:s30] =	ssyncset.done $0x0  }
0x3e5: {  	s0 =	simm.s32 @!p0 $0x8;
	s9 =	simm.s32 $0x0;
	[sflag:s30] =	ssyncadd.s32 $0xFFFFF000  }
0x3e6: {  	v17 =	vmov s9;
	_ =	swait.ge @!p0 [sflag:s0], $0x1000  }
0x3e7: {  	v17 =	vshrl.u32 v17, $0x3;
	[sflag:s0] =	ssyncset.done @!p0 $0x0  }
0x3e8: {  	s25 =	simm.s32 $0x9480;
	v17 =	vshll.u32 v17, v1;
	[sflag:s0] =	ssyncadd.s32 @!p0 $0xFFFFF000  }
0x3e9: {  	v17 =	vbroadcast v17, $0x0;
	v18 =	vld [tilespmem:s25+$0xFFFFFF80];
	_ =	sdelay $0x1  }
0x3ea: {  	v19 =	vadd.s32 v0, v17;
	_ =	sdelay $0x2  }
0x3eb: {  	v18 =	vmul.f32 $5.656854150e+00, v18;
	_ =	sdelay $0x1  }
0x3ec: {  	[tilespmem:v19+s31+$0x0] =	vst.idx.msk $0xffff, v18  }
0x3ed: {  	v18 =	vld [tilespmem:s25+$0xFFFFFF90];
	_ =	sdelay $0x1  }
0x3ee: {  	v17 =	vadd.s32 v2, v17;
	_ =	sdelay $0x1  }
0x3ef: {  	s12 =	simm.s32 $0x1  }
0x3f0: {  	v19 =	vmov s12;
	v18 =	vmul.f32 $5.656854150e+00, v18  }
0x3f1: {  	v19 =	vshrl.u32 v19, $0x3  }
0x3f2: {  	[tilespmem:v17+s31+$0x0] =	vst.idx.msk $0xffff, v18;
	v17 =	vshll.u32 v19, v1  }
0x3f3: {  	v18 =	vld [tilespmem:s25+$0xFFFFFFA0];
	v17 =	vbroadcast v17, $0x0;
	_ =	sdelay $0x1  }
0x3f4: {  	v19 =	vadd.s32 v3, v17;
	_ =	sdelay $0x2  }
0x3f5: {  	v18 =	vmul.f32 $5.656854150e+00, v18;
	_ =	sdelay $0x1  }
0x3f6: {  	[tilespmem:v19+s31+$0x0] =	vst.idx.msk $0xffff, v18  }
0x3f7: {  	v18 =	vld [tilespmem:s25+$0xFFFFFFB0];
	_ =	sdelay $0x1  }
0x3f8: {  	v17 =	vadd.s32 v4, v17;
	_ =	sdelay $0x1  }
0x3f9: {  	s24 =	simm.s32 $0x2  }
0x3fa: {  	v19 =	vmov s24;
	v18 =	vmul.f32 $5.656854150e+00, v18  }
0x3fb: {  	v19 =	vshrl.u32 v19, $0x3  }
0x3fc: {  	[tilespmem:v17+s31+$0x0] =	vst.idx.msk $0xffff, v18;
	v17 =	vshll.u32 v19, v1  }
0x3fd: {  	v18 =	vld [tilespmem:s25+$0xFFFFFFC0];
	v17 =	vbroadcast v17, $0x0;
	_ =	sdelay $0x1  }
0x3fe: {  	v19 =	vadd.s32 v5, v17;
	_ =	sdelay $0x2  }
0x3ff: {  	v18 =	vmul.f32 $5.656854150e+00, v18;
	_ =	sdelay $0x1  }
0x400: {  	[tilespmem:v19+s31+$0x0] =	vst.idx.msk $0xffff, v18  }
0x401: {  	v18 =	vld [tilespmem:s25+$0xFFFFFFD0];
	_ =	sdelay $0x1  }
0x402: {  	v17 =	vadd.s32 v6, v17;
	_ =	sdelay $0x1  }
0x403: {  	s26 =	simm.s32 $0x3  }
0x404: {  	v19 =	vmov s26;
	v18 =	vmul.f32 $5.656854150e+00, v18  }
0x405: {  	v19 =	vshrl.u32 v19, $0x3  }
0x406: {  	[tilespmem:v17+s31+$0x0] =	vst.idx.msk $0xffff, v18;
	v17 =	vshll.u32 v19, v1  }
0x407: {  	v18 =	vld [tilespmem:s25+$0xFFFFFFE0];
	v17 =	vbroadcast v17, $0x0;
	_ =	sdelay $0x1  }
0x408: {  	v19 =	vadd.s32 v7, v17;
	_ =	sdelay $0x2  }
0x409: {  	v18 =	vmul.f32 $5.656854150e+00, v18;
	_ =	sdelay $0x1  }
0x40a: {  	[tilespmem:v19+s31+$0x0] =	vst.idx.msk $0xffff, v18  }
0x40b: {  	v18 =	vld [tilespmem:s25+$0xFFFFFFF0];
	_ =	sdelay $0x1  }
0x40c: {  	v17 =	vadd.s32 v8, v17;
	_ =	sdelay $0x1  }
0x40d: {  	s1 =	simm.s32 $0x4  }
0x40e: {  	v19 =	vmov s1;
	v18 =	vmul.f32 $5.656854150e+00, v18  }
0x40f: {  	v19 =	vshrl.u32 v19, $0x3  }
0x410: {  	[tilespmem:v17+s31+$0x0] =	vst.idx.msk $0xffff, v18;
	v17 =	vshll.u32 v19, v1  }
0x411: {  	v18 =	vld [tilespmem:s25+$0x0];
	v17 =	vbroadcast v17, $0x0;
	_ =	sdelay $0x1  }
0x412: {  	v19 =	vadd.s32 v9, v17;
	_ =	sdelay $0x2  }
0x413: {  	v18 =	vmul.f32 $5.656854150e+00, v18;
	_ =	sdelay $0x1  }
0x414: {  	[tilespmem:v19+s31+$0x0] =	vst.idx.msk $0xffff, v18  }
0x415: {  	v18 =	vld [tilespmem:s25+$0x10];
	_ =	sdelay $0x1  }
0x416: {  	v17 =	vadd.s32 v10, v17;
	_ =	sdelay $0x1  }
0x417: {  	s9 =	simm.s32 $0x5  }
0x418: {  	v19 =	vmov s9;
	v18 =	vmul.f32 $5.656854150e+00, v18  }
0x419: {  	v19 =	vshrl.u32 v19, $0x3  }
0x41a: {  	[tilespmem:v17+s31+$0x0] =	vst.idx.msk $0xffff, v18;
	v17 =	vshll.u32 v19, v1  }
0x41b: {  	v18 =	vld [tilespmem:s25+$0x20];
	v17 =	vbroadcast v17, $0x0;
	_ =	sdelay $0x1  }
0x41c: {  	v19 =	vadd.s32 v11, v17;
	_ =	sdelay $0x2  }
0x41d: {  	v18 =	vmul.f32 $5.656854150e+00, v18;
	_ =	sdelay $0x1  }
0x41e: {  	[tilespmem:v19+s31+$0x0] =	vst.idx.msk $0xffff, v18  }
0x41f: {  	v18 =	vld [tilespmem:s25+$0x30];
	_ =	sdelay $0x1  }
0x420: {  	v17 =	vadd.s32 v12, v17;
	_ =	sdelay $0x1  }
0x421: {  	s12 =	simm.s32 $0x6  }
0x422: {  	v19 =	vmov s12;
	v18 =	vmul.f32 $5.656854150e+00, v18  }
0x423: {  	v19 =	vshrl.u32 v19, $0x3  }
0x424: {  	[tilespmem:v17+s31+$0x0] =	vst.idx.msk $0xffff, v18;
	v17 =	vshll.u32 v19, v1  }
0x425: {  	v18 =	vld [tilespmem:s25+$0x40];
	v17 =	vbroadcast v17, $0x0;
	_ =	sdelay $0x1  }
0x426: {  	v19 =	vadd.s32 v13, v17;
	_ =	sdelay $0x2  }
0x427: {  	v18 =	vmul.f32 $5.656854150e+00, v18;
	_ =	sdelay $0x1  }
0x428: {  	[tilespmem:v19+s31+$0x0] =	vst.idx.msk $0xffff, v18  }
0x429: {  	v18 =	vld [tilespmem:s25+$0x50];
	_ =	sdelay $0x1  }
0x42a: {  	v17 =	vadd.s32 v14, v17;
	_ =	sdelay $0x1  }
0x42b: {  	s24 =	simm.s32 $0x7  }
0x42c: {  	v19 =	vmov s24;
	v18 =	vmul.f32 $5.656854150e+00, v18  }
0x42d: {  	v19 =	vshrl.u32 v19, $0x3  }
0x42e: {  	[tilespmem:v17+s31+$0x0] =	vst.idx.msk $0xffff, v18;
	v17 =	vshll.u32 v19, v1  }
0x42f: {  	v18 =	vld [tilespmem:s25+$0x60];
	v17 =	vbroadcast v17, $0x0;
	_ =	sdelay $0x1  }
0x430: {  	v19 =	vadd.s32 v15, v17;
	_ =	sdelay $0x2  }
0x431: {  	v18 =	vmul.f32 $5.656854150e+00, v18;
	_ =	sdelay $0x1  }
0x432: {  	[tilespmem:v19+s31+$0x0] =	vst.idx.msk $0xffff, v18  }
0x433: {  	v18 =	vld [tilespmem:s25+$0x70];
	_ =	sdelay $0x1  }
0x434: {  	v17 =	vadd.s32 v16, v17  }
0x435: {  	s26 =	simm.s32 $0x8  }
0x436: {  	v19 =	vmov s26  }
0x437: {  	s0 =	simm.s32 $0xF;
	s1 =	simm.s32 $0x17;
	s24 =	sor.u32 $0x3, s23;
	v19 =	vshrl.u32 v19, $0x3;
	v18 =	vmul.f32 $5.656854150e+00, v18  }
.LBB2_9:
0x438: {  	p0 =	sne.s32 s1, $0x7F  }
0x439: {  	v19 =	vshll.u32 v19, v1;
	[tilespmem:v17+s31+$0x0] =	vst.idx.msk $0xffff, v18;
	s25 =	sadd.s32 $0x100, s25;
	s9 =	smov.u32 s1;
	s1 =	sadd.s32 $0x8, s1  }
0x43a: {  	v17 =	vld [tilespmem:s25+$0xFFFFFF80];
	v18 =	vbroadcast v19, $0x0;
	_ =	sdelay $0x1  }
0x43b: {  	v19 =	vadd.s32 v0, v18;
	_ =	sdelay $0x2  }
0x43c: {  	v17 =	vmul.f32 $5.656854150e+00, v17;
	_ =	sdelay $0x1  }
0x43d: {  	[tilespmem:v19+s31+$0x0] =	vst.idx.msk $0xffff, v17  }
0x43e: {  	v17 =	vld [tilespmem:s25+$0xFFFFFF90];
	_ =	sdelay $0x1  }
0x43f: {  	v18 =	vadd.s32 v2, v18;
	_ =	sdelay $0x1  }
0x440: {  	s12 =	sadd.s32 $0xFFFFFFFA, s0  }
0x441: {  	v19 =	vmov s12;
	v17 =	vmul.f32 $5.656854150e+00, v17  }
0x442: {  	v19 =	vshrl.u32 v19, $0x3  }
0x443: {  	[tilespmem:v18+s31+$0x0] =	vst.idx.msk $0xffff, v17;
	v17 =	vshll.u32 v19, v1  }
0x444: {  	v18 =	vld [tilespmem:s25+$0xFFFFFFA0];
	v17 =	vbroadcast v17, $0x0;
	_ =	sdelay $0x1  }
0x445: {  	v19 =	vadd.s32 v3, v17;
	_ =	sdelay $0x2  }
0x446: {  	v18 =	vmul.f32 $5.656854150e+00, v18;
	_ =	sdelay $0x1  }
0x447: {  	[tilespmem:v19+s31+$0x0] =	vst.idx.msk $0xffff, v18  }
0x448: {  	v18 =	vld [tilespmem:s25+$0xFFFFFFB0];
	_ =	sdelay $0x1  }
0x449: {  	v17 =	vadd.s32 v4, v17;
	_ =	sdelay $0x1  }
0x44a: {  	s12 =	sadd.s32 $0xFFFFFFFB, s0  }
0x44b: {  	v19 =	vmov s12;
	v18 =	vmul.f32 $5.656854150e+00, v18  }
0x44c: {  	v19 =	vshrl.u32 v19, $0x3  }
0x44d: {  	[tilespmem:v17+s31+$0x0] =	vst.idx.msk $0xffff, v18;
	v17 =	vshll.u32 v19, v1  }
0x44e: {  	v18 =	vld [tilespmem:s25+$0xFFFFFFC0];
	v17 =	vbroadcast v17, $0x0;
	_ =	sdelay $0x1  }
0x44f: {  	v19 =	vadd.s32 v5, v17;
	_ =	sdelay $0x2  }
0x450: {  	v18 =	vmul.f32 $5.656854150e+00, v18;
	_ =	sdelay $0x1  }
0x451: {  	[tilespmem:v19+s31+$0x0] =	vst.idx.msk $0xffff, v18  }
0x452: {  	v18 =	vld [tilespmem:s25+$0xFFFFFFD0];
	_ =	sdelay $0x1  }
0x453: {  	v17 =	vadd.s32 v6, v17;
	_ =	sdelay $0x1  }
0x454: {  	s12 =	sadd.s32 $0xFFFFFFFC, s0  }
0x455: {  	v19 =	vmov s12;
	v18 =	vmul.f32 $5.656854150e+00, v18  }
0x456: {  	v19 =	vshrl.u32 v19, $0x3  }
0x457: {  	[tilespmem:v17+s31+$0x0] =	vst.idx.msk $0xffff, v18;
	v17 =	vshll.u32 v19, v1  }
0x458: {  	v18 =	vld [tilespmem:s25+$0xFFFFFFE0];
	v17 =	vbroadcast v17, $0x0;
	_ =	sdelay $0x1  }
0x459: {  	v19 =	vadd.s32 v7, v17;
	_ =	sdelay $0x2  }
0x45a: {  	v18 =	vmul.f32 $5.656854150e+00, v18;
	_ =	sdelay $0x1  }
0x45b: {  	[tilespmem:v19+s31+$0x0] =	vst.idx.msk $0xffff, v18  }
0x45c: {  	v18 =	vld [tilespmem:s25+$0xFFFFFFF0];
	_ =	sdelay $0x1  }
0x45d: {  	v17 =	vadd.s32 v8, v17;
	_ =	sdelay $0x1  }
0x45e: {  	s12 =	sadd.s32 $0xFFFFFFFD, s0  }
0x45f: {  	v19 =	vmov s12;
	v18 =	vmul.f32 $5.656854150e+00, v18  }
0x460: {  	v19 =	vshrl.u32 v19, $0x3  }
0x461: {  	[tilespmem:v17+s31+$0x0] =	vst.idx.msk $0xffff, v18;
	v17 =	vshll.u32 v19, v1  }
0x462: {  	v18 =	vld [tilespmem:s25+$0x0];
	v17 =	vbroadcast v17, $0x0;
	_ =	sdelay $0x1  }
0x463: {  	v19 =	vadd.s32 v9, v17;
	_ =	sdelay $0x2  }
0x464: {  	v18 =	vmul.f32 $5.656854150e+00, v18;
	_ =	sdelay $0x1  }
0x465: {  	[tilespmem:v19+s31+$0x0] =	vst.idx.msk $0xffff, v18  }
0x466: {  	v18 =	vld [tilespmem:s25+$0x10];
	_ =	sdelay $0x1  }
0x467: {  	v17 =	vadd.s32 v10, v17;
	_ =	sdelay $0x1  }
0x468: {  	s12 =	sadd.s32 $0xFFFFFFFE, s0  }
0x469: {  	v19 =	vmov s12;
	v18 =	vmul.f32 $5.656854150e+00, v18  }
0x46a: {  	v19 =	vshrl.u32 v19, $0x3  }
0x46b: {  	[tilespmem:v17+s31+$0x0] =	vst.idx.msk $0xffff, v18;
	v17 =	vshll.u32 v19, v1  }
0x46c: {  	v18 =	vld [tilespmem:s25+$0x20];
	v17 =	vbroadcast v17, $0x0;
	_ =	sdelay $0x1  }
0x46d: {  	v19 =	vadd.s32 v11, v17;
	_ =	sdelay $0x2  }
0x46e: {  	v18 =	vmul.f32 $5.656854150e+00, v18;
	_ =	sdelay $0x1  }
0x46f: {  	[tilespmem:v19+s31+$0x0] =	vst.idx.msk $0xffff, v18  }
0x470: {  	v18 =	vld [tilespmem:s25+$0x30];
	_ =	sdelay $0x1  }
0x471: {  	v17 =	vadd.s32 v12, v17;
	_ =	sdelay $0x1  }
0x472: {  	s12 =	sadd.s32 $0xFFFFFFFF, s0  }
0x473: {  	v19 =	vmov s12;
	v18 =	vmul.f32 $5.656854150e+00, v18  }
0x474: {  	v19 =	vshrl.u32 v19, $0x3  }
0x475: {  	[tilespmem:v17+s31+$0x0] =	vst.idx.msk $0xffff, v18;
	v17 =	vshll.u32 v19, v1  }
0x476: {  	v18 =	vld [tilespmem:s25+$0x40];
	v17 =	vbroadcast v17, $0x0;
	_ =	sdelay $0x1  }
0x477: {  	v19 =	vadd.s32 v13, v17;
	_ =	sdelay $0x2  }
0x478: {  	v18 =	vmul.f32 $5.656854150e+00, v18;
	_ =	sdelay $0x1  }
0x479: {  	[tilespmem:v19+s31+$0x0] =	vst.idx.msk $0xffff, v18  }
0x47a: {  	v18 =	vld [tilespmem:s25+$0x50];
	_ =	sdelay $0x1  }
0x47b: {  	v17 =	vadd.s32 v14, v17;
	_ =	sdelay $0x2  }
0x47c: {  	v19 =	vmov s0;
	s0 =	smov.u32 s9;
	v18 =	vmul.f32 $5.656854150e+00, v18  }
0x47d: {  	v19 =	vshrl.u32 v19, $0x3  }
0x47e: {  	[tilespmem:v17+s31+$0x0] =	vst.idx.msk $0xffff, v18;
	v17 =	vshll.u32 v19, v1  }
0x47f: {  	v18 =	vld [tilespmem:s25+$0x60];
	v17 =	vbroadcast v17, $0x0;
	_ =	sdelay $0x1  }
0x480: {  	v19 =	vadd.s32 v15, v17;
	_ =	sdelay $0x2  }
0x481: {  	v18 =	vmul.f32 $5.656854150e+00, v18;
	_ =	sdelay $0x1  }
0x482: {  	[tilespmem:v19+s31+$0x0] =	vst.idx.msk $0xffff, v18  }
0x483: {  	v18 =	vld [tilespmem:s25+$0x70];
	_ =	sdelay $0x1  }
.Ltmp5:
0x484: {  	v17 =	vadd.s32 v16, v17;
	(pc) =	sbr.rel @p0 .LBB2_9-.Ltmp5, $4  }
0x485: {  	_ = 	snop  }
0x486: {  	s9 =	sadd.s32 $0xFFFFFFF9, s0  }
0x487: {  	v19 =	vmov s9;
	v18 =	vmul.f32 $5.656854150e+00, v18  }
0x488: {  	v19 =	vshrl.u32 v19, $0x3  }
0x489: {  	_ =	sdelay $0x3  }
0x48a: {  	v19 =	vshll.u32 v19, v1;
	[tilespmem:v17+s31+$0x0] =	vst.idx.msk $0xffff, v18;
	s1 =	sadd.s32 $0x100, s25  }
0x48b: {  	v17 =	vld [tilespmem:s1+$0xFFFFFF80];
	v18 =	vbroadcast v19, $0x0;
	_ =	sdelay $0x1  }
0x48c: {  	v19 =	vadd.s32 v0, v18;
	_ =	sdelay $0x2  }
0x48d: {  	v17 =	vmul.f32 $5.656854150e+00, v17;
	_ =	sdelay $0x1  }
0x48e: {  	[tilespmem:v19+s31+$0x0] =	vst.idx.msk $0xffff, v17  }
0x48f: {  	v17 =	vld [tilespmem:s1+$0xFFFFFF90];
	_ =	sdelay $0x1  }
0x490: {  	v18 =	vadd.s32 v2, v18;
	_ =	sdelay $0x1  }
0x491: {  	s9 =	sadd.s32 $0xFFFFFFFA, s0  }
0x492: {  	v19 =	vmov s9;
	v17 =	vmul.f32 $5.656854150e+00, v17  }
0x493: {  	v19 =	vshrl.u32 v19, $0x3  }
0x494: {  	[tilespmem:v18+s31+$0x0] =	vst.idx.msk $0xffff, v17;
	v17 =	vshll.u32 v19, v1  }
0x495: {  	v18 =	vld [tilespmem:s1+$0xFFFFFFA0];
	v17 =	vbroadcast v17, $0x0;
	_ =	sdelay $0x1  }
0x496: {  	v19 =	vadd.s32 v3, v17;
	_ =	sdelay $0x2  }
0x497: {  	v18 =	vmul.f32 $5.656854150e+00, v18;
	_ =	sdelay $0x1  }
0x498: {  	[tilespmem:v19+s31+$0x0] =	vst.idx.msk $0xffff, v18  }
0x499: {  	v18 =	vld [tilespmem:s1+$0xFFFFFFB0];
	_ =	sdelay $0x1  }
0x49a: {  	v17 =	vadd.s32 v4, v17;
	_ =	sdelay $0x1  }
0x49b: {  	s25 =	sadd.s32 $0xFFFFFFFB, s0  }
0x49c: {  	v19 =	vmov s25;
	v18 =	vmul.f32 $5.656854150e+00, v18  }
0x49d: {  	v19 =	vshrl.u32 v19, $0x3  }
0x49e: {  	[tilespmem:v17+s31+$0x0] =	vst.idx.msk $0xffff, v18;
	v17 =	vshll.u32 v19, v1  }
0x49f: {  	v18 =	vld [tilespmem:s1+$0xFFFFFFC0];
	v17 =	vbroadcast v17, $0x0;
	_ =	sdelay $0x1  }
0x4a0: {  	v19 =	vadd.s32 v5, v17;
	_ =	sdelay $0x2  }
0x4a1: {  	v18 =	vmul.f32 $5.656854150e+00, v18;
	_ =	sdelay $0x1  }
0x4a2: {  	[tilespmem:v19+s31+$0x0] =	vst.idx.msk $0xffff, v18  }
0x4a3: {  	v18 =	vld [tilespmem:s1+$0xFFFFFFD0];
	_ =	sdelay $0x1  }
0x4a4: {  	v17 =	vadd.s32 v6, v17;
	_ =	sdelay $0x1  }
0x4a5: {  	s26 =	sadd.s32 $0xFFFFFFFC, s0  }
0x4a6: {  	v19 =	vmov s26;
	v18 =	vmul.f32 $5.656854150e+00, v18  }
0x4a7: {  	v19 =	vshrl.u32 v19, $0x3  }
0x4a8: {  	[tilespmem:v17+s31+$0x0] =	vst.idx.msk $0xffff, v18;
	v17 =	vshll.u32 v19, v1  }
0x4a9: {  	v18 =	vld [tilespmem:s1+$0xFFFFFFE0];
	v17 =	vbroadcast v17, $0x0;
	_ =	sdelay $0x1  }
0x4aa: {  	v19 =	vadd.s32 v7, v17;
	_ =	sdelay $0x2  }
0x4ab: {  	v18 =	vmul.f32 $5.656854150e+00, v18;
	_ =	sdelay $0x1  }
0x4ac: {  	[tilespmem:v19+s31+$0x0] =	vst.idx.msk $0xffff, v18  }
0x4ad: {  	v18 =	vld [tilespmem:s1+$0xFFFFFFF0];
	_ =	sdelay $0x1  }
0x4ae: {  	v17 =	vadd.s32 v8, v17;
	_ =	sdelay $0x1  }
0x4af: {  	s12 =	sadd.s32 $0xFFFFFFFD, s0  }
0x4b0: {  	v19 =	vmov s12;
	v18 =	vmul.f32 $5.656854150e+00, v18  }
0x4b1: {  	v19 =	vshrl.u32 v19, $0x3  }
0x4b2: {  	[tilespmem:v17+s31+$0x0] =	vst.idx.msk $0xffff, v18;
	v17 =	vshll.u32 v19, v1  }
0x4b3: {  	v18 =	vld [tilespmem:s1+$0x0];
	v17 =	vbroadcast v17, $0x0;
	_ =	sdelay $0x1  }
0x4b4: {  	v19 =	vadd.s32 v9, v17;
	_ =	sdelay $0x2  }
0x4b5: {  	v18 =	vmul.f32 $5.656854150e+00, v18;
	_ =	sdelay $0x1  }
0x4b6: {  	[tilespmem:v19+s31+$0x0] =	vst.idx.msk $0xffff, v18  }
0x4b7: {  	v18 =	vld [tilespmem:s1+$0x10];
	_ =	sdelay $0x1  }
0x4b8: {  	v17 =	vadd.s32 v10, v17;
	_ =	sdelay $0x1  }
0x4b9: {  	s25 =	sadd.s32 $0xFFFFFFFE, s0  }
0x4ba: {  	v19 =	vmov s25;
	v18 =	vmul.f32 $5.656854150e+00, v18  }
0x4bb: {  	v19 =	vshrl.u32 v19, $0x3  }
0x4bc: {  	[tilespmem:v17+s31+$0x0] =	vst.idx.msk $0xffff, v18;
	v17 =	vshll.u32 v19, v1  }
0x4bd: {  	v18 =	vld [tilespmem:s1+$0x20];
	v17 =	vbroadcast v17, $0x0;
	_ =	sdelay $0x1  }
0x4be: {  	v19 =	vadd.s32 v11, v17;
	_ =	sdelay $0x2  }
0x4bf: {  	v18 =	vmul.f32 $5.656854150e+00, v18;
	_ =	sdelay $0x1  }
0x4c0: {  	[tilespmem:v19+s31+$0x0] =	vst.idx.msk $0xffff, v18  }
0x4c1: {  	v18 =	vld [tilespmem:s1+$0x30];
	_ =	sdelay $0x1  }
0x4c2: {  	v17 =	vadd.s32 v12, v17;
	_ =	sdelay $0x1  }
0x4c3: {  	s26 =	sadd.s32 $0xFFFFFFFF, s0  }
0x4c4: {  	v19 =	vmov s26;
	v18 =	vmul.f32 $5.656854150e+00, v18  }
0x4c5: {  	v19 =	vshrl.u32 v19, $0x3  }
0x4c6: {  	[tilespmem:v17+s31+$0x0] =	vst.idx.msk $0xffff, v18;
	v17 =	vshll.u32 v19, v1  }
0x4c7: {  	v18 =	vld [tilespmem:s1+$0x40];
	v17 =	vbroadcast v17, $0x0;
	_ =	sdelay $0x1  }
0x4c8: {  	v19 =	vadd.s32 v13, v17;
	_ =	sdelay $0x2  }
0x4c9: {  	v18 =	vmul.f32 $5.656854150e+00, v18;
	_ =	sdelay $0x1  }
0x4ca: {  	[tilespmem:v19+s31+$0x0] =	vst.idx.msk $0xffff, v18  }
0x4cb: {  	v18 =	vld [tilespmem:s1+$0x50];
	_ =	sdelay $0x1  }
0x4cc: {  	v17 =	vadd.s32 v14, v17;
	_ =	sdelay $0x2  }
0x4cd: {  	v19 =	vmov s0;
	v18 =	vmul.f32 $5.656854150e+00, v18  }
0x4ce: {  	v19 =	vshrl.u32 v19, $0x3  }
0x4cf: {  	[tilespmem:v17+s31+$0x0] =	vst.idx.msk $0xffff, v18;
	v17 =	vshll.u32 v19, v1  }
0x4d0: {  	v18 =	vld [tilespmem:s1+$0x60];
	v17 =	vbroadcast v17, $0x0;
	_ =	sdelay $0x1  }
0x4d1: {  	v19 =	vadd.s32 v15, v17;
	_ =	sdelay $0x2  }
0x4d2: {  	v18 =	vmul.f32 $5.656854150e+00, v18;
	_ =	sdelay $0x1  }
0x4d3: {  	s12 =	smulhi.u32 $0x51EB851F, s24;
	[tilespmem:v19+s31+$0x0] =	vst.idx.msk $0xffff, v18  }
0x4d4: {  	v18 =	vld [tilespmem:s1+$0x70]  }
0x4d5: {  	s0 =	sshrl.u32 s12, $0x4  }
0x4d6: {  	s25 =	smul.u32 $0x32, s0;
	v17 =	vadd.s32 v16, v17;
	_ =	sdelay $0x1  }
0x4d7: {  	s1 =	ssub.s32 s24, s25  }
0x4d8: {  	s0 =	sadd.s32 s6, s0;
	s1 =	sshll.u32 s1, $0x10;
	v18 =	vmul.f32 $5.656854150e+00, v18  }
0x4d9: {  	s0 =	sshll.u32 s0, $0x7;
	s1 =	sadd.s32 s2, s1  }
0x4da: {  	s0 =	sadd.s32 s0, s1;
	[tilespmem:v17+s31+$0x0] =	vst.idx.msk $0xffff, v18  }
0x4db: {  	[hbm4b:s0+s3] =	stream.linear.scatter [tilespmem:s31], [sflag:$0x8], $0x80, $0x38;
	[tilespmem:$0xEC00] =	vst v63  }
0x4dc: {  	s26 =	simm.s32 $0xDA90;
	s1 =	sadd.s32 $0x10, s0  }
0x4dd: {  	[hbm4b:s1+s3] =	stream.linear.scatter [tilespmem:s26], [sflag:$0x8], $0x80, $0x38;
	[tilespmem:$0xEC00] =	vst v63  }
0x4de: {  	s24 =	simm.s32 $0xDB20;
	s12 =	sadd.s32 $0x20, s0  }
0x4df: {  	[hbm4b:s12+s3] =	stream.linear.scatter [tilespmem:s24], [sflag:$0x8], $0x80, $0x38;
	[tilespmem:$0xEC00] =	vst v63  }
0x4e0: {  	s25 =	sadd.s32 $0x30, s0;
	s26 =	simm.s32 $0xDBB0  }
0x4e1: {  	[hbm4b:s25+s3] =	stream.linear.scatter [tilespmem:s26], [sflag:$0x8], $0x80, $0x38;
	[tilespmem:$0xEC00] =	vst v63  }
0x4e2: {  	s12 =	sadd.s32 $0x40, s0;
	s24 =	simm.s32 $0xDC40  }
0x4e3: {  	[hbm4b:s12+s3] =	stream.linear.scatter [tilespmem:s24], [sflag:$0x8], $0x80, $0x38;
	[tilespmem:$0xEC00] =	vst v63  }
0x4e4: {  	s25 =	sadd.s32 $0x50, s0;
	s26 =	simm.s32 $0xDCD0  }
0x4e5: {  	[hbm4b:s25+s3] =	stream.linear.scatter [tilespmem:s26], [sflag:$0x8], $0x80, $0x38;
	[tilespmem:$0xEC00] =	vst v63  }
0x4e6: {  	s12 =	sadd.s32 $0x60, s0;
	s24 =	simm.s32 $0xDD60  }
0x4e7: {  	[hbm4b:s12+s3] =	stream.linear.scatter [tilespmem:s24], [sflag:$0x8], $0x80, $0x38;
	[tilespmem:$0xEC00] =	vst v63  }
0x4e8: {  	s25 =	sadd.s32 $0x70, s0;
	s26 =	simm.s32 $0xDDF0  }
0x4e9: {  	[hbm4b:s25+s3] =	stream.linear.scatter [tilespmem:s26], [sflag:$0x8], $0x80, $0x38;
	[tilespmem:$0xEC00] =	vst v63  }
0x4ea: {  	s12 =	sadd.s32 $0x4000, s0;
	s24 =	simm.s32 $0xDE80  }
0x4eb: {  	[hbm4b:s12+s3] =	stream.linear.scatter [tilespmem:s24], [sflag:$0x8], $0x80, $0x38;
	[tilespmem:$0xEC00] =	vst v63  }
0x4ec: {  	s25 =	sadd.s32 $0x4010, s0;
	s26 =	simm.s32 $0xDF10  }
0x4ed: {  	[hbm4b:s25+s3] =	stream.linear.scatter [tilespmem:s26], [sflag:$0x8], $0x80, $0x38;
	[tilespmem:$0xEC00] =	vst v63  }
0x4ee: {  	s12 =	sadd.s32 $0x4020, s0;
	s24 =	simm.s32 $0xDFA0  }
0x4ef: {  	[hbm4b:s12+s3] =	stream.linear.scatter [tilespmem:s24], [sflag:$0x8], $0x80, $0x38;
	[tilespmem:$0xEC00] =	vst v63  }
0x4f0: {  	s25 =	sadd.s32 $0x4030, s0;
	s26 =	simm.s32 $0xE030  }
0x4f1: {  	[hbm4b:s25+s3] =	stream.linear.scatter [tilespmem:s26], [sflag:$0x8], $0x80, $0x38;
	[tilespmem:$0xEC00] =	vst v63  }
0x4f2: {  	s12 =	sadd.s32 $0x4040, s0;
	s24 =	simm.s32 $0xE0C0  }
0x4f3: {  	[hbm4b:s12+s3] =	stream.linear.scatter [tilespmem:s24], [sflag:$0x8], $0x80, $0x38;
	[tilespmem:$0xEC00] =	vst v63  }
0x4f4: {  	s25 =	sadd.s32 $0x4050, s0;
	s26 =	simm.s32 $0xE150  }
0x4f5: {  	[hbm4b:s25+s3] =	stream.linear.scatter [tilespmem:s26], [sflag:$0x8], $0x80, $0x38;
	[tilespmem:$0xEC00] =	vst v63  }
0x4f6: {  	s12 =	sadd.s32 $0x4060, s0;
	s24 =	simm.s32 $0xE1E0  }
0x4f7: {  	[hbm4b:s12+s3] =	stream.linear.scatter [tilespmem:s24], [sflag:$0x8], $0x80, $0x38;
	[tilespmem:$0xEC00] =	vst v63  }
0x4f8: {  	s25 =	sadd.s32 $0x4070, s0;
	s26 =	simm.s32 $0xE270  }
0x4f9: {  	[hbm4b:s25+s3] =	stream.linear.scatter [tilespmem:s26], [sflag:$0x8], $0x80, $0x38;
	[tilespmem:$0xEC00] =	vst v63  }
0x4fa: {  	s12 =	sadd.s32 $0x8000, s0;
	s24 =	simm.s32 $0xE300  }
0x4fb: {  	[hbm4b:s12+s3] =	stream.linear.scatter [tilespmem:s24], [sflag:$0x8], $0x80, $0x38;
	[tilespmem:$0xEC00] =	vst v63  }
0x4fc: {  	s25 =	sadd.s32 $0x8010, s0;
	s26 =	simm.s32 $0xE390  }
0x4fd: {  	[hbm4b:s25+s3] =	stream.linear.scatter [tilespmem:s26], [sflag:$0x8], $0x80, $0x38;
	[tilespmem:$0xEC00] =	vst v63  }
0x4fe: {  	s12 =	sadd.s32 $0x8020, s0;
	s24 =	simm.s32 $0xE420  }
0x4ff: {  	[hbm4b:s12+s3] =	stream.linear.scatter [tilespmem:s24], [sflag:$0x8], $0x80, $0x38;
	[tilespmem:$0xEC00] =	vst v63  }
0x500: {  	s25 =	sadd.s32 $0x8030, s0;
	s26 =	simm.s32 $0xE4B0  }
0x501: {  	[hbm4b:s25+s3] =	stream.linear.scatter [tilespmem:s26], [sflag:$0x8], $0x80, $0x38;
	[tilespmem:$0xEC00] =	vst v63  }
0x502: {  	s12 =	sadd.s32 $0x8040, s0;
	s24 =	simm.s32 $0xE540  }
0x503: {  	[hbm4b:s12+s3] =	stream.linear.scatter [tilespmem:s24], [sflag:$0x8], $0x80, $0x38;
	[tilespmem:$0xEC00] =	vst v63  }
0x504: {  	s25 =	sadd.s32 $0x8050, s0;
	s26 =	simm.s32 $0xE5D0  }
0x505: {  	[hbm4b:s25+s3] =	stream.linear.scatter [tilespmem:s26], [sflag:$0x8], $0x80, $0x38;
	[tilespmem:$0xEC00] =	vst v63  }
0x506: {  	s9 =	sadd.s32 $0x8060, s0;
	s12 =	simm.s32 $0xE660  }
0x507: {  	[hbm4b:s9+s3] =	stream.linear.scatter [tilespmem:s12], [sflag:$0x8], $0x80, $0x38;
	[tilespmem:$0xEC00] =	vst v63  }
0x508: {  	s24 =	sadd.s32 $0x8070, s0  }
0x509: {  	[hbm4b:s24+s3] =	stream.linear.scatter [tilespmem:s13], [sflag:$0x8], $0x80, $0x38;
	[tilespmem:$0xEC00] =	vst v63  }
0x50a: {  	s25 =	sadd.s32 $0xC000, s0  }
0x50b: {  	[hbm4b:s25+s3] =	stream.linear.scatter [tilespmem:s14], [sflag:$0x8], $0x80, $0x38;
	[tilespmem:$0xEC00] =	vst v63  }
0x50c: {  	s26 =	sadd.s32 $0xC010, s0  }
0x50d: {  	[hbm4b:s26+s3] =	stream.linear.scatter [tilespmem:s15], [sflag:$0x8], $0x80, $0x38;
	[tilespmem:$0xEC00] =	vst v63  }
0x50e: {  	s9 =	sadd.s32 $0xC020, s0  }
0x50f: {  	[hbm4b:s9+s3] =	stream.linear.scatter [tilespmem:s5], [sflag:$0x8], $0x80, $0x38;
	[tilespmem:$0xEC00] =	vst v63  }
0x510: {  	s12 =	sadd.s32 $0xC030, s0  }
0x511: {  	[hbm4b:s12+s3] =	stream.linear.scatter [tilespmem:s7], [sflag:$0x8], $0x80, $0x38;
	[tilespmem:$0xEC00] =	vst v63  }
0x512: {  	s24 =	sadd.s32 $0xC040, s0  }
0x513: {  	[hbm4b:s24+s3] =	stream.linear.scatter [tilespmem:s10], [sflag:$0x8], $0x80, $0x38;
	[tilespmem:$0xEC00] =	vst v63  }
0x514: {  	s25 =	sadd.s32 $0xC050, s0  }
0x515: {  	[hbm4b:s25+s3] =	stream.linear.scatter [tilespmem:s17], [sflag:$0x8], $0x80, $0x38;
	[tilespmem:$0xEC00] =	vst v63  }
.Ltmp6:
0x516: {  	_ = 	snop;
	(pc) =	sbr.rel @p1 .LBB2_12-.Ltmp6, $4  }
0x517: {  	s26 =	sadd.s32 $0xC060, s0  }
0x518: {  	[hbm4b:s26+s3] =	stream.linear.scatter [tilespmem:s20], [sflag:$0x8], $0x80, $0x38;
	[tilespmem:$0xEC00] =	vst v63  }
0x519: {  	s0 =	sadd.s32 $0xC070, s0  }
0x51a: {  	[hbm4b:s0+s3] =	stream.linear.scatter [tilespmem:s21], [sflag:$0x8], $0x80, $0x38;
	[tilespmem:$0xEC00] =	vst v63  }
0x51b: {  	s0 =	sadd.s32 $0x7, s23  }
0x51c: {  	s1 =	smulhi.u32 $0x51EB851F, s0;
	_ =	sdelay $0x1  }
0x51d: {  	s9 =	sshrl.u32 s1, $0x4  }
0x51e: {  	s9 =	smul.u32 $0x32, s9  }
.Ltmp7:
0x51f: {  	_ = 	snop;
	(pc) =	sbr.rel .LBB2_2-.Ltmp7, $4  }
0x520: {  	s1 =	sshll.u32 s1, $0x3;
	s0 =	ssub.s32 s0, s9  }
0x521: {  	s1 =	sand.u32 $0x3FFFFF80, s1;
	s0 =	sshll.u32 s0, $0x9  }
0x522: {  	s26 =	simm.s32 $0x9400;
	s22 =	sadd.s32 $0x1, s22;
	s0 =	sadd.s32 s1, s0  }
0x523: {  	[tilespmem:s26], [sflag:$0x4] =	stream.indirect.gather [hbm4b:s4+s11], $0x20, s0, s11, $0xb8;
	[tilespmem:$0xEC00] =	vst v63  }
.LBB2_13:
0x524: {  	_ =	sfence.sel $0x180000  }
0x525: {  	[bflag:$0x0] =	sbarrier.arrive $0xFFFF  }
0x526: {  	_ =	strace $0x90000047  }
0x527: {  	s0 =	stileid.u32;
	[bflag:$0x2] =	sbarrier.arrive $0xFFFF  }
0x528: {  	p0 =	sne.s32 s0, $0x0;
	s0 =	rddreg [dreg:$0x2]  }
0x529: {  	s0 =	sadd.s32 @!p0 $0x100000, s0  }
0x52a: {  	[sflag:s0] =	ssyncadd.tile.s32 @!p0 $0x1;
	_ =	shalt  }
.Lfunc_end2:
_tile_overlayer_lowered:
.L_overlay_start_2:
0x52b: {  	(tag) =	ssettag $0x2  }
0x52c: {  	s0 =	rddreg [dreg:$0x0];
	s2 =	stileid.u32  }
0x52d: {  	s1 =	rddreg [dreg:$0x1];
	p0 =	sne.s32 s2, $0x0  }
0x52e: {  	s3 =	rddreg [dreg:$0x2];
	[bflag:$0x3] =	sbarrier.arrive $0xFFFF;
	s2 =	simm.s32 @!p0 $0x1C09  }
0x52f: {  	[timem:s3], [sflag:s2] =	dma.local @!p0 [hbm:s0], s1  }
0x530: {  	s0 =	simm.s32 @!p0 $0x9  }
0x531: {  	_ =	swait.ge @!p0 [sflag:s0], s1  }
0x532: {  	s1 =	ssub.s32 @!p0 $0x0, s1;
	[sflag:s0] =	ssyncset.done @!p0 $0x0  }
0x533: {  	[sflag:s0] =	ssyncadd.s32 @!p0 s1  }
0x534: {  	[bflag:$0x3] =	sbarrier.arrive $0xFFFF  }
0x535: {  	_ =	shalt  }

</sc_bundles>
